<compile_context>
chip_gen: v7x
topology: tpu7x:2x2x1
jax: 0.10.2.dev20260603
libtpu: 0.0.44.dev20260713+nightly
codegen_flags: <defaults>
</compile_context>

<pallas_src>
import functools

import jax
import jax.numpy as jnp
from jax import lax
from jax.experimental import pallas as pl
from jax.experimental.pallas import tpu as pltpu
from jax.experimental.pallas import tpu_sc as plsc

_BN = 4096


def _dense_body(pa_ref, pb_ref, x_ref, wl_ref, wr_ref, bl_ref,
                W1_ref, b1_ref, W2_ref, b2_ref, o_ref):
    p = pa_ref[...] + pb_ref[...]
    d = jnp.maximum(p[0:1, :] + p[1:2, :], 1.0)
    hT = wl_ref[...] * d + wr_ref[...] * x_ref[...] + bl_ref[...]
    hT = jnp.maximum(hT, 0.0).astype(jnp.bfloat16)
    h1 = lax.dot_general(hT, W1_ref[...], (((0,), (1,)), ((), ())),
                         preferred_element_type=jnp.float32) + b1_ref[...]
    h1 = jnp.maximum(h1, 0.0).astype(jnp.bfloat16)
    o_ref[...] = lax.dot_general(h1, W2_ref[...], (((1,), (1,)), ((), ())),
                                 preferred_element_type=jnp.float32) + b2_ref[...]


def _dense(parts_a, parts_b, x_row, W_l0, b_l0, W_r0, W_r1, b_r1, W_r2, b_r2,
           interpret=False):
    n = x_row.shape[1]
    n_pad = parts_a.shape[1]
    H = W_r1.shape[0]
    pair = pl.BlockSpec((2, _BN), lambda i: (0, i))
    lane = pl.BlockSpec((1, _BN), lambda i: (0, i))
    colw = pl.BlockSpec((H, 1), lambda i: (0, 0))
    roww = pl.BlockSpec((1, H), lambda i: (0, 0))
    mat = pl.BlockSpec((H, H), lambda i: (0, 0))
    return pl.pallas_call(
        _dense_body,
        grid=(n_pad // _BN,),
        in_specs=[pair, pair, lane,
                  colw, colw, colw, mat, roww, mat, roww],
        out_specs=pl.BlockSpec((_BN, H), lambda i: (i, 0)),
        out_shape=jax.ShapeDtypeStruct((n, H), jnp.float32),
        interpret=interpret,
    )(parts_a, parts_b, x_row,
      W_l0, W_r0, b_l0.reshape(H, 1),
      W_r1.astype(jnp.bfloat16), b_r1.reshape(1, H),
      W_r2.astype(jnp.bfloat16), b_r2.reshape(1, H))


def _make_deg_kernel(n_pad, half_rows, trash, nc, ns, nw):
    k_full = ((-(-half_rows // nw) + 7) // 8) * 8
    rows_last = half_rows - (nw - 1) * k_full
    off = half_rows % 8
    fetch_full = ((off + k_full + 7) // 8) * 8
    fetch_last = ((off + rows_last + 7) // 8) * 8
    assert fetch_last == off + rows_last
    k_buf = fetch_full
    per_slice = n_pad // ns
    grp = next(g for g in (28, 14, 8, 4) if k_full % g == 0)
    rows_pad_last = -(-rows_last // grp) * grp
    mesh = plsc.VectorSubcoreMesh(core_axis_name="c", subcore_axis_name="s")

    @functools.partial(
        pl.kernel, mesh=mesh,
        out_type=jax.ShapeDtypeStruct((nc, n_pad), jnp.float32),
        scratch_types=[
            pltpu.VMEM((k_buf, 128), jnp.int32),
            pltpu.VMEM((128,), jnp.float32),
            pltpu.VMEM((per_slice,), jnp.float32),
            pltpu.VMEM_SHARED((n_pad,), jnp.float32),
            pltpu.SemaphoreType.DMA,
        ])
    def deg_kernel(edges_hbm, out_hbm, idx_v, ones_v, buf_v, hist_sh, sem):
        c = lax.axis_index("c")
        s = lax.axis_index("s")
        wid = s * nc + c

        def fill_ones(i, _):
            ones_v[pl.ds(i * 16, 16)] = jnp.full((16,), 1.0, jnp.float32)
            return 0
        lax.fori_loop(0, 128 // 16, fill_ones, 0)

        @pl.when(wid == nw - 1)
        def _():
            for r in range(fetch_last, off + rows_pad_last):
                for l in range(128 // 16):
                    idx_v[r, pl.ds(l * 16, 16)] = (
                        jnp.full((16,), trash, jnp.int32))

        def fill_zero(i, _):
            buf_v[pl.ds(i * 16, 16)] = jnp.zeros((16,), jnp.float32)
            return 0
        lax.fori_loop(0, per_slice // 16, fill_zero, 0)
        pltpu.sync_copy(buf_v, hist_sh.at[pl.ds(s * per_slice, per_slice)])

        abase = (half_rows - off) + wid * k_full

        @pl.when(wid < nw - 1)
        def _():
            pltpu.sync_copy(edges_hbm.at[pl.ds(abase, fetch_full)],
                            idx_v.at[pl.ds(0, fetch_full)])

        @pl.when(wid == nw - 1)
        def _():
            pltpu.sync_copy(edges_hbm.at[pl.ds(abase, fetch_last)],
                            idx_v.at[pl.ds(0, fetch_last)])

        plsc.subcore_barrier()

        def group(g, _):
            copies = [
                pltpu.async_copy(ones_v,
                                 hist_sh.at[idx_v.at[off + g * grp + b]],
                                 sem, add=True)
                for b in range(grp)
            ]
            for cp in copies:
                cp.wait()
            return 0

        @pl.when(wid < nw - 1)
        def _():
            lax.fori_loop(0, k_full // grp, group, 0)

        @pl.when(wid == nw - 1)
        def _():
            lax.fori_loop(0, rows_pad_last // grp, group, 0)
        plsc.subcore_barrier()
        pltpu.sync_copy(hist_sh.at[pl.ds(s * per_slice, per_slice)], buf_v)
        pltpu.sync_copy(buf_v, out_hbm.at[c, pl.ds(s * per_slice, per_slice)])

    return deg_kernel


def _deg_parts(adjs, n, n_pad):
    info = plsc.get_sparse_core_info()
    nc, ns = info.num_cores, info.num_subcores
    e = adjs.shape[1]
    ea = (e // 2048) * 1024
    adjs32 = adjs.astype(jnp.int32)
    outs = []
    for lo, hi in ((0, ea), (ea, e)):
        eh = hi - lo
        flat = adjs32[:, lo:hi].reshape(2 * eh // 128, 128)
        outs.append(
            _make_deg_kernel(n_pad, eh // 128, n, nc, ns, nc * ns)(flat))
    return outs


def kernel(x, adjs, W_l0, b_l0, W_r0, W_r1, b_r1, W_r2, b_r2):
    n = x.shape[0]
    n_pad = ((n + _BN - 1) // _BN) * _BN
    parts_a, parts_b = _deg_parts(adjs, n, n_pad)
    return _dense(parts_a, parts_b, x.reshape(1, n),
                  W_l0, b_l0, W_r0, W_r1, b_r1, W_r2, b_r2)

# --- scband reference (transcript-rebuilt; emitter-appended) ---
"""Pipeline reference for scband-net-44865228374155 (READ-ONLY COPY).

The authoritative reference and input builder live on the scoring server;
editing this copy changes nothing except your own understanding.
"""

import jax, jax.numpy as jnp
import numpy as np

N = 100000
E = 1600000
H = 512

def setup_inputs(seed: int = 0) -> dict:
    key = jax.random.key(seed)
    ks = jax.random.split(key, 9)
    x = jax.random.normal(ks[0], (N, 1), dtype=jnp.float32)
    edge_index = jax.random.randint(ks[1], (2, E), 0, N).astype(jnp.int64)
    # Layer 0 (ispropagate=True): lin_l Linear(1, H, bias=True), lin_r Linear(1, H, bias=False)
    W_l0 = jax.random.normal(ks[2], (H, 1), dtype=jnp.float32) * 0.1
    b_l0 = jax.random.normal(ks[3], (H,), dtype=jnp.float32) * 0.1
    W_r0 = jax.random.normal(ks[4], (H, 1), dtype=jnp.float32) * 0.1
    # Layer 1 (ispropagate=False): lin_r Linear(H, H, bias=True)
    W_r1 = jax.random.normal(ks[5], (H, H), dtype=jnp.float32) * (1.0 / np.sqrt(H))
    b_r1 = jax.random.normal(ks[6], (H,), dtype=jnp.float32) * 0.1
    # Layer 2 (ispropagate=False): lin_r Linear(H, H, bias=True)
    W_r2 = jax.random.normal(ks[7], (H, H), dtype=jnp.float32) * (1.0 / np.sqrt(H))
    b_r2 = jax.random.normal(ks[8], (H,), dtype=jnp.float32) * 0.1
    return {"x": x, "adjs": edge_index, "W_l0": W_l0, "b_l0": b_l0, "W_r0": W_r0,
            "W_r1": W_r1, "b_r1": b_r1, "W_r2": W_r2, "b_r2": b_r2}

def reference(x, adjs, W_l0, b_l0, W_r0, W_r1, b_r1, W_r2, b_r2):
    # --- Layer 0: LISAConv with ispropagate=True ---
    # propagate: message(x_j)=x_j (gathered but discarded by custom aggregate)
    # aggregate returns clamped in-degree of dst nodes, shape [N, 1]
    dst = adjs[1]
    deg = jnp.zeros((x.shape[0],), dtype=x.dtype).at[dst].add(1.0)
    deg = jnp.clip(deg, 1.0, None).reshape(-1, 1)
    out = deg @ W_l0.T + b_l0          # lin_l(out)
    out = out + x @ W_r0.T             # out += lin_r(x_r), no bias
    # inter-layer: relu + dropout(eval mode -> identity)
    h = jax.nn.relu(out)
    # --- Layer 1: ispropagate=False -> out = lin_r(x) ---
    h = jax.nn.relu(h @ W_r1.T + b_r1)
    # --- Layer 2 (last): no relu/dropout ---
    out = h @ W_r2.T + b_r2
    return out

if __name__ == "__main__":
    import jax
    _d = setup_inputs()
    print(jax.jit(kernel)(*tuple(_d.values())))

</pallas_src>

<mosaic_0001>
#map = affine_map<(d0, d1) -> (0, 0)>
module attributes {stable_mosaic.version = 14 : i64} {
  func.func @deg_kernel(%arg0: i32, %arg1: i32, %arg2: memref<12496x128xi32, #tpu.memory_space<hbm>>, %arg3: memref<2x102400xf32, #tpu.memory_space<hbm>>, %arg4: memref<200x128xi32, #tpu.memory_space<vmem>>, %arg5: memref<128xf32, #tpu.memory_space<vmem>>, %arg6: memref<6400xf32, #tpu.memory_space<vmem>>, %arg7: memref<102400xf32, #tpu.memory_space<vmem_shared>>, %arg8: memref<!tpu.dma_semaphore, #tpu.memory_space<semaphore_mem>>) attributes {dimension_semantics = [#tpu.dimension_semantics<core_parallel>, #tpu.dimension_semantics<subcore_parallel>], iteration_bounds = array<i64: 2, 16>, scalar_prefetch = 0 : i64, scratch_operands = 5 : i64, tpu.core_type = #tpu.core_type<sc_vector_subcore>, window_params = [{transform_indices = #map}, {transform_indices = #map}]} {
    %mul3A = arith.constant 2 : i32
    %mul3A_0 = arith.muli %arg1, %mul3A : i32
    %add3A = arith.addi %mul3A_0, %arg0 : i32
    %scan3A = arith.constant 0 : i32
    %scan3A_1 = arith.constant 0 : i32
    %scan3A_2 = arith.constant 8 : i32
    %scan3A_3 = arith.addi %scan3A_1, %scan3A_2 : i32
    %scan3A_4 = arith.constant 1 : i32
    %scan3A_5 = scf.for %scan3A_46 = %scan3A_1 to %scan3A_3 step %scan3A_4 iter_args(%scan3A_47 = %scan3A) -> (i32)  : i32 {
      %broadcast_in_dim3A = arith.constant 1.000000e+00 : f32
      %broadcast_in_dim3A_48 = vector.broadcast %broadcast_in_dim3A : f32 to vector<16xf32>
      %mul3A_49 = arith.constant 16 : i32
      %mul3A_50 = arith.muli %scan3A_46, %mul3A_49 : i32
      %swap3A = arith.index_cast %mul3A_50 : i32 to index
      %swap3A_51 = tpu.vector_load %arg5[%swap3A] {strides = array<i32>} : memref<128xf32, #tpu.memory_space<vmem>>, vector<16xf32>,
      %swap3A_52 = vector.shape_cast %swap3A_51 : vector<16xf32> to vector<16xf32>
      %swap3A_53 = vector.shape_cast %broadcast_in_dim3A_48 : vector<16xf32> to vector<16xf32>
      tpu.vector_store %arg5[%swap3A], %swap3A_53 {strides = array<i32>} : memref<128xf32, #tpu.memory_space<vmem>>, vector<16xf32>,
      %scan3A_54 = arith.constant 0 : i32
      scf.yield %scan3A_54 : i32
    }
    %scan3A_6 = arith.constant 8 : i32
    %eq3A = arith.constant 31 : i32
    %eq3A_7 = arith.cmpi eq, %add3A, %eq3A : i32
    %convert_element_type3A = arith.extui %eq3A_7 : i1 to i32
    %cond3A = arith.constant 0 : i32
    %cond3A_8 = arith.cmpi ne, %convert_element_type3A, %cond3A : i32
    scf.if %cond3A_8 {
    } else {
    }
    %scan3A_9 = arith.constant 0 : i32
    %scan3A_10 = arith.constant 0 : i32
    %scan3A_11 = arith.constant 400 : i32
    %scan3A_12 = arith.addi %scan3A_10, %scan3A_11 : i32
    %scan3A_13 = arith.constant 1 : i32
    %scan3A_14 = scf.for %scan3A_46 = %scan3A_10 to %scan3A_12 step %scan3A_13 iter_args(%scan3A_47 = %scan3A_9) -> (i32)  : i32 {
      %broadcast_in_dim3A = arith.constant 0.000000e+00 : f32
      %broadcast_in_dim3A_48 = vector.broadcast %broadcast_in_dim3A : f32 to vector<16xf32>
      %mul3A_49 = arith.constant 16 : i32
      %mul3A_50 = arith.muli %scan3A_46, %mul3A_49 : i32
      %swap3A = arith.index_cast %mul3A_50 : i32 to index
      %swap3A_51 = tpu.vector_load %arg6[%swap3A] {strides = array<i32>} : memref<6400xf32, #tpu.memory_space<vmem>>, vector<16xf32>,
      %swap3A_52 = vector.shape_cast %swap3A_51 : vector<16xf32> to vector<16xf32>
      %swap3A_53 = vector.shape_cast %broadcast_in_dim3A_48 : vector<16xf32> to vector<16xf32>
      tpu.vector_store %arg6[%swap3A], %swap3A_53 {strides = array<i32>} : memref<6400xf32, #tpu.memory_space<vmem>>, vector<16xf32>,
      %scan3A_54 = arith.constant 0 : i32
      scf.yield %scan3A_54 : i32
    }
    %scan3A_15 = arith.constant 400 : i32
    %mul3A_16 = arith.constant 6400 : i32
    %mul3A_17 = arith.muli %arg1, %mul3A_16 : i32
    "tpu.region"() ({
      %run_scoped3A = tpu.sem_alloc : memref<!tpu.dma_semaphore, #tpu.memory_space<semaphore_mem>>
      %dma_start3A = tpu.memref_slice %arg7[%mul3A_17] : memref<102400xf32, #tpu.memory_space<vmem_shared>> -> memref<6400xf32, #tpu.memory_space<vmem_shared>>
      %dma_start3A_46 = tpu.memref_slice %arg7[%mul3A_17] : memref<102400xf32, #tpu.memory_space<vmem_shared>> -> memref<6400xf32, #tpu.memory_space<vmem_shared>>
      tpu.enqueue_dma source(%arg6 : memref<6400xf32, #tpu.memory_space<vmem>>) target(%dma_start3A_46 : memref<6400xf32, #tpu.memory_space<vmem_shared>>) target_semaphore(%run_scoped3A : memref<!tpu.dma_semaphore, #tpu.memory_space<semaphore_mem>>)
      %dma_wait3A = tpu.memref_slice %arg7[%mul3A_17] : memref<102400xf32, #tpu.memory_space<vmem_shared>> -> memref<6400xf32, #tpu.memory_space<vmem_shared>>
      %dma_wait3A_47 = tpu.memref_slice %arg7[%mul3A_17] : memref<102400xf32, #tpu.memory_space<vmem_shared>> -> memref<6400xf32, #tpu.memory_space<vmem_shared>>
      tpu.wait_dma2 semaphore(%run_scoped3A : memref<!tpu.dma_semaphore, #tpu.memory_space<semaphore_mem>>) src(%arg6 : memref<6400xf32, #tpu.memory_space<vmem>>) dst(%dma_wait3A_47 : memref<6400xf32, #tpu.memory_space<vmem_shared>>)
      tpu.yield
    }) : () -> ()
    %mul3A_18 = arith.constant 200 : i32
    %mul3A_19 = arith.muli %add3A, %mul3A_18 : i32
    %add3A_20 = arith.constant 6248 : i32
    %add3A_21 = arith.addi %add3A_20, %mul3A_19 : i32
    %lt3A = arith.constant 31 : i32
    %lt3A_22 = arith.cmpi slt, %add3A, %lt3A : i32
    %convert_element_type3A_23 = arith.extui %lt3A_22 : i1 to i32
    %cond3A_24 = arith.constant 0 : i32
    %cond3A_25 = arith.cmpi ne, %convert_element_type3A_23, %cond3A_24 : i32
    scf.if %cond3A_25 {
      "tpu.region"() ({
        %run_scoped3A = tpu.sem_alloc : memref<!tpu.dma_semaphore, #tpu.memory_space<semaphore_mem>>
        %dma_start3A = arith.constant 0 : i32
        %dma_start3A_46 = arith.constant 0 : i32
        %dma_start3A_47 = tpu.memref_slice %arg4[%dma_start3A, %dma_start3A_46] : memref<200x128xi32, #tpu.memory_space<vmem>> -> memref<200x128xi32, #tpu.memory_space<vmem>>
        %dma_start3A_48 = arith.constant 0 : i32
        %dma_start3A_49 = tpu.memref_slice %arg2[%add3A_21, %dma_start3A_48] : memref<12496x128xi32, #tpu.memory_space<hbm>> -> memref<200x128xi32, #tpu.memory_space<hbm>>
        %dma_start3A_50 = arith.constant 0 : i32
        %dma_start3A_51 = arith.constant 0 : i32
        %dma_start3A_52 = tpu.memref_slice %arg4[%dma_start3A_50, %dma_start3A_51] : memref<200x128xi32, #tpu.memory_space<vmem>> -> memref<200x128xi32, #tpu.memory_space<vmem>>
        %dma_start3A_53 = arith.constant 0 : i32
        %dma_start3A_54 = tpu.memref_slice %arg2[%add3A_21, %dma_start3A_53] : memref<12496x128xi32, #tpu.memory_space<hbm>> -> memref<200x128xi32, #tpu.memory_space<hbm>>
        tpu.enqueue_dma source(%dma_start3A_54 : memref<200x128xi32, #tpu.memory_space<hbm>>) target(%dma_start3A_52 : memref<200x128xi32, #tpu.memory_space<vmem>>) target_semaphore(%run_scoped3A : memref<!tpu.dma_semaphore, #tpu.memory_space<semaphore_mem>>)
        %dma_wait3A = arith.constant 0 : i32
        %dma_wait3A_55 = arith.constant 0 : i32
        %dma_wait3A_56 = tpu.memref_slice %arg4[%dma_wait3A, %dma_wait3A_55] : memref<200x128xi32, #tpu.memory_space<vmem>> -> memref<200x128xi32, #tpu.memory_space<vmem>>
        %dma_wait3A_57 = arith.constant 0 : i32
        %dma_wait3A_58 = tpu.memref_slice %arg2[%add3A_21, %dma_wait3A_57] : memref<12496x128xi32, #tpu.memory_space<hbm>> -> memref<200x128xi32, #tpu.memory_space<hbm>>
        %dma_wait3A_59 = arith.constant 0 : i32
        %dma_wait3A_60 = arith.constant 0 : i32
        %dma_wait3A_61 = tpu.memref_slice %arg4[%dma_wait3A_59, %dma_wait3A_60] : memref<200x128xi32, #tpu.memory_space<vmem>> -> memref<200x128xi32, #tpu.memory_space<vmem>>
        %dma_wait3A_62 = arith.constant 0 : i32
        %dma_wait3A_63 = tpu.memref_slice %arg2[%add3A_21, %dma_wait3A_62] : memref<12496x128xi32, #tpu.memory_space<hbm>> -> memref<200x128xi32, #tpu.memory_space<hbm>>
        tpu.wait_dma2 semaphore(%run_scoped3A : memref<!tpu.dma_semaphore, #tpu.memory_space<semaphore_mem>>) src(%dma_wait3A_63 : memref<200x128xi32, #tpu.memory_space<hbm>>) dst(%dma_wait3A_61 : memref<200x128xi32, #tpu.memory_space<vmem>>)
        tpu.yield
      }) : () -> ()
    } else {
    }
    %eq3A_26 = arith.constant 31 : i32
    %eq3A_27 = arith.cmpi eq, %add3A, %eq3A_26 : i32
    %convert_element_type3A_28 = arith.extui %eq3A_27 : i1 to i32
    %cond3A_29 = arith.constant 0 : i32
    %cond3A_30 = arith.cmpi ne, %convert_element_type3A_28, %cond3A_29 : i32
    scf.if %cond3A_30 {
      "tpu.region"() ({
        %run_scoped3A = tpu.sem_alloc : memref<!tpu.dma_semaphore, #tpu.memory_space<semaphore_mem>>
        %dma_start3A = arith.constant 0 : i32
        %dma_start3A_46 = arith.constant 0 : i32
        %dma_start3A_47 = tpu.memref_slice %arg4[%dma_start3A, %dma_start3A_46] : memref<200x128xi32, #tpu.memory_space<vmem>> -> memref<48x128xi32, #tpu.memory_space<vmem>>
        %dma_start3A_48 = arith.constant 0 : i32
        %dma_start3A_49 = tpu.memref_slice %arg2[%add3A_21, %dma_start3A_48] : memref<12496x128xi32, #tpu.memory_space<hbm>> -> memref<48x128xi32, #tpu.memory_space<hbm>>
        %dma_start3A_50 = arith.constant 0 : i32
        %dma_start3A_51 = arith.constant 0 : i32
        %dma_start3A_52 = tpu.memref_slice %arg4[%dma_start3A_50, %dma_start3A_51] : memref<200x128xi32, #tpu.memory_space<vmem>> -> memref<48x128xi32, #tpu.memory_space<vmem>>
        %dma_start3A_53 = arith.constant 0 : i32
        %dma_start3A_54 = tpu.memref_slice %arg2[%add3A_21, %dma_start3A_53] : memref<12496x128xi32, #tpu.memory_space<hbm>> -> memref<48x128xi32, #tpu.memory_space<hbm>>
        tpu.enqueue_dma source(%dma_start3A_54 : memref<48x128xi32, #tpu.memory_space<hbm>>) target(%dma_start3A_52 : memref<48x128xi32, #tpu.memory_space<vmem>>) target_semaphore(%run_scoped3A : memref<!tpu.dma_semaphore, #tpu.memory_space<semaphore_mem>>)
        %dma_wait3A = arith.constant 0 : i32
        %dma_wait3A_55 = arith.constant 0 : i32
        %dma_wait3A_56 = tpu.memref_slice %arg4[%dma_wait3A, %dma_wait3A_55] : memref<200x128xi32, #tpu.memory_space<vmem>> -> memref<48x128xi32, #tpu.memory_space<vmem>>
        %dma_wait3A_57 = arith.constant 0 : i32
        %dma_wait3A_58 = tpu.memref_slice %arg2[%add3A_21, %dma_wait3A_57] : memref<12496x128xi32, #tpu.memory_space<hbm>> -> memref<48x128xi32, #tpu.memory_space<hbm>>
        %dma_wait3A_59 = arith.constant 0 : i32
        %dma_wait3A_60 = arith.constant 0 : i32
        %dma_wait3A_61 = tpu.memref_slice %arg4[%dma_wait3A_59, %dma_wait3A_60] : memref<200x128xi32, #tpu.memory_space<vmem>> -> memref<48x128xi32, #tpu.memory_space<vmem>>
        %dma_wait3A_62 = arith.constant 0 : i32
        %dma_wait3A_63 = tpu.memref_slice %arg2[%add3A_21, %dma_wait3A_62] : memref<12496x128xi32, #tpu.memory_space<hbm>> -> memref<48x128xi32, #tpu.memory_space<hbm>>
        tpu.wait_dma2 semaphore(%run_scoped3A : memref<!tpu.dma_semaphore, #tpu.memory_space<semaphore_mem>>) src(%dma_wait3A_63 : memref<48x128xi32, #tpu.memory_space<hbm>>) dst(%dma_wait3A_61 : memref<48x128xi32, #tpu.memory_space<vmem>>)
        tpu.yield
      }) : () -> ()
    } else {
    }
    %barrier3A = arith.constant 0 : index
    tpu.barrier barrier_id(%barrier3A)
    %lt3A_31 = arith.constant 31 : i32
    %lt3A_32 = arith.cmpi slt, %add3A, %lt3A_31 : i32
    %convert_element_type3A_33 = arith.extui %lt3A_32 : i1 to i32
    %cond3A_34 = arith.constant 0 : i32
    %cond3A_35 = arith.cmpi ne, %convert_element_type3A_33, %cond3A_34 : i32
    scf.if %cond3A_35 {
      %scan3A_46 = arith.constant 0 : i32
      %scan3A_47 = arith.constant 0 : i32
      %scan3A_48 = arith.constant 25 : i32
      %scan3A_49 = arith.addi %scan3A_47, %scan3A_48 : i32
      %scan3A_50 = arith.constant 1 : i32
      %scan3A_51 = scf.for %scan3A_53 = %scan3A_47 to %scan3A_49 step %scan3A_50 iter_args(%scan3A_54 = %scan3A_46) -> (i32)  : i32 {
        %mul3A_55 = arith.constant 8 : i32
        %mul3A_56 = arith.muli %scan3A_53, %mul3A_55 : i32
        %add3A_57 = arith.constant 0 : i32
        %add3A_58 = arith.addi %add3A_57, %mul3A_56 : i32
        %add3A_59 = arith.constant 0 : i32
        %add3A_60 = arith.addi %add3A_58, %add3A_59 : i32
        %dma_start3A = arith.constant 0 : i32
        %dma_start3A_61 = tpu.memref_slice %arg4[%add3A_60, %dma_start3A] : memref<200x128xi32, #tpu.memory_space<vmem>> -> memref<1x128xi32, #tpu.memory_space<vmem>>
        %dma_start3A_62 = tpu.memref_squeeze %dma_start3A_61 : memref<1x128xi32, #tpu.memory_space<vmem>> -> memref<128xi32, #tpu.memory_space<vmem>>
        %dma_start3A_63 = arith.constant 0 : i32
        %dma_start3A_64 = tpu.memref_slice %arg7[%dma_start3A_63] : memref<102400xf32, #tpu.memory_space<vmem_shared>> -> memref<102400xf32, #tpu.memory_space<vmem_shared>>
        tpu.enqueue_indirect_dma source(%arg5 : memref<128xf32, #tpu.memory_space<vmem>>) target(%dma_start3A_64 : memref<102400xf32, #tpu.memory_space<vmem_shared>>) offsets(%dma_start3A_62 : memref<128xi32, #tpu.memory_space<vmem>>) semaphore(%arg8 : memref<!tpu.dma_semaphore, #tpu.memory_space<semaphore_mem>>) {add = true}
        %mul3A_65 = arith.constant 8 : i32
        %mul3A_66 = arith.muli %scan3A_53, %mul3A_65 : i32
        %add3A_67 = arith.constant 0 : i32
        %add3A_68 = arith.addi %add3A_67, %mul3A_66 : i32
        %add3A_69 = arith.constant 1 : i32
        %add3A_70 = arith.addi %add3A_68, %add3A_69 : i32
        %dma_start3A_71 = arith.constant 0 : i32
        %dma_start3A_72 = tpu.memref_slice %arg4[%add3A_70, %dma_start3A_71] : memref<200x128xi32, #tpu.memory_space<vmem>> -> memref<1x128xi32, #tpu.memory_space<vmem>>
        %dma_start3A_73 = tpu.memref_squeeze %dma_start3A_72 : memref<1x128xi32, #tpu.memory_space<vmem>> -> memref<128xi32, #tpu.memory_space<vmem>>
        %dma_start3A_74 = arith.constant 0 : i32
        %dma_start3A_75 = tpu.memref_slice %arg7[%dma_start3A_74] : memref<102400xf32, #tpu.memory_space<vmem_shared>> -> memref<102400xf32, #tpu.memory_space<vmem_shared>>
        tpu.enqueue_indirect_dma source(%arg5 : memref<128xf32, #tpu.memory_space<vmem>>) target(%dma_start3A_75 : memref<102400xf32, #tpu.memory_space<vmem_shared>>) offsets(%dma_start3A_73 : memref<128xi32, #tpu.memory_space<vmem>>) semaphore(%arg8 : memref<!tpu.dma_semaphore, #tpu.memory_space<semaphore_mem>>) {add = true}
        %mul3A_76 = arith.constant 8 : i32
        %mul3A_77 = arith.muli %scan3A_53, %mul3A_76 : i32
        %add3A_78 = arith.constant 0 : i32
        %add3A_79 = arith.addi %add3A_78, %mul3A_77 : i32
        %add3A_80 = arith.constant 2 : i32
        %add3A_81 = arith.addi %add3A_79, %add3A_80 : i32
        %dma_start3A_82 = arith.constant 0 : i32
        %dma_start3A_83 = tpu.memref_slice %arg4[%add3A_81, %dma_start3A_82] : memref<200x128xi32, #tpu.memory_space<vmem>> -> memref<1x128xi32, #tpu.memory_space<vmem>>
        %dma_start3A_84 = tpu.memref_squeeze %dma_start3A_83 : memref<1x128xi32, #tpu.memory_space<vmem>> -> memref<128xi32, #tpu.memory_space<vmem>>
        %dma_start3A_85 = arith.constant 0 : i32
        %dma_start3A_86 = tpu.memref_slice %arg7[%dma_start3A_85] : memref<102400xf32, #tpu.memory_space<vmem_shared>> -> memref<102400xf32, #tpu.memory_space<vmem_shared>>
        tpu.enqueue_indirect_dma source(%arg5 : memref<128xf32, #tpu.memory_space<vmem>>) target(%dma_start3A_86 : memref<102400xf32, #tpu.memory_space<vmem_shared>>) offsets(%dma_start3A_84 : memref<128xi32, #tpu.memory_space<vmem>>) semaphore(%arg8 : memref<!tpu.dma_semaphore, #tpu.memory_space<semaphore_mem>>) {add = true}
        %mul3A_87 = arith.constant 8 : i32
        %mul3A_88 = arith.muli %scan3A_53, %mul3A_87 : i32
        %add3A_89 = arith.constant 0 : i32
        %add3A_90 = arith.addi %add3A_89, %mul3A_88 : i32
        %add3A_91 = arith.constant 3 : i32
        %add3A_92 = arith.addi %add3A_90, %add3A_91 : i32
        %dma_start3A_93 = arith.constant 0 : i32
        %dma_start3A_94 = tpu.memref_slice %arg4[%add3A_92, %dma_start3A_93] : memref<200x128xi32, #tpu.memory_space<vmem>> -> memref<1x128xi32, #tpu.memory_space<vmem>>
        %dma_start3A_95 = tpu.memref_squeeze %dma_start3A_94 : memref<1x128xi32, #tpu.memory_space<vmem>> -> memref<128xi32, #tpu.memory_space<vmem>>
        %dma_start3A_96 = arith.constant 0 : i32
        %dma_start3A_97 = tpu.memref_slice %arg7[%dma_start3A_96] : memref<102400xf32, #tpu.memory_space<vmem_shared>> -> memref<102400xf32, #tpu.memory_space<vmem_shared>>
        tpu.enqueue_indirect_dma source(%arg5 : memref<128xf32, #tpu.memory_space<vmem>>) target(%dma_start3A_97 : memref<102400xf32, #tpu.memory_space<vmem_shared>>) offsets(%dma_start3A_95 : memref<128xi32, #tpu.memory_space<vmem>>) semaphore(%arg8 : memref<!tpu.dma_semaphore, #tpu.memory_space<semaphore_mem>>) {add = true}
        %mul3A_98 = arith.constant 8 : i32
        %mul3A_99 = arith.muli %scan3A_53, %mul3A_98 : i32
        %add3A_100 = arith.constant 0 : i32
        %add3A_101 = arith.addi %add3A_100, %mul3A_99 : i32
        %add3A_102 = arith.constant 4 : i32
        %add3A_103 = arith.addi %add3A_101, %add3A_102 : i32
        %dma_start3A_104 = arith.constant 0 : i32
        %dma_start3A_105 = tpu.memref_slice %arg4[%add3A_103, %dma_start3A_104] : memref<200x128xi32, #tpu.memory_space<vmem>> -> memref<1x128xi32, #tpu.memory_space<vmem>>
        %dma_start3A_106 = tpu.memref_squeeze %dma_start3A_105 : memref<1x128xi32, #tpu.memory_space<vmem>> -> memref<128xi32, #tpu.memory_space<vmem>>
        %dma_start3A_107 = arith.constant 0 : i32
        %dma_start3A_108 = tpu.memref_slice %arg7[%dma_start3A_107] : memref<102400xf32, #tpu.memory_space<vmem_shared>> -> memref<102400xf32, #tpu.memory_space<vmem_shared>>
        tpu.enqueue_indirect_dma source(%arg5 : memref<128xf32, #tpu.memory_space<vmem>>) target(%dma_start3A_108 : memref<102400xf32, #tpu.memory_space<vmem_shared>>) offsets(%dma_start3A_106 : memref<128xi32, #tpu.memory_space<vmem>>) semaphore(%arg8 : memref<!tpu.dma_semaphore, #tpu.memory_space<semaphore_mem>>) {add = true}
        %mul3A_109 = arith.constant 8 : i32
        %mul3A_110 = arith.muli %scan3A_53, %mul3A_109 : i32
        %add3A_111 = arith.constant 0 : i32
        %add3A_112 = arith.addi %add3A_111, %mul3A_110 : i32
        %add3A_113 = arith.constant 5 : i32
        %add3A_114 = arith.addi %add3A_112, %add3A_113 : i32
        %dma_start3A_115 = arith.constant 0 : i32
        %dma_start3A_116 = tpu.memref_slice %arg4[%add3A_114, %dma_start3A_115] : memref<200x128xi32, #tpu.memory_space<vmem>> -> memref<1x128xi32, #tpu.memory_space<vmem>>
        %dma_start3A_117 = tpu.memref_squeeze %dma_start3A_116 : memref<1x128xi32, #tpu.memory_space<vmem>> -> memref<128xi32, #tpu.memory_space<vmem>>
        %dma_start3A_118 = arith.constant 0 : i32
        %dma_start3A_119 = tpu.memref_slice %arg7[%dma_start3A_118] : memref<102400xf32, #tpu.memory_space<vmem_shared>> -> memref<102400xf32, #tpu.memory_space<vmem_shared>>
        tpu.enqueue_indirect_dma source(%arg5 : memref<128xf32, #tpu.memory_space<vmem>>) target(%dma_start3A_119 : memref<102400xf32, #tpu.memory_space<vmem_shared>>) offsets(%dma_start3A_117 : memref<128xi32, #tpu.memory_space<vmem>>) semaphore(%arg8 : memref<!tpu.dma_semaphore, #tpu.memory_space<semaphore_mem>>) {add = true}
        %mul3A_120 = arith.constant 8 : i32
        %mul3A_121 = arith.muli %scan3A_53, %mul3A_120 : i32
        %add3A_122 = arith.constant 0 : i32
        %add3A_123 = arith.addi %add3A_122, %mul3A_121 : i32
        %add3A_124 = arith.constant 6 : i32
        %add3A_125 = arith.addi %add3A_123, %add3A_124 : i32
        %dma_start3A_126 = arith.constant 0 : i32
        %dma_start3A_127 = tpu.memref_slice %arg4[%add3A_125, %dma_start3A_126] : memref<200x128xi32, #tpu.memory_space<vmem>> -> memref<1x128xi32, #tpu.memory_space<vmem>>
        %dma_start3A_128 = tpu.memref_squeeze %dma_start3A_127 : memref<1x128xi32, #tpu.memory_space<vmem>> -> memref<128xi32, #tpu.memory_space<vmem>>
        %dma_start3A_129 = arith.constant 0 : i32
        %dma_start3A_130 = tpu.memref_slice %arg7[%dma_start3A_129] : memref<102400xf32, #tpu.memory_space<vmem_shared>> -> memref<102400xf32, #tpu.memory_space<vmem_shared>>
        tpu.enqueue_indirect_dma source(%arg5 : memref<128xf32, #tpu.memory_space<vmem>>) target(%dma_start3A_130 : memref<102400xf32, #tpu.memory_space<vmem_shared>>) offsets(%dma_start3A_128 : memref<128xi32, #tpu.memory_space<vmem>>) semaphore(%arg8 : memref<!tpu.dma_semaphore, #tpu.memory_space<semaphore_mem>>) {add = true}
        %mul3A_131 = arith.constant 8 : i32
        %mul3A_132 = arith.muli %scan3A_53, %mul3A_131 : i32
        %add3A_133 = arith.constant 0 : i32
        %add3A_134 = arith.addi %add3A_133, %mul3A_132 : i32
        %add3A_135 = arith.constant 7 : i32
        %add3A_136 = arith.addi %add3A_134, %add3A_135 : i32
        %dma_start3A_137 = arith.constant 0 : i32
        %dma_start3A_138 = tpu.memref_slice %arg4[%add3A_136, %dma_start3A_137] : memref<200x128xi32, #tpu.memory_space<vmem>> -> memref<1x128xi32, #tpu.memory_space<vmem>>
        %dma_start3A_139 = tpu.memref_squeeze %dma_start3A_138 : memref<1x128xi32, #tpu.memory_space<vmem>> -> memref<128xi32, #tpu.memory_space<vmem>>
        %dma_start3A_140 = arith.constant 0 : i32
        %dma_start3A_141 = tpu.memref_slice %arg7[%dma_start3A_140] : memref<102400xf32, #tpu.memory_space<vmem_shared>> -> memref<102400xf32, #tpu.memory_space<vmem_shared>>
        tpu.enqueue_indirect_dma source(%arg5 : memref<128xf32, #tpu.memory_space<vmem>>) target(%dma_start3A_141 : memref<102400xf32, #tpu.memory_space<vmem_shared>>) offsets(%dma_start3A_139 : memref<128xi32, #tpu.memory_space<vmem>>) semaphore(%arg8 : memref<!tpu.dma_semaphore, #tpu.memory_space<semaphore_mem>>) {add = true}
        %dma_wait3A = arith.constant 0 : i32
        %dma_wait3A_142 = tpu.memref_slice %arg4[%add3A_60, %dma_wait3A] : memref<200x128xi32, #tpu.memory_space<vmem>> -> memref<1x128xi32, #tpu.memory_space<vmem>>
        %dma_wait3A_143 = tpu.memref_squeeze %dma_wait3A_142 : memref<1x128xi32, #tpu.memory_space<vmem>> -> memref<128xi32, #tpu.memory_space<vmem>>
        %dma_wait3A_144 = arith.constant 0 : i32
        %dma_wait3A_145 = tpu.memref_slice %arg7[%dma_wait3A_144] : memref<102400xf32, #tpu.memory_space<vmem_shared>> -> memref<102400xf32, #tpu.memory_space<vmem_shared>>
        tpu.wait_indirect_dma semaphore(%arg8 : memref<!tpu.dma_semaphore, #tpu.memory_space<semaphore_mem>>) src(%arg5 : memref<128xf32, #tpu.memory_space<vmem>>) dst(%dma_wait3A_145 : memref<102400xf32, #tpu.memory_space<vmem_shared>>)
        %dma_wait3A_146 = arith.constant 0 : i32
        %dma_wait3A_147 = tpu.memref_slice %arg4[%add3A_70, %dma_wait3A_146] : memref<200x128xi32, #tpu.memory_space<vmem>> -> memref<1x128xi32, #tpu.memory_space<vmem>>
        %dma_wait3A_148 = tpu.memref_squeeze %dma_wait3A_147 : memref<1x128xi32, #tpu.memory_space<vmem>> -> memref<128xi32, #tpu.memory_space<vmem>>
        %dma_wait3A_149 = arith.constant 0 : i32
        %dma_wait3A_150 = tpu.memref_slice %arg7[%dma_wait3A_149] : memref<102400xf32, #tpu.memory_space<vmem_shared>> -> memref<102400xf32, #tpu.memory_space<vmem_shared>>
        tpu.wait_indirect_dma semaphore(%arg8 : memref<!tpu.dma_semaphore, #tpu.memory_space<semaphore_mem>>) src(%arg5 : memref<128xf32, #tpu.memory_space<vmem>>) dst(%dma_wait3A_150 : memref<102400xf32, #tpu.memory_space<vmem_shared>>)
        %dma_wait3A_151 = arith.constant 0 : i32
        %dma_wait3A_152 = tpu.memref_slice %arg4[%add3A_81, %dma_wait3A_151] : memref<200x128xi32, #tpu.memory_space<vmem>> -> memref<1x128xi32, #tpu.memory_space<vmem>>
        %dma_wait3A_153 = tpu.memref_squeeze %dma_wait3A_152 : memref<1x128xi32, #tpu.memory_space<vmem>> -> memref<128xi32, #tpu.memory_space<vmem>>
        %dma_wait3A_154 = arith.constant 0 : i32
        %dma_wait3A_155 = tpu.memref_slice %arg7[%dma_wait3A_154] : memref<102400xf32, #tpu.memory_space<vmem_shared>> -> memref<102400xf32, #tpu.memory_space<vmem_shared>>
        tpu.wait_indirect_dma semaphore(%arg8 : memref<!tpu.dma_semaphore, #tpu.memory_space<semaphore_mem>>) src(%arg5 : memref<128xf32, #tpu.memory_space<vmem>>) dst(%dma_wait3A_155 : memref<102400xf32, #tpu.memory_space<vmem_shared>>)
        %dma_wait3A_156 = arith.constant 0 : i32
        %dma_wait3A_157 = tpu.memref_slice %arg4[%add3A_92, %dma_wait3A_156] : memref<200x128xi32, #tpu.memory_space<vmem>> -> memref<1x128xi32, #tpu.memory_space<vmem>>
        %dma_wait3A_158 = tpu.memref_squeeze %dma_wait3A_157 : memref<1x128xi32, #tpu.memory_space<vmem>> -> memref<128xi32, #tpu.memory_space<vmem>>
        %dma_wait3A_159 = arith.constant 0 : i32
        %dma_wait3A_160 = tpu.memref_slice %arg7[%dma_wait3A_159] : memref<102400xf32, #tpu.memory_space<vmem_shared>> -> memref<102400xf32, #tpu.memory_space<vmem_shared>>
        tpu.wait_indirect_dma semaphore(%arg8 : memref<!tpu.dma_semaphore, #tpu.memory_space<semaphore_mem>>) src(%arg5 : memref<128xf32, #tpu.memory_space<vmem>>) dst(%dma_wait3A_160 : memref<102400xf32, #tpu.memory_space<vmem_shared>>)
        %dma_wait3A_161 = arith.constant 0 : i32
        %dma_wait3A_162 = tpu.memref_slice %arg4[%add3A_103, %dma_wait3A_161] : memref<200x128xi32, #tpu.memory_space<vmem>> -> memref<1x128xi32, #tpu.memory_space<vmem>>
        %dma_wait3A_163 = tpu.memref_squeeze %dma_wait3A_162 : memref<1x128xi32, #tpu.memory_space<vmem>> -> memref<128xi32, #tpu.memory_space<vmem>>
        %dma_wait3A_164 = arith.constant 0 : i32
        %dma_wait3A_165 = tpu.memref_slice %arg7[%dma_wait3A_164] : memref<102400xf32, #tpu.memory_space<vmem_shared>> -> memref<102400xf32, #tpu.memory_space<vmem_shared>>
        tpu.wait_indirect_dma semaphore(%arg8 : memref<!tpu.dma_semaphore, #tpu.memory_space<semaphore_mem>>) src(%arg5 : memref<128xf32, #tpu.memory_space<vmem>>) dst(%dma_wait3A_165 : memref<102400xf32, #tpu.memory_space<vmem_shared>>)
        %dma_wait3A_166 = arith.constant 0 : i32
        %dma_wait3A_167 = tpu.memref_slice %arg4[%add3A_114, %dma_wait3A_166] : memref<200x128xi32, #tpu.memory_space<vmem>> -> memref<1x128xi32, #tpu.memory_space<vmem>>
        %dma_wait3A_168 = tpu.memref_squeeze %dma_wait3A_167 : memref<1x128xi32, #tpu.memory_space<vmem>> -> memref<128xi32, #tpu.memory_space<vmem>>
        %dma_wait3A_169 = arith.constant 0 : i32
        %dma_wait3A_170 = tpu.memref_slice %arg7[%dma_wait3A_169] : memref<102400xf32, #tpu.memory_space<vmem_shared>> -> memref<102400xf32, #tpu.memory_space<vmem_shared>>
        tpu.wait_indirect_dma semaphore(%arg8 : memref<!tpu.dma_semaphore, #tpu.memory_space<semaphore_mem>>) src(%arg5 : memref<128xf32, #tpu.memory_space<vmem>>) dst(%dma_wait3A_170 : memref<102400xf32, #tpu.memory_space<vmem_shared>>)
        %dma_wait3A_171 = arith.constant 0 : i32
        %dma_wait3A_172 = tpu.memref_slice %arg4[%add3A_125, %dma_wait3A_171] : memref<200x128xi32, #tpu.memory_space<vmem>> -> memref<1x128xi32, #tpu.memory_space<vmem>>
        %dma_wait3A_173 = tpu.memref_squeeze %dma_wait3A_172 : memref<1x128xi32, #tpu.memory_space<vmem>> -> memref<128xi32, #tpu.memory_space<vmem>>
        %dma_wait3A_174 = arith.constant 0 : i32
        %dma_wait3A_175 = tpu.memref_slice %arg7[%dma_wait3A_174] : memref<102400xf32, #tpu.memory_space<vmem_shared>> -> memref<102400xf32, #tpu.memory_space<vmem_shared>>
        tpu.wait_indirect_dma semaphore(%arg8 : memref<!tpu.dma_semaphore, #tpu.memory_space<semaphore_mem>>) src(%arg5 : memref<128xf32, #tpu.memory_space<vmem>>) dst(%dma_wait3A_175 : memref<102400xf32, #tpu.memory_space<vmem_shared>>)
        %dma_wait3A_176 = arith.constant 0 : i32
        %dma_wait3A_177 = tpu.memref_slice %arg4[%add3A_136, %dma_wait3A_176] : memref<200x128xi32, #tpu.memory_space<vmem>> -> memref<1x128xi32, #tpu.memory_space<vmem>>
        %dma_wait3A_178 = tpu.memref_squeeze %dma_wait3A_177 : memref<1x128xi32, #tpu.memory_space<vmem>> -> memref<128xi32, #tpu.memory_space<vmem>>
        %dma_wait3A_179 = arith.constant 0 : i32
        %dma_wait3A_180 = tpu.memref_slice %arg7[%dma_wait3A_179] : memref<102400xf32, #tpu.memory_space<vmem_shared>> -> memref<102400xf32, #tpu.memory_space<vmem_shared>>
        tpu.wait_indirect_dma semaphore(%arg8 : memref<!tpu.dma_semaphore, #tpu.memory_space<semaphore_mem>>) src(%arg5 : memref<128xf32, #tpu.memory_space<vmem>>) dst(%dma_wait3A_180 : memref<102400xf32, #tpu.memory_space<vmem_shared>>)
        %scan3A_181 = arith.constant 0 : i32
        scf.yield %scan3A_181 : i32
      }
      %scan3A_52 = arith.constant 25 : i32
    } else {
    }
    %eq3A_36 = arith.constant 31 : i32
    %eq3A_37 = arith.cmpi eq, %add3A, %eq3A_36 : i32
    %convert_element_type3A_38 = arith.extui %eq3A_37 : i1 to i32
    %cond3A_39 = arith.constant 0 : i32
    %cond3A_40 = arith.cmpi ne, %convert_element_type3A_38, %cond3A_39 : i32
    scf.if %cond3A_40 {
      %scan3A_46 = arith.constant 0 : i32
      %scan3A_47 = arith.constant 0 : i32
      %scan3A_48 = arith.constant 6 : i32
      %scan3A_49 = arith.addi %scan3A_47, %scan3A_48 : i32
      %scan3A_50 = arith.constant 1 : i32
      %scan3A_51 = scf.for %scan3A_53 = %scan3A_47 to %scan3A_49 step %scan3A_50 iter_args(%scan3A_54 = %scan3A_46) -> (i32)  : i32 {
        %mul3A_55 = arith.constant 8 : i32
        %mul3A_56 = arith.muli %scan3A_53, %mul3A_55 : i32
        %add3A_57 = arith.constant 0 : i32
        %add3A_58 = arith.addi %add3A_57, %mul3A_56 : i32
        %add3A_59 = arith.constant 0 : i32
        %add3A_60 = arith.addi %add3A_58, %add3A_59 : i32
        %dma_start3A = arith.constant 0 : i32
        %dma_start3A_61 = tpu.memref_slice %arg4[%add3A_60, %dma_start3A] : memref<200x128xi32, #tpu.memory_space<vmem>> -> memref<1x128xi32, #tpu.memory_space<vmem>>
        %dma_start3A_62 = tpu.memref_squeeze %dma_start3A_61 : memref<1x128xi32, #tpu.memory_space<vmem>> -> memref<128xi32, #tpu.memory_space<vmem>>
        %dma_start3A_63 = arith.constant 0 : i32
        %dma_start3A_64 = tpu.memref_slice %arg7[%dma_start3A_63] : memref<102400xf32, #tpu.memory_space<vmem_shared>> -> memref<102400xf32, #tpu.memory_space<vmem_shared>>
        tpu.enqueue_indirect_dma source(%arg5 : memref<128xf32, #tpu.memory_space<vmem>>) target(%dma_start3A_64 : memref<102400xf32, #tpu.memory_space<vmem_shared>>) offsets(%dma_start3A_62 : memref<128xi32, #tpu.memory_space<vmem>>) semaphore(%arg8 : memref<!tpu.dma_semaphore, #tpu.memory_space<semaphore_mem>>) {add = true}
        %mul3A_65 = arith.constant 8 : i32
        %mul3A_66 = arith.muli %scan3A_53, %mul3A_65 : i32
        %add3A_67 = arith.constant 0 : i32
        %add3A_68 = arith.addi %add3A_67, %mul3A_66 : i32
        %add3A_69 = arith.constant 1 : i32
        %add3A_70 = arith.addi %add3A_68, %add3A_69 : i32
        %dma_start3A_71 = arith.constant 0 : i32
        %dma_start3A_72 = tpu.memref_slice %arg4[%add3A_70, %dma_start3A_71] : memref<200x128xi32, #tpu.memory_space<vmem>> -> memref<1x128xi32, #tpu.memory_space<vmem>>
        %dma_start3A_73 = tpu.memref_squeeze %dma_start3A_72 : memref<1x128xi32, #tpu.memory_space<vmem>> -> memref<128xi32, #tpu.memory_space<vmem>>
        %dma_start3A_74 = arith.constant 0 : i32
        %dma_start3A_75 = tpu.memref_slice %arg7[%dma_start3A_74] : memref<102400xf32, #tpu.memory_space<vmem_shared>> -> memref<102400xf32, #tpu.memory_space<vmem_shared>>
        tpu.enqueue_indirect_dma source(%arg5 : memref<128xf32, #tpu.memory_space<vmem>>) target(%dma_start3A_75 : memref<102400xf32, #tpu.memory_space<vmem_shared>>) offsets(%dma_start3A_73 : memref<128xi32, #tpu.memory_space<vmem>>) semaphore(%arg8 : memref<!tpu.dma_semaphore, #tpu.memory_space<semaphore_mem>>) {add = true}
        %mul3A_76 = arith.constant 8 : i32
        %mul3A_77 = arith.muli %scan3A_53, %mul3A_76 : i32
        %add3A_78 = arith.constant 0 : i32
        %add3A_79 = arith.addi %add3A_78, %mul3A_77 : i32
        %add3A_80 = arith.constant 2 : i32
        %add3A_81 = arith.addi %add3A_79, %add3A_80 : i32
        %dma_start3A_82 = arith.constant 0 : i32
        %dma_start3A_83 = tpu.memref_slice %arg4[%add3A_81, %dma_start3A_82] : memref<200x128xi32, #tpu.memory_space<vmem>> -> memref<1x128xi32, #tpu.memory_space<vmem>>
        %dma_start3A_84 = tpu.memref_squeeze %dma_start3A_83 : memref<1x128xi32, #tpu.memory_space<vmem>> -> memref<128xi32, #tpu.memory_space<vmem>>
        %dma_start3A_85 = arith.constant 0 : i32
        %dma_start3A_86 = tpu.memref_slice %arg7[%dma_start3A_85] : memref<102400xf32, #tpu.memory_space<vmem_shared>> -> memref<102400xf32, #tpu.memory_space<vmem_shared>>
        tpu.enqueue_indirect_dma source(%arg5 : memref<128xf32, #tpu.memory_space<vmem>>) target(%dma_start3A_86 : memref<102400xf32, #tpu.memory_space<vmem_shared>>) offsets(%dma_start3A_84 : memref<128xi32, #tpu.memory_space<vmem>>) semaphore(%arg8 : memref<!tpu.dma_semaphore, #tpu.memory_space<semaphore_mem>>) {add = true}
        %mul3A_87 = arith.constant 8 : i32
        %mul3A_88 = arith.muli %scan3A_53, %mul3A_87 : i32
        %add3A_89 = arith.constant 0 : i32
        %add3A_90 = arith.addi %add3A_89, %mul3A_88 : i32
        %add3A_91 = arith.constant 3 : i32
        %add3A_92 = arith.addi %add3A_90, %add3A_91 : i32
        %dma_start3A_93 = arith.constant 0 : i32
        %dma_start3A_94 = tpu.memref_slice %arg4[%add3A_92, %dma_start3A_93] : memref<200x128xi32, #tpu.memory_space<vmem>> -> memref<1x128xi32, #tpu.memory_space<vmem>>
        %dma_start3A_95 = tpu.memref_squeeze %dma_start3A_94 : memref<1x128xi32, #tpu.memory_space<vmem>> -> memref<128xi32, #tpu.memory_space<vmem>>
        %dma_start3A_96 = arith.constant 0 : i32
        %dma_start3A_97 = tpu.memref_slice %arg7[%dma_start3A_96] : memref<102400xf32, #tpu.memory_space<vmem_shared>> -> memref<102400xf32, #tpu.memory_space<vmem_shared>>
        tpu.enqueue_indirect_dma source(%arg5 : memref<128xf32, #tpu.memory_space<vmem>>) target(%dma_start3A_97 : memref<102400xf32, #tpu.memory_space<vmem_shared>>) offsets(%dma_start3A_95 : memref<128xi32, #tpu.memory_space<vmem>>) semaphore(%arg8 : memref<!tpu.dma_semaphore, #tpu.memory_space<semaphore_mem>>) {add = true}
        %mul3A_98 = arith.constant 8 : i32
        %mul3A_99 = arith.muli %scan3A_53, %mul3A_98 : i32
        %add3A_100 = arith.constant 0 : i32
        %add3A_101 = arith.addi %add3A_100, %mul3A_99 : i32
        %add3A_102 = arith.constant 4 : i32
        %add3A_103 = arith.addi %add3A_101, %add3A_102 : i32
        %dma_start3A_104 = arith.constant 0 : i32
        %dma_start3A_105 = tpu.memref_slice %arg4[%add3A_103, %dma_start3A_104] : memref<200x128xi32, #tpu.memory_space<vmem>> -> memref<1x128xi32, #tpu.memory_space<vmem>>
        %dma_start3A_106 = tpu.memref_squeeze %dma_start3A_105 : memref<1x128xi32, #tpu.memory_space<vmem>> -> memref<128xi32, #tpu.memory_space<vmem>>
        %dma_start3A_107 = arith.constant 0 : i32
        %dma_start3A_108 = tpu.memref_slice %arg7[%dma_start3A_107] : memref<102400xf32, #tpu.memory_space<vmem_shared>> -> memref<102400xf32, #tpu.memory_space<vmem_shared>>
        tpu.enqueue_indirect_dma source(%arg5 : memref<128xf32, #tpu.memory_space<vmem>>) target(%dma_start3A_108 : memref<102400xf32, #tpu.memory_space<vmem_shared>>) offsets(%dma_start3A_106 : memref<128xi32, #tpu.memory_space<vmem>>) semaphore(%arg8 : memref<!tpu.dma_semaphore, #tpu.memory_space<semaphore_mem>>) {add = true}
        %mul3A_109 = arith.constant 8 : i32
        %mul3A_110 = arith.muli %scan3A_53, %mul3A_109 : i32
        %add3A_111 = arith.constant 0 : i32
        %add3A_112 = arith.addi %add3A_111, %mul3A_110 : i32
        %add3A_113 = arith.constant 5 : i32
        %add3A_114 = arith.addi %add3A_112, %add3A_113 : i32
        %dma_start3A_115 = arith.constant 0 : i32
        %dma_start3A_116 = tpu.memref_slice %arg4[%add3A_114, %dma_start3A_115] : memref<200x128xi32, #tpu.memory_space<vmem>> -> memref<1x128xi32, #tpu.memory_space<vmem>>
        %dma_start3A_117 = tpu.memref_squeeze %dma_start3A_116 : memref<1x128xi32, #tpu.memory_space<vmem>> -> memref<128xi32, #tpu.memory_space<vmem>>
        %dma_start3A_118 = arith.constant 0 : i32
        %dma_start3A_119 = tpu.memref_slice %arg7[%dma_start3A_118] : memref<102400xf32, #tpu.memory_space<vmem_shared>> -> memref<102400xf32, #tpu.memory_space<vmem_shared>>
        tpu.enqueue_indirect_dma source(%arg5 : memref<128xf32, #tpu.memory_space<vmem>>) target(%dma_start3A_119 : memref<102400xf32, #tpu.memory_space<vmem_shared>>) offsets(%dma_start3A_117 : memref<128xi32, #tpu.memory_space<vmem>>) semaphore(%arg8 : memref<!tpu.dma_semaphore, #tpu.memory_space<semaphore_mem>>) {add = true}
        %mul3A_120 = arith.constant 8 : i32
        %mul3A_121 = arith.muli %scan3A_53, %mul3A_120 : i32
        %add3A_122 = arith.constant 0 : i32
        %add3A_123 = arith.addi %add3A_122, %mul3A_121 : i32
        %add3A_124 = arith.constant 6 : i32
        %add3A_125 = arith.addi %add3A_123, %add3A_124 : i32
        %dma_start3A_126 = arith.constant 0 : i32
        %dma_start3A_127 = tpu.memref_slice %arg4[%add3A_125, %dma_start3A_126] : memref<200x128xi32, #tpu.memory_space<vmem>> -> memref<1x128xi32, #tpu.memory_space<vmem>>
        %dma_start3A_128 = tpu.memref_squeeze %dma_start3A_127 : memref<1x128xi32, #tpu.memory_space<vmem>> -> memref<128xi32, #tpu.memory_space<vmem>>
        %dma_start3A_129 = arith.constant 0 : i32
        %dma_start3A_130 = tpu.memref_slice %arg7[%dma_start3A_129] : memref<102400xf32, #tpu.memory_space<vmem_shared>> -> memref<102400xf32, #tpu.memory_space<vmem_shared>>
        tpu.enqueue_indirect_dma source(%arg5 : memref<128xf32, #tpu.memory_space<vmem>>) target(%dma_start3A_130 : memref<102400xf32, #tpu.memory_space<vmem_shared>>) offsets(%dma_start3A_128 : memref<128xi32, #tpu.memory_space<vmem>>) semaphore(%arg8 : memref<!tpu.dma_semaphore, #tpu.memory_space<semaphore_mem>>) {add = true}
        %mul3A_131 = arith.constant 8 : i32
        %mul3A_132 = arith.muli %scan3A_53, %mul3A_131 : i32
        %add3A_133 = arith.constant 0 : i32
        %add3A_134 = arith.addi %add3A_133, %mul3A_132 : i32
        %add3A_135 = arith.constant 7 : i32
        %add3A_136 = arith.addi %add3A_134, %add3A_135 : i32
        %dma_start3A_137 = arith.constant 0 : i32
        %dma_start3A_138 = tpu.memref_slice %arg4[%add3A_136, %dma_start3A_137] : memref<200x128xi32, #tpu.memory_space<vmem>> -> memref<1x128xi32, #tpu.memory_space<vmem>>
        %dma_start3A_139 = tpu.memref_squeeze %dma_start3A_138 : memref<1x128xi32, #tpu.memory_space<vmem>> -> memref<128xi32, #tpu.memory_space<vmem>>
        %dma_start3A_140 = arith.constant 0 : i32
        %dma_start3A_141 = tpu.memref_slice %arg7[%dma_start3A_140] : memref<102400xf32, #tpu.memory_space<vmem_shared>> -> memref<102400xf32, #tpu.memory_space<vmem_shared>>
        tpu.enqueue_indirect_dma source(%arg5 : memref<128xf32, #tpu.memory_space<vmem>>) target(%dma_start3A_141 : memref<102400xf32, #tpu.memory_space<vmem_shared>>) offsets(%dma_start3A_139 : memref<128xi32, #tpu.memory_space<vmem>>) semaphore(%arg8 : memref<!tpu.dma_semaphore, #tpu.memory_space<semaphore_mem>>) {add = true}
        %dma_wait3A = arith.constant 0 : i32
        %dma_wait3A_142 = tpu.memref_slice %arg4[%add3A_60, %dma_wait3A] : memref<200x128xi32, #tpu.memory_space<vmem>> -> memref<1x128xi32, #tpu.memory_space<vmem>>
        %dma_wait3A_143 = tpu.memref_squeeze %dma_wait3A_142 : memref<1x128xi32, #tpu.memory_space<vmem>> -> memref<128xi32, #tpu.memory_space<vmem>>
        %dma_wait3A_144 = arith.constant 0 : i32
        %dma_wait3A_145 = tpu.memref_slice %arg7[%dma_wait3A_144] : memref<102400xf32, #tpu.memory_space<vmem_shared>> -> memref<102400xf32, #tpu.memory_space<vmem_shared>>
        tpu.wait_indirect_dma semaphore(%arg8 : memref<!tpu.dma_semaphore, #tpu.memory_space<semaphore_mem>>) src(%arg5 : memref<128xf32, #tpu.memory_space<vmem>>) dst(%dma_wait3A_145 : memref<102400xf32, #tpu.memory_space<vmem_shared>>)
        %dma_wait3A_146 = arith.constant 0 : i32
        %dma_wait3A_147 = tpu.memref_slice %arg4[%add3A_70, %dma_wait3A_146] : memref<200x128xi32, #tpu.memory_space<vmem>> -> memref<1x128xi32, #tpu.memory_space<vmem>>
        %dma_wait3A_148 = tpu.memref_squeeze %dma_wait3A_147 : memref<1x128xi32, #tpu.memory_space<vmem>> -> memref<128xi32, #tpu.memory_space<vmem>>
        %dma_wait3A_149 = arith.constant 0 : i32
        %dma_wait3A_150 = tpu.memref_slice %arg7[%dma_wait3A_149] : memref<102400xf32, #tpu.memory_space<vmem_shared>> -> memref<102400xf32, #tpu.memory_space<vmem_shared>>
        tpu.wait_indirect_dma semaphore(%arg8 : memref<!tpu.dma_semaphore, #tpu.memory_space<semaphore_mem>>) src(%arg5 : memref<128xf32, #tpu.memory_space<vmem>>) dst(%dma_wait3A_150 : memref<102400xf32, #tpu.memory_space<vmem_shared>>)
        %dma_wait3A_151 = arith.constant 0 : i32
        %dma_wait3A_152 = tpu.memref_slice %arg4[%add3A_81, %dma_wait3A_151] : memref<200x128xi32, #tpu.memory_space<vmem>> -> memref<1x128xi32, #tpu.memory_space<vmem>>
        %dma_wait3A_153 = tpu.memref_squeeze %dma_wait3A_152 : memref<1x128xi32, #tpu.memory_space<vmem>> -> memref<128xi32, #tpu.memory_space<vmem>>
        %dma_wait3A_154 = arith.constant 0 : i32
        %dma_wait3A_155 = tpu.memref_slice %arg7[%dma_wait3A_154] : memref<102400xf32, #tpu.memory_space<vmem_shared>> -> memref<102400xf32, #tpu.memory_space<vmem_shared>>
        tpu.wait_indirect_dma semaphore(%arg8 : memref<!tpu.dma_semaphore, #tpu.memory_space<semaphore_mem>>) src(%arg5 : memref<128xf32, #tpu.memory_space<vmem>>) dst(%dma_wait3A_155 : memref<102400xf32, #tpu.memory_space<vmem_shared>>)
        %dma_wait3A_156 = arith.constant 0 : i32
        %dma_wait3A_157 = tpu.memref_slice %arg4[%add3A_92, %dma_wait3A_156] : memref<200x128xi32, #tpu.memory_space<vmem>> -> memref<1x128xi32, #tpu.memory_space<vmem>>
        %dma_wait3A_158 = tpu.memref_squeeze %dma_wait3A_157 : memref<1x128xi32, #tpu.memory_space<vmem>> -> memref<128xi32, #tpu.memory_space<vmem>>
        %dma_wait3A_159 = arith.constant 0 : i32
        %dma_wait3A_160 = tpu.memref_slice %arg7[%dma_wait3A_159] : memref<102400xf32, #tpu.memory_space<vmem_shared>> -> memref<102400xf32, #tpu.memory_space<vmem_shared>>
        tpu.wait_indirect_dma semaphore(%arg8 : memref<!tpu.dma_semaphore, #tpu.memory_space<semaphore_mem>>) src(%arg5 : memref<128xf32, #tpu.memory_space<vmem>>) dst(%dma_wait3A_160 : memref<102400xf32, #tpu.memory_space<vmem_shared>>)
        %dma_wait3A_161 = arith.constant 0 : i32
        %dma_wait3A_162 = tpu.memref_slice %arg4[%add3A_103, %dma_wait3A_161] : memref<200x128xi32, #tpu.memory_space<vmem>> -> memref<1x128xi32, #tpu.memory_space<vmem>>
        %dma_wait3A_163 = tpu.memref_squeeze %dma_wait3A_162 : memref<1x128xi32, #tpu.memory_space<vmem>> -> memref<128xi32, #tpu.memory_space<vmem>>
        %dma_wait3A_164 = arith.constant 0 : i32
        %dma_wait3A_165 = tpu.memref_slice %arg7[%dma_wait3A_164] : memref<102400xf32, #tpu.memory_space<vmem_shared>> -> memref<102400xf32, #tpu.memory_space<vmem_shared>>
        tpu.wait_indirect_dma semaphore(%arg8 : memref<!tpu.dma_semaphore, #tpu.memory_space<semaphore_mem>>) src(%arg5 : memref<128xf32, #tpu.memory_space<vmem>>) dst(%dma_wait3A_165 : memref<102400xf32, #tpu.memory_space<vmem_shared>>)
        %dma_wait3A_166 = arith.constant 0 : i32
        %dma_wait3A_167 = tpu.memref_slice %arg4[%add3A_114, %dma_wait3A_166] : memref<200x128xi32, #tpu.memory_space<vmem>> -> memref<1x128xi32, #tpu.memory_space<vmem>>
        %dma_wait3A_168 = tpu.memref_squeeze %dma_wait3A_167 : memref<1x128xi32, #tpu.memory_space<vmem>> -> memref<128xi32, #tpu.memory_space<vmem>>
        %dma_wait3A_169 = arith.constant 0 : i32
        %dma_wait3A_170 = tpu.memref_slice %arg7[%dma_wait3A_169] : memref<102400xf32, #tpu.memory_space<vmem_shared>> -> memref<102400xf32, #tpu.memory_space<vmem_shared>>
        tpu.wait_indirect_dma semaphore(%arg8 : memref<!tpu.dma_semaphore, #tpu.memory_space<semaphore_mem>>) src(%arg5 : memref<128xf32, #tpu.memory_space<vmem>>) dst(%dma_wait3A_170 : memref<102400xf32, #tpu.memory_space<vmem_shared>>)
        %dma_wait3A_171 = arith.constant 0 : i32
        %dma_wait3A_172 = tpu.memref_slice %arg4[%add3A_125, %dma_wait3A_171] : memref<200x128xi32, #tpu.memory_space<vmem>> -> memref<1x128xi32, #tpu.memory_space<vmem>>
        %dma_wait3A_173 = tpu.memref_squeeze %dma_wait3A_172 : memref<1x128xi32, #tpu.memory_space<vmem>> -> memref<128xi32, #tpu.memory_space<vmem>>
        %dma_wait3A_174 = arith.constant 0 : i32
        %dma_wait3A_175 = tpu.memref_slice %arg7[%dma_wait3A_174] : memref<102400xf32, #tpu.memory_space<vmem_shared>> -> memref<102400xf32, #tpu.memory_space<vmem_shared>>
        tpu.wait_indirect_dma semaphore(%arg8 : memref<!tpu.dma_semaphore, #tpu.memory_space<semaphore_mem>>) src(%arg5 : memref<128xf32, #tpu.memory_space<vmem>>) dst(%dma_wait3A_175 : memref<102400xf32, #tpu.memory_space<vmem_shared>>)
        %dma_wait3A_176 = arith.constant 0 : i32
        %dma_wait3A_177 = tpu.memref_slice %arg4[%add3A_136, %dma_wait3A_176] : memref<200x128xi32, #tpu.memory_space<vmem>> -> memref<1x128xi32, #tpu.memory_space<vmem>>
        %dma_wait3A_178 = tpu.memref_squeeze %dma_wait3A_177 : memref<1x128xi32, #tpu.memory_space<vmem>> -> memref<128xi32, #tpu.memory_space<vmem>>
        %dma_wait3A_179 = arith.constant 0 : i32
        %dma_wait3A_180 = tpu.memref_slice %arg7[%dma_wait3A_179] : memref<102400xf32, #tpu.memory_space<vmem_shared>> -> memref<102400xf32, #tpu.memory_space<vmem_shared>>
        tpu.wait_indirect_dma semaphore(%arg8 : memref<!tpu.dma_semaphore, #tpu.memory_space<semaphore_mem>>) src(%arg5 : memref<128xf32, #tpu.memory_space<vmem>>) dst(%dma_wait3A_180 : memref<102400xf32, #tpu.memory_space<vmem_shared>>)
        %scan3A_181 = arith.constant 0 : i32
        scf.yield %scan3A_181 : i32
      }
      %scan3A_52 = arith.constant 6 : i32
    } else {
    }
    %barrier3A_41 = arith.constant 0 : index
    tpu.barrier barrier_id(%barrier3A_41)
    %mul3A_42 = arith.constant 6400 : i32
    %mul3A_43 = arith.muli %arg1, %mul3A_42 : i32
    "tpu.region"() ({
      %run_scoped3A = tpu.sem_alloc : memref<!tpu.dma_semaphore, #tpu.memory_space<semaphore_mem>>
      %dma_start3A = tpu.memref_slice %arg7[%mul3A_43] : memref<102400xf32, #tpu.memory_space<vmem_shared>> -> memref<6400xf32, #tpu.memory_space<vmem_shared>>
      %dma_start3A_46 = tpu.memref_slice %arg7[%mul3A_43] : memref<102400xf32, #tpu.memory_space<vmem_shared>> -> memref<6400xf32, #tpu.memory_space<vmem_shared>>
      tpu.enqueue_dma source(%dma_start3A_46 : memref<6400xf32, #tpu.memory_space<vmem_shared>>) target(%arg6 : memref<6400xf32, #tpu.memory_space<vmem>>) target_semaphore(%run_scoped3A : memref<!tpu.dma_semaphore, #tpu.memory_space<semaphore_mem>>)
      %dma_wait3A = tpu.memref_slice %arg7[%mul3A_43] : memref<102400xf32, #tpu.memory_space<vmem_shared>> -> memref<6400xf32, #tpu.memory_space<vmem_shared>>
      %dma_wait3A_47 = tpu.memref_slice %arg7[%mul3A_43] : memref<102400xf32, #tpu.memory_space<vmem_shared>> -> memref<6400xf32, #tpu.memory_space<vmem_shared>>
      tpu.wait_dma2 semaphore(%run_scoped3A : memref<!tpu.dma_semaphore, #tpu.memory_space<semaphore_mem>>) src(%dma_wait3A_47 : memref<6400xf32, #tpu.memory_space<vmem_shared>>) dst(%arg6 : memref<6400xf32, #tpu.memory_space<vmem>>)
      tpu.yield
    }) : () -> ()
    %mul3A_44 = arith.constant 6400 : i32
    %mul3A_45 = arith.muli %arg1, %mul3A_44 : i32
    "tpu.region"() ({
      %run_scoped3A = tpu.sem_alloc : memref<!tpu.dma_semaphore, #tpu.memory_space<semaphore_mem>>
      %dma_start3A = tpu.memref_slice %arg3[%arg0, %mul3A_45] : memref<2x102400xf32, #tpu.memory_space<hbm>> -> memref<1x6400xf32, #tpu.memory_space<hbm>>
      %dma_start3A_46 = tpu.memref_squeeze %dma_start3A : memref<1x6400xf32, #tpu.memory_space<hbm>> -> memref<6400xf32, #tpu.memory_space<hbm>>
      %dma_start3A_47 = tpu.memref_slice %arg3[%arg0, %mul3A_45] : memref<2x102400xf32, #tpu.memory_space<hbm>> -> memref<1x6400xf32, #tpu.memory_space<hbm>>
      %dma_start3A_48 = tpu.memref_squeeze %dma_start3A_47 : memref<1x6400xf32, #tpu.memory_space<hbm>> -> memref<6400xf32, #tpu.memory_space<hbm>>
      tpu.enqueue_dma source(%arg6 : memref<6400xf32, #tpu.memory_space<vmem>>) target(%dma_start3A_48 : memref<6400xf32, #tpu.memory_space<hbm>>) target_semaphore(%run_scoped3A : memref<!tpu.dma_semaphore, #tpu.memory_space<semaphore_mem>>)
      %dma_wait3A = tpu.memref_slice %arg3[%arg0, %mul3A_45] : memref<2x102400xf32, #tpu.memory_space<hbm>> -> memref<1x6400xf32, #tpu.memory_space<hbm>>
      %dma_wait3A_49 = tpu.memref_squeeze %dma_wait3A : memref<1x6400xf32, #tpu.memory_space<hbm>> -> memref<6400xf32, #tpu.memory_space<hbm>>
      %dma_wait3A_50 = tpu.memref_slice %arg3[%arg0, %mul3A_45] : memref<2x102400xf32, #tpu.memory_space<hbm>> -> memref<1x6400xf32, #tpu.memory_space<hbm>>
      %dma_wait3A_51 = tpu.memref_squeeze %dma_wait3A_50 : memref<1x6400xf32, #tpu.memory_space<hbm>> -> memref<6400xf32, #tpu.memory_space<hbm>>
      tpu.wait_dma2 semaphore(%run_scoped3A : memref<!tpu.dma_semaphore, #tpu.memory_space<semaphore_mem>>) src(%arg6 : memref<6400xf32, #tpu.memory_space<vmem>>) dst(%dma_wait3A_51 : memref<6400xf32, #tpu.memory_space<hbm>>)
      tpu.yield
    }) : () -> ()
    return
  }
}

#map = affine_map<(d0, d1) -> (0, 0)>
module attributes {stable_mosaic.version = 14 : i64} {
  func.func @deg_kernel(%arg0: i32, %arg1: i32, %arg2: memref<12504x128xi32, #tpu.memory_space<hbm>>, %arg3: memref<2x102400xf32, #tpu.memory_space<hbm>>, %arg4: memref<208x128xi32, #tpu.memory_space<vmem>>, %arg5: memref<128xf32, #tpu.memory_space<vmem>>, %arg6: memref<6400xf32, #tpu.memory_space<vmem>>, %arg7: memref<102400xf32, #tpu.memory_space<vmem_shared>>, %arg8: memref<!tpu.dma_semaphore, #tpu.memory_space<semaphore_mem>>) attributes {dimension_semantics = [#tpu.dimension_semantics<core_parallel>, #tpu.dimension_semantics<subcore_parallel>], iteration_bounds = array<i64: 2, 16>, scalar_prefetch = 0 : i64, scratch_operands = 5 : i64, tpu.core_type = #tpu.core_type<sc_vector_subcore>, window_params = [{transform_indices = #map}, {transform_indices = #map}]} {
    %mul3A = arith.constant 2 : i32
    %mul3A_0 = arith.muli %arg1, %mul3A : i32
    %add3A = arith.addi %mul3A_0, %arg0 : i32
    %scan3A = arith.constant 0 : i32
    %scan3A_1 = arith.constant 0 : i32
    %scan3A_2 = arith.constant 8 : i32
    %scan3A_3 = arith.addi %scan3A_1, %scan3A_2 : i32
    %scan3A_4 = arith.constant 1 : i32
    %scan3A_5 = scf.for %scan3A_46 = %scan3A_1 to %scan3A_3 step %scan3A_4 iter_args(%scan3A_47 = %scan3A) -> (i32)  : i32 {
      %broadcast_in_dim3A = arith.constant 1.000000e+00 : f32
      %broadcast_in_dim3A_48 = vector.broadcast %broadcast_in_dim3A : f32 to vector<16xf32>
      %mul3A_49 = arith.constant 16 : i32
      %mul3A_50 = arith.muli %scan3A_46, %mul3A_49 : i32
      %swap3A = arith.index_cast %mul3A_50 : i32 to index
      %swap3A_51 = tpu.vector_load %arg5[%swap3A] {strides = array<i32>} : memref<128xf32, #tpu.memory_space<vmem>>, vector<16xf32>,
      %swap3A_52 = vector.shape_cast %swap3A_51 : vector<16xf32> to vector<16xf32>
      %swap3A_53 = vector.shape_cast %broadcast_in_dim3A_48 : vector<16xf32> to vector<16xf32>
      tpu.vector_store %arg5[%swap3A], %swap3A_53 {strides = array<i32>} : memref<128xf32, #tpu.memory_space<vmem>>, vector<16xf32>,
      %scan3A_54 = arith.constant 0 : i32
      scf.yield %scan3A_54 : i32
    }
    %scan3A_6 = arith.constant 8 : i32
    %eq3A = arith.constant 31 : i32
    %eq3A_7 = arith.cmpi eq, %add3A, %eq3A : i32
    %convert_element_type3A = arith.extui %eq3A_7 : i1 to i32
    %cond3A = arith.constant 0 : i32
    %cond3A_8 = arith.cmpi ne, %convert_element_type3A, %cond3A : i32
    scf.if %cond3A_8 {
      %broadcast_in_dim3A = arith.constant 100000 : i32
      %broadcast_in_dim3A_46 = vector.broadcast %broadcast_in_dim3A : i32 to vector<16xi32>
      %swap3A = arith.constant 56 : i32
      %swap3A_47 = arith.index_cast %swap3A : i32 to index
      %swap3A_48 = arith.constant 0 : index
      %swap3A_49 = tpu.vector_load %arg4[%swap3A_47, %swap3A_48] {strides = array<i32>} : memref<208x128xi32, #tpu.memory_space<vmem>>, vector<1x16xi32>,
      %swap3A_50 = vector.shape_cast %swap3A_49 : vector<1x16xi32> to vector<16xi32>
      %swap3A_51 = vector.shape_cast %broadcast_in_dim3A_46 : vector<16xi32> to vector<1x16xi32>
      tpu.vector_store %arg4[%swap3A_47, %swap3A_48], %swap3A_51 {strides = array<i32>} : memref<208x128xi32, #tpu.memory_space<vmem>>, vector<1x16xi32>,
      %broadcast_in_dim3A_52 = arith.constant 100000 : i32
      %broadcast_in_dim3A_53 = vector.broadcast %broadcast_in_dim3A_52 : i32 to vector<16xi32>
      %swap3A_54 = arith.constant 56 : i32
      %swap3A_55 = arith.index_cast %swap3A_54 : i32 to index
      %swap3A_56 = arith.constant 16 : index
      %swap3A_57 = tpu.vector_load %arg4[%swap3A_55, %swap3A_56] {strides = array<i32>} : memref<208x128xi32, #tpu.memory_space<vmem>>, vector<1x16xi32>,
      %swap3A_58 = vector.shape_cast %swap3A_57 : vector<1x16xi32> to vector<16xi32>
      %swap3A_59 = vector.shape_cast %broadcast_in_dim3A_53 : vector<16xi32> to vector<1x16xi32>
      tpu.vector_store %arg4[%swap3A_55, %swap3A_56], %swap3A_59 {strides = array<i32>} : memref<208x128xi32, #tpu.memory_space<vmem>>, vector<1x16xi32>,
      %broadcast_in_dim3A_60 = arith.constant 100000 : i32
      %broadcast_in_dim3A_61 = vector.broadcast %broadcast_in_dim3A_60 : i32 to vector<16xi32>
      %swap3A_62 = arith.constant 56 : i32
      %swap3A_63 = arith.index_cast %swap3A_62 : i32 to index
      %swap3A_64 = arith.constant 32 : index
      %swap3A_65 = tpu.vector_load %arg4[%swap3A_63, %swap3A_64] {strides = array<i32>} : memref<208x128xi32, #tpu.memory_space<vmem>>, vector<1x16xi32>,
      %swap3A_66 = vector.shape_cast %swap3A_65 : vector<1x16xi32> to vector<16xi32>
      %swap3A_67 = vector.shape_cast %broadcast_in_dim3A_61 : vector<16xi32> to vector<1x16xi32>
      tpu.vector_store %arg4[%swap3A_63, %swap3A_64], %swap3A_67 {strides = array<i32>} : memref<208x128xi32, #tpu.memory_space<vmem>>, vector<1x16xi32>,
      %broadcast_in_dim3A_68 = arith.constant 100000 : i32
      %broadcast_in_dim3A_69 = vector.broadcast %broadcast_in_dim3A_68 : i32 to vector<16xi32>
      %swap3A_70 = arith.constant 56 : i32
      %swap3A_71 = arith.index_cast %swap3A_70 : i32 to index
      %swap3A_72 = arith.constant 48 : index
      %swap3A_73 = tpu.vector_load %arg4[%swap3A_71, %swap3A_72] {strides = array<i32>} : memref<208x128xi32, #tpu.memory_space<vmem>>, vector<1x16xi32>,
      %swap3A_74 = vector.shape_cast %swap3A_73 : vector<1x16xi32> to vector<16xi32>
      %swap3A_75 = vector.shape_cast %broadcast_in_dim3A_69 : vector<16xi32> to vector<1x16xi32>
      tpu.vector_store %arg4[%swap3A_71, %swap3A_72], %swap3A_75 {strides = array<i32>} : memref<208x128xi32, #tpu.memory_space<vmem>>, vector<1x16xi32>,
      %broadcast_in_dim3A_76 = arith.constant 100000 : i32
      %broadcast_in_dim3A_77 = vector.broadcast %broadcast_in_dim3A_76 : i32 to vector<16xi32>
      %swap3A_78 = arith.constant 56 : i32
      %swap3A_79 = arith.index_cast %swap3A_78 : i32 to index
      %swap3A_80 = arith.constant 64 : index
      %swap3A_81 = tpu.vector_load %arg4[%swap3A_79, %swap3A_80] {strides = array<i32>} : memref<208x128xi32, #tpu.memory_space<vmem>>, vector<1x16xi32>,
      %swap3A_82 = vector.shape_cast %swap3A_81 : vector<1x16xi32> to vector<16xi32>
      %swap3A_83 = vector.shape_cast %broadcast_in_dim3A_77 : vector<16xi32> to vector<1x16xi32>
      tpu.vector_store %arg4[%swap3A_79, %swap3A_80], %swap3A_83 {strides = array<i32>} : memref<208x128xi32, #tpu.memory_space<vmem>>, vector<1x16xi32>,
      %broadcast_in_dim3A_84 = arith.constant 100000 : i32
      %broadcast_in_dim3A_85 = vector.broadcast %broadcast_in_dim3A_84 : i32 to vector<16xi32>
      %swap3A_86 = arith.constant 56 : i32
      %swap3A_87 = arith.index_cast %swap3A_86 : i32 to index
      %swap3A_88 = arith.constant 80 : index
      %swap3A_89 = tpu.vector_load %arg4[%swap3A_87, %swap3A_88] {strides = array<i32>} : memref<208x128xi32, #tpu.memory_space<vmem>>, vector<1x16xi32>,
      %swap3A_90 = vector.shape_cast %swap3A_89 : vector<1x16xi32> to vector<16xi32>
      %swap3A_91 = vector.shape_cast %broadcast_in_dim3A_85 : vector<16xi32> to vector<1x16xi32>
      tpu.vector_store %arg4[%swap3A_87, %swap3A_88], %swap3A_91 {strides = array<i32>} : memref<208x128xi32, #tpu.memory_space<vmem>>, vector<1x16xi32>,
      %broadcast_in_dim3A_92 = arith.constant 100000 : i32
      %broadcast_in_dim3A_93 = vector.broadcast %broadcast_in_dim3A_92 : i32 to vector<16xi32>
      %swap3A_94 = arith.constant 56 : i32
      %swap3A_95 = arith.index_cast %swap3A_94 : i32 to index
      %swap3A_96 = arith.constant 96 : index
      %swap3A_97 = tpu.vector_load %arg4[%swap3A_95, %swap3A_96] {strides = array<i32>} : memref<208x128xi32, #tpu.memory_space<vmem>>, vector<1x16xi32>,
      %swap3A_98 = vector.shape_cast %swap3A_97 : vector<1x16xi32> to vector<16xi32>
      %swap3A_99 = vector.shape_cast %broadcast_in_dim3A_93 : vector<16xi32> to vector<1x16xi32>
      tpu.vector_store %arg4[%swap3A_95, %swap3A_96], %swap3A_99 {strides = array<i32>} : memref<208x128xi32, #tpu.memory_space<vmem>>, vector<1x16xi32>,
      %broadcast_in_dim3A_100 = arith.constant 100000 : i32
      %broadcast_in_dim3A_101 = vector.broadcast %broadcast_in_dim3A_100 : i32 to vector<16xi32>
      %swap3A_102 = arith.constant 56 : i32
      %swap3A_103 = arith.index_cast %swap3A_102 : i32 to index
      %swap3A_104 = arith.constant 112 : index
      %swap3A_105 = tpu.vector_load %arg4[%swap3A_103, %swap3A_104] {strides = array<i32>} : memref<208x128xi32, #tpu.memory_space<vmem>>, vector<1x16xi32>,
      %swap3A_106 = vector.shape_cast %swap3A_105 : vector<1x16xi32> to vector<16xi32>
      %swap3A_107 = vector.shape_cast %broadcast_in_dim3A_101 : vector<16xi32> to vector<1x16xi32>
      tpu.vector_store %arg4[%swap3A_103, %swap3A_104], %swap3A_107 {strides = array<i32>} : memref<208x128xi32, #tpu.memory_space<vmem>>, vector<1x16xi32>,
      %broadcast_in_dim3A_108 = arith.constant 100000 : i32
      %broadcast_in_dim3A_109 = vector.broadcast %broadcast_in_dim3A_108 : i32 to vector<16xi32>
      %swap3A_110 = arith.constant 57 : i32
      %swap3A_111 = arith.index_cast %swap3A_110 : i32 to index
      %swap3A_112 = arith.constant 0 : index
      %swap3A_113 = tpu.vector_load %arg4[%swap3A_111, %swap3A_112] {strides = array<i32>} : memref<208x128xi32, #tpu.memory_space<vmem>>, vector<1x16xi32>,
      %swap3A_114 = vector.shape_cast %swap3A_113 : vector<1x16xi32> to vector<16xi32>
      %swap3A_115 = vector.shape_cast %broadcast_in_dim3A_109 : vector<16xi32> to vector<1x16xi32>
      tpu.vector_store %arg4[%swap3A_111, %swap3A_112], %swap3A_115 {strides = array<i32>} : memref<208x128xi32, #tpu.memory_space<vmem>>, vector<1x16xi32>,
      %broadcast_in_dim3A_116 = arith.constant 100000 : i32
      %broadcast_in_dim3A_117 = vector.broadcast %broadcast_in_dim3A_116 : i32 to vector<16xi32>
      %swap3A_118 = arith.constant 57 : i32
      %swap3A_119 = arith.index_cast %swap3A_118 : i32 to index
      %swap3A_120 = arith.constant 16 : index
      %swap3A_121 = tpu.vector_load %arg4[%swap3A_119, %swap3A_120] {strides = array<i32>} : memref<208x128xi32, #tpu.memory_space<vmem>>, vector<1x16xi32>,
      %swap3A_122 = vector.shape_cast %swap3A_121 : vector<1x16xi32> to vector<16xi32>
      %swap3A_123 = vector.shape_cast %broadcast_in_dim3A_117 : vector<16xi32> to vector<1x16xi32>
      tpu.vector_store %arg4[%swap3A_119, %swap3A_120], %swap3A_123 {strides = array<i32>} : memref<208x128xi32, #tpu.memory_space<vmem>>, vector<1x16xi32>,
      %broadcast_in_dim3A_124 = arith.constant 100000 : i32
      %broadcast_in_dim3A_125 = vector.broadcast %broadcast_in_dim3A_124 : i32 to vector<16xi32>
      %swap3A_126 = arith.constant 57 : i32
      %swap3A_127 = arith.index_cast %swap3A_126 : i32 to index
      %swap3A_128 = arith.constant 32 : index
      %swap3A_129 = tpu.vector_load %arg4[%swap3A_127, %swap3A_128] {strides = array<i32>} : memref<208x128xi32, #tpu.memory_space<vmem>>, vector<1x16xi32>,
      %swap3A_130 = vector.shape_cast %swap3A_129 : vector<1x16xi32> to vector<16xi32>
      %swap3A_131 = vector.shape_cast %broadcast_in_dim3A_125 : vector<16xi32> to vector<1x16xi32>
      tpu.vector_store %arg4[%swap3A_127, %swap3A_128], %swap3A_131 {strides = array<i32>} : memref<208x128xi32, #tpu.memory_space<vmem>>, vector<1x16xi32>,
      %broadcast_in_dim3A_132 = arith.constant 100000 : i32
      %broadcast_in_dim3A_133 = vector.broadcast %broadcast_in_dim3A_132 : i32 to vector<16xi32>
      %swap3A_134 = arith.constant 57 : i32
      %swap3A_135 = arith.index_cast %swap3A_134 : i32 to index
      %swap3A_136 = arith.constant 48 : index
      %swap3A_137 = tpu.vector_load %arg4[%swap3A_135, %swap3A_136] {strides = array<i32>} : memref<208x128xi32, #tpu.memory_space<vmem>>, vector<1x16xi32>,
      %swap3A_138 = vector.shape_cast %swap3A_137 : vector<1x16xi32> to vector<16xi32>
      %swap3A_139 = vector.shape_cast %broadcast_in_dim3A_133 : vector<16xi32> to vector<1x16xi32>
      tpu.vector_store %arg4[%swap3A_135, %swap3A_136], %swap3A_139 {strides = array<i32>} : memref<208x128xi32, #tpu.memory_space<vmem>>, vector<1x16xi32>,
      %broadcast_in_dim3A_140 = arith.constant 100000 : i32
      %broadcast_in_dim3A_141 = vector.broadcast %broadcast_in_dim3A_140 : i32 to vector<16xi32>
      %swap3A_142 = arith.constant 57 : i32
      %swap3A_143 = arith.index_cast %swap3A_142 : i32 to index
      %swap3A_144 = arith.constant 64 : index
      %swap3A_145 = tpu.vector_load %arg4[%swap3A_143, %swap3A_144] {strides = array<i32>} : memref<208x128xi32, #tpu.memory_space<vmem>>, vector<1x16xi32>,
      %swap3A_146 = vector.shape_cast %swap3A_145 : vector<1x16xi32> to vector<16xi32>
      %swap3A_147 = vector.shape_cast %broadcast_in_dim3A_141 : vector<16xi32> to vector<1x16xi32>
      tpu.vector_store %arg4[%swap3A_143, %swap3A_144], %swap3A_147 {strides = array<i32>} : memref<208x128xi32, #tpu.memory_space<vmem>>, vector<1x16xi32>,
      %broadcast_in_dim3A_148 = arith.constant 100000 : i32
      %broadcast_in_dim3A_149 = vector.broadcast %broadcast_in_dim3A_148 : i32 to vector<16xi32>
      %swap3A_150 = arith.constant 57 : i32
      %swap3A_151 = arith.index_cast %swap3A_150 : i32 to index
      %swap3A_152 = arith.constant 80 : index
      %swap3A_153 = tpu.vector_load %arg4[%swap3A_151, %swap3A_152] {strides = array<i32>} : memref<208x128xi32, #tpu.memory_space<vmem>>, vector<1x16xi32>,
      %swap3A_154 = vector.shape_cast %swap3A_153 : vector<1x16xi32> to vector<16xi32>
      %swap3A_155 = vector.shape_cast %broadcast_in_dim3A_149 : vector<16xi32> to vector<1x16xi32>
      tpu.vector_store %arg4[%swap3A_151, %swap3A_152], %swap3A_155 {strides = array<i32>} : memref<208x128xi32, #tpu.memory_space<vmem>>, vector<1x16xi32>,
      %broadcast_in_dim3A_156 = arith.constant 100000 : i32
      %broadcast_in_dim3A_157 = vector.broadcast %broadcast_in_dim3A_156 : i32 to vector<16xi32>
      %swap3A_158 = arith.constant 57 : i32
      %swap3A_159 = arith.index_cast %swap3A_158 : i32 to index
      %swap3A_160 = arith.constant 96 : index
      %swap3A_161 = tpu.vector_load %arg4[%swap3A_159, %swap3A_160] {strides = array<i32>} : memref<208x128xi32, #tpu.memory_space<vmem>>, vector<1x16xi32>,
      %swap3A_162 = vector.shape_cast %swap3A_161 : vector<1x16xi32> to vector<16xi32>
      %swap3A_163 = vector.shape_cast %broadcast_in_dim3A_157 : vector<16xi32> to vector<1x16xi32>
      tpu.vector_store %arg4[%swap3A_159, %swap3A_160], %swap3A_163 {strides = array<i32>} : memref<208x128xi32, #tpu.memory_space<vmem>>, vector<1x16xi32>,
      %broadcast_in_dim3A_164 = arith.constant 100000 : i32
      %broadcast_in_dim3A_165 = vector.broadcast %broadcast_in_dim3A_164 : i32 to vector<16xi32>
      %swap3A_166 = arith.constant 57 : i32
      %swap3A_167 = arith.index_cast %swap3A_166 : i32 to index
      %swap3A_168 = arith.constant 112 : index
      %swap3A_169 = tpu.vector_load %arg4[%swap3A_167, %swap3A_168] {strides = array<i32>} : memref<208x128xi32, #tpu.memory_space<vmem>>, vector<1x16xi32>,
      %swap3A_170 = vector.shape_cast %swap3A_169 : vector<1x16xi32> to vector<16xi32>
      %swap3A_171 = vector.shape_cast %broadcast_in_dim3A_165 : vector<16xi32> to vector<1x16xi32>
      tpu.vector_store %arg4[%swap3A_167, %swap3A_168], %swap3A_171 {strides = array<i32>} : memref<208x128xi32, #tpu.memory_space<vmem>>, vector<1x16xi32>,
      %broadcast_in_dim3A_172 = arith.constant 100000 : i32
      %broadcast_in_dim3A_173 = vector.broadcast %broadcast_in_dim3A_172 : i32 to vector<16xi32>
      %swap3A_174 = arith.constant 58 : i32
      %swap3A_175 = arith.index_cast %swap3A_174 : i32 to index
      %swap3A_176 = arith.constant 0 : index
      %swap3A_177 = tpu.vector_load %arg4[%swap3A_175, %swap3A_176] {strides = array<i32>} : memref<208x128xi32, #tpu.memory_space<vmem>>, vector<1x16xi32>,
      %swap3A_178 = vector.shape_cast %swap3A_177 : vector<1x16xi32> to vector<16xi32>
      %swap3A_179 = vector.shape_cast %broadcast_in_dim3A_173 : vector<16xi32> to vector<1x16xi32>
      tpu.vector_store %arg4[%swap3A_175, %swap3A_176], %swap3A_179 {strides = array<i32>} : memref<208x128xi32, #tpu.memory_space<vmem>>, vector<1x16xi32>,
      %broadcast_in_dim3A_180 = arith.constant 100000 : i32
      %broadcast_in_dim3A_181 = vector.broadcast %broadcast_in_dim3A_180 : i32 to vector<16xi32>
      %swap3A_182 = arith.constant 58 : i32
      %swap3A_183 = arith.index_cast %swap3A_182 : i32 to index
      %swap3A_184 = arith.constant 16 : index
      %swap3A_185 = tpu.vector_load %arg4[%swap3A_183, %swap3A_184] {strides = array<i32>} : memref<208x128xi32, #tpu.memory_space<vmem>>, vector<1x16xi32>,
      %swap3A_186 = vector.shape_cast %swap3A_185 : vector<1x16xi32> to vector<16xi32>
      %swap3A_187 = vector.shape_cast %broadcast_in_dim3A_181 : vector<16xi32> to vector<1x16xi32>
      tpu.vector_store %arg4[%swap3A_183, %swap3A_184], %swap3A_187 {strides = array<i32>} : memref<208x128xi32, #tpu.memory_space<vmem>>, vector<1x16xi32>,
      %broadcast_in_dim3A_188 = arith.constant 100000 : i32
      %broadcast_in_dim3A_189 = vector.broadcast %broadcast_in_dim3A_188 : i32 to vector<16xi32>
      %swap3A_190 = arith.constant 58 : i32
      %swap3A_191 = arith.index_cast %swap3A_190 : i32 to index
      %swap3A_192 = arith.constant 32 : index
      %swap3A_193 = tpu.vector_load %arg4[%swap3A_191, %swap3A_192] {strides = array<i32>} : memref<208x128xi32, #tpu.memory_space<vmem>>, vector<1x16xi32>,
      %swap3A_194 = vector.shape_cast %swap3A_193 : vector<1x16xi32> to vector<16xi32>
      %swap3A_195 = vector.shape_cast %broadcast_in_dim3A_189 : vector<16xi32> to vector<1x16xi32>
      tpu.vector_store %arg4[%swap3A_191, %swap3A_192], %swap3A_195 {strides = array<i32>} : memref<208x128xi32, #tpu.memory_space<vmem>>, vector<1x16xi32>,
      %broadcast_in_dim3A_196 = arith.constant 100000 : i32
      %broadcast_in_dim3A_197 = vector.broadcast %broadcast_in_dim3A_196 : i32 to vector<16xi32>
      %swap3A_198 = arith.constant 58 : i32
      %swap3A_199 = arith.index_cast %swap3A_198 : i32 to index
      %swap3A_200 = arith.constant 48 : index
      %swap3A_201 = tpu.vector_load %arg4[%swap3A_199, %swap3A_200] {strides = array<i32>} : memref<208x128xi32, #tpu.memory_space<vmem>>, vector<1x16xi32>,
      %swap3A_202 = vector.shape_cast %swap3A_201 : vector<1x16xi32> to vector<16xi32>
      %swap3A_203 = vector.shape_cast %broadcast_in_dim3A_197 : vector<16xi32> to vector<1x16xi32>
      tpu.vector_store %arg4[%swap3A_199, %swap3A_200], %swap3A_203 {strides = array<i32>} : memref<208x128xi32, #tpu.memory_space<vmem>>, vector<1x16xi32>,
      %broadcast_in_dim3A_204 = arith.constant 100000 : i32
      %broadcast_in_dim3A_205 = vector.broadcast %broadcast_in_dim3A_204 : i32 to vector<16xi32>
      %swap3A_206 = arith.constant 58 : i32
      %swap3A_207 = arith.index_cast %swap3A_206 : i32 to index
      %swap3A_208 = arith.constant 64 : index
      %swap3A_209 = tpu.vector_load %arg4[%swap3A_207, %swap3A_208] {strides = array<i32>} : memref<208x128xi32, #tpu.memory_space<vmem>>, vector<1x16xi32>,
      %swap3A_210 = vector.shape_cast %swap3A_209 : vector<1x16xi32> to vector<16xi32>
      %swap3A_211 = vector.shape_cast %broadcast_in_dim3A_205 : vector<16xi32> to vector<1x16xi32>
      tpu.vector_store %arg4[%swap3A_207, %swap3A_208], %swap3A_211 {strides = array<i32>} : memref<208x128xi32, #tpu.memory_space<vmem>>, vector<1x16xi32>,
      %broadcast_in_dim3A_212 = arith.constant 100000 : i32
      %broadcast_in_dim3A_213 = vector.broadcast %broadcast_in_dim3A_212 : i32 to vector<16xi32>
      %swap3A_214 = arith.constant 58 : i32
      %swap3A_215 = arith.index_cast %swap3A_214 : i32 to index
      %swap3A_216 = arith.constant 80 : index
      %swap3A_217 = tpu.vector_load %arg4[%swap3A_215, %swap3A_216] {strides = array<i32>} : memref<208x128xi32, #tpu.memory_space<vmem>>, vector<1x16xi32>,
      %swap3A_218 = vector.shape_cast %swap3A_217 : vector<1x16xi32> to vector<16xi32>
      %swap3A_219 = vector.shape_cast %broadcast_in_dim3A_213 : vector<16xi32> to vector<1x16xi32>
      tpu.vector_store %arg4[%swap3A_215, %swap3A_216], %swap3A_219 {strides = array<i32>} : memref<208x128xi32, #tpu.memory_space<vmem>>, vector<1x16xi32>,
      %broadcast_in_dim3A_220 = arith.constant 100000 : i32
      %broadcast_in_dim3A_221 = vector.broadcast %broadcast_in_dim3A_220 : i32 to vector<16xi32>
      %swap3A_222 = arith.constant 58 : i32
      %swap3A_223 = arith.index_cast %swap3A_222 : i32 to index
      %swap3A_224 = arith.constant 96 : index
      %swap3A_225 = tpu.vector_load %arg4[%swap3A_223, %swap3A_224] {strides = array<i32>} : memref<208x128xi32, #tpu.memory_space<vmem>>, vector<1x16xi32>,
      %swap3A_226 = vector.shape_cast %swap3A_225 : vector<1x16xi32> to vector<16xi32>
      %swap3A_227 = vector.shape_cast %broadcast_in_dim3A_221 : vector<16xi32> to vector<1x16xi32>
      tpu.vector_store %arg4[%swap3A_223, %swap3A_224], %swap3A_227 {strides = array<i32>} : memref<208x128xi32, #tpu.memory_space<vmem>>, vector<1x16xi32>,
      %broadcast_in_dim3A_228 = arith.constant 100000 : i32
      %broadcast_in_dim3A_229 = vector.broadcast %broadcast_in_dim3A_228 : i32 to vector<16xi32>
      %swap3A_230 = arith.constant 58 : i32
      %swap3A_231 = arith.index_cast %swap3A_230 : i32 to index
      %swap3A_232 = arith.constant 112 : index
      %swap3A_233 = tpu.vector_load %arg4[%swap3A_231, %swap3A_232] {strides = array<i32>} : memref<208x128xi32, #tpu.memory_space<vmem>>, vector<1x16xi32>,
      %swap3A_234 = vector.shape_cast %swap3A_233 : vector<1x16xi32> to vector<16xi32>
      %swap3A_235 = vector.shape_cast %broadcast_in_dim3A_229 : vector<16xi32> to vector<1x16xi32>
      tpu.vector_store %arg4[%swap3A_231, %swap3A_232], %swap3A_235 {strides = array<i32>} : memref<208x128xi32, #tpu.memory_space<vmem>>, vector<1x16xi32>,
      %broadcast_in_dim3A_236 = arith.constant 100000 : i32
      %broadcast_in_dim3A_237 = vector.broadcast %broadcast_in_dim3A_236 : i32 to vector<16xi32>
      %swap3A_238 = arith.constant 59 : i32
      %swap3A_239 = arith.index_cast %swap3A_238 : i32 to index
      %swap3A_240 = arith.constant 0 : index
      %swap3A_241 = tpu.vector_load %arg4[%swap3A_239, %swap3A_240] {strides = array<i32>} : memref<208x128xi32, #tpu.memory_space<vmem>>, vector<1x16xi32>,
      %swap3A_242 = vector.shape_cast %swap3A_241 : vector<1x16xi32> to vector<16xi32>
      %swap3A_243 = vector.shape_cast %broadcast_in_dim3A_237 : vector<16xi32> to vector<1x16xi32>
      tpu.vector_store %arg4[%swap3A_239, %swap3A_240], %swap3A_243 {strides = array<i32>} : memref<208x128xi32, #tpu.memory_space<vmem>>, vector<1x16xi32>,
      %broadcast_in_dim3A_244 = arith.constant 100000 : i32
      %broadcast_in_dim3A_245 = vector.broadcast %broadcast_in_dim3A_244 : i32 to vector<16xi32>
      %swap3A_246 = arith.constant 59 : i32
      %swap3A_247 = arith.index_cast %swap3A_246 : i32 to index
      %swap3A_248 = arith.constant 16 : index
      %swap3A_249 = tpu.vector_load %arg4[%swap3A_247, %swap3A_248] {strides = array<i32>} : memref<208x128xi32, #tpu.memory_space<vmem>>, vector<1x16xi32>,
      %swap3A_250 = vector.shape_cast %swap3A_249 : vector<1x16xi32> to vector<16xi32>
      %swap3A_251 = vector.shape_cast %broadcast_in_dim3A_245 : vector<16xi32> to vector<1x16xi32>
      tpu.vector_store %arg4[%swap3A_247, %swap3A_248], %swap3A_251 {strides = array<i32>} : memref<208x128xi32, #tpu.memory_space<vmem>>, vector<1x16xi32>,
      %broadcast_in_dim3A_252 = arith.constant 100000 : i32
      %broadcast_in_dim3A_253 = vector.broadcast %broadcast_in_dim3A_252 : i32 to vector<16xi32>
      %swap3A_254 = arith.constant 59 : i32
      %swap3A_255 = arith.index_cast %swap3A_254 : i32 to index
      %swap3A_256 = arith.constant 32 : index
      %swap3A_257 = tpu.vector_load %arg4[%swap3A_255, %swap3A_256] {strides = array<i32>} : memref<208x128xi32, #tpu.memory_space<vmem>>, vector<1x16xi32>,
      %swap3A_258 = vector.shape_cast %swap3A_257 : vector<1x16xi32> to vector<16xi32>
      %swap3A_259 = vector.shape_cast %broadcast_in_dim3A_253 : vector<16xi32> to vector<1x16xi32>
      tpu.vector_store %arg4[%swap3A_255, %swap3A_256], %swap3A_259 {strides = array<i32>} : memref<208x128xi32, #tpu.memory_space<vmem>>, vector<1x16xi32>,
      %broadcast_in_dim3A_260 = arith.constant 100000 : i32
      %broadcast_in_dim3A_261 = vector.broadcast %broadcast_in_dim3A_260 : i32 to vector<16xi32>
      %swap3A_262 = arith.constant 59 : i32
      %swap3A_263 = arith.index_cast %swap3A_262 : i32 to index
      %swap3A_264 = arith.constant 48 : index
      %swap3A_265 = tpu.vector_load %arg4[%swap3A_263, %swap3A_264] {strides = array<i32>} : memref<208x128xi32, #tpu.memory_space<vmem>>, vector<1x16xi32>,
      %swap3A_266 = vector.shape_cast %swap3A_265 : vector<1x16xi32> to vector<16xi32>
      %swap3A_267 = vector.shape_cast %broadcast_in_dim3A_261 : vector<16xi32> to vector<1x16xi32>
      tpu.vector_store %arg4[%swap3A_263, %swap3A_264], %swap3A_267 {strides = array<i32>} : memref<208x128xi32, #tpu.memory_space<vmem>>, vector<1x16xi32>,
      %broadcast_in_dim3A_268 = arith.constant 100000 : i32
      %broadcast_in_dim3A_269 = vector.broadcast %broadcast_in_dim3A_268 : i32 to vector<16xi32>
      %swap3A_270 = arith.constant 59 : i32
      %swap3A_271 = arith.index_cast %swap3A_270 : i32 to index
      %swap3A_272 = arith.constant 64 : index
      %swap3A_273 = tpu.vector_load %arg4[%swap3A_271, %swap3A_272] {strides = array<i32>} : memref<208x128xi32, #tpu.memory_space<vmem>>, vector<1x16xi32>,
      %swap3A_274 = vector.shape_cast %swap3A_273 : vector<1x16xi32> to vector<16xi32>
      %swap3A_275 = vector.shape_cast %broadcast_in_dim3A_269 : vector<16xi32> to vector<1x16xi32>
      tpu.vector_store %arg4[%swap3A_271, %swap3A_272], %swap3A_275 {strides = array<i32>} : memref<208x128xi32, #tpu.memory_space<vmem>>, vector<1x16xi32>,
      %broadcast_in_dim3A_276 = arith.constant 100000 : i32
      %broadcast_in_dim3A_277 = vector.broadcast %broadcast_in_dim3A_276 : i32 to vector<16xi32>
      %swap3A_278 = arith.constant 59 : i32
      %swap3A_279 = arith.index_cast %swap3A_278 : i32 to index
      %swap3A_280 = arith.constant 80 : index
      %swap3A_281 = tpu.vector_load %arg4[%swap3A_279, %swap3A_280] {strides = array<i32>} : memref<208x128xi32, #tpu.memory_space<vmem>>, vector<1x16xi32>,
      %swap3A_282 = vector.shape_cast %swap3A_281 : vector<1x16xi32> to vector<16xi32>
      %swap3A_283 = vector.shape_cast %broadcast_in_dim3A_277 : vector<16xi32> to vector<1x16xi32>
      tpu.vector_store %arg4[%swap3A_279, %swap3A_280], %swap3A_283 {strides = array<i32>} : memref<208x128xi32, #tpu.memory_space<vmem>>, vector<1x16xi32>,
      %broadcast_in_dim3A_284 = arith.constant 100000 : i32
      %broadcast_in_dim3A_285 = vector.broadcast %broadcast_in_dim3A_284 : i32 to vector<16xi32>
      %swap3A_286 = arith.constant 59 : i32
      %swap3A_287 = arith.index_cast %swap3A_286 : i32 to index
      %swap3A_288 = arith.constant 96 : index
      %swap3A_289 = tpu.vector_load %arg4[%swap3A_287, %swap3A_288] {strides = array<i32>} : memref<208x128xi32, #tpu.memory_space<vmem>>, vector<1x16xi32>,
      %swap3A_290 = vector.shape_cast %swap3A_289 : vector<1x16xi32> to vector<16xi32>
      %swap3A_291 = vector.shape_cast %broadcast_in_dim3A_285 : vector<16xi32> to vector<1x16xi32>
      tpu.vector_store %arg4[%swap3A_287, %swap3A_288], %swap3A_291 {strides = array<i32>} : memref<208x128xi32, #tpu.memory_space<vmem>>, vector<1x16xi32>,
      %broadcast_in_dim3A_292 = arith.constant 100000 : i32
      %broadcast_in_dim3A_293 = vector.broadcast %broadcast_in_dim3A_292 : i32 to vector<16xi32>
      %swap3A_294 = arith.constant 59 : i32
      %swap3A_295 = arith.index_cast %swap3A_294 : i32 to index
      %swap3A_296 = arith.constant 112 : index
      %swap3A_297 = tpu.vector_load %arg4[%swap3A_295, %swap3A_296] {strides = array<i32>} : memref<208x128xi32, #tpu.memory_space<vmem>>, vector<1x16xi32>,
      %swap3A_298 = vector.shape_cast %swap3A_297 : vector<1x16xi32> to vector<16xi32>
      %swap3A_299 = vector.shape_cast %broadcast_in_dim3A_293 : vector<16xi32> to vector<1x16xi32>
      tpu.vector_store %arg4[%swap3A_295, %swap3A_296], %swap3A_299 {strides = array<i32>} : memref<208x128xi32, #tpu.memory_space<vmem>>, vector<1x16xi32>,
    } else {
    }
    %scan3A_9 = arith.constant 0 : i32
    %scan3A_10 = arith.constant 0 : i32
    %scan3A_11 = arith.constant 400 : i32
    %scan3A_12 = arith.addi %scan3A_10, %scan3A_11 : i32
    %scan3A_13 = arith.constant 1 : i32
    %scan3A_14 = scf.for %scan3A_46 = %scan3A_10 to %scan3A_12 step %scan3A_13 iter_args(%scan3A_47 = %scan3A_9) -> (i32)  : i32 {
      %broadcast_in_dim3A = arith.constant 0.000000e+00 : f32
      %broadcast_in_dim3A_48 = vector.broadcast %broadcast_in_dim3A : f32 to vector<16xf32>
      %mul3A_49 = arith.constant 16 : i32
      %mul3A_50 = arith.muli %scan3A_46, %mul3A_49 : i32
      %swap3A = arith.index_cast %mul3A_50 : i32 to index
      %swap3A_51 = tpu.vector_load %arg6[%swap3A] {strides = array<i32>} : memref<6400xf32, #tpu.memory_space<vmem>>, vector<16xf32>,
      %swap3A_52 = vector.shape_cast %swap3A_51 : vector<16xf32> to vector<16xf32>
      %swap3A_53 = vector.shape_cast %broadcast_in_dim3A_48 : vector<16xf32> to vector<16xf32>
      tpu.vector_store %arg6[%swap3A], %swap3A_53 {strides = array<i32>} : memref<6400xf32, #tpu.memory_space<vmem>>, vector<16xf32>,
      %scan3A_54 = arith.constant 0 : i32
      scf.yield %scan3A_54 : i32
    }
    %scan3A_15 = arith.constant 400 : i32
    %mul3A_16 = arith.constant 6400 : i32
    %mul3A_17 = arith.muli %arg1, %mul3A_16 : i32
    "tpu.region"() ({
      %run_scoped3A = tpu.sem_alloc : memref<!tpu.dma_semaphore, #tpu.memory_space<semaphore_mem>>
      %dma_start3A = tpu.memref_slice %arg7[%mul3A_17] : memref<102400xf32, #tpu.memory_space<vmem_shared>> -> memref<6400xf32, #tpu.memory_space<vmem_shared>>
      %dma_start3A_46 = tpu.memref_slice %arg7[%mul3A_17] : memref<102400xf32, #tpu.memory_space<vmem_shared>> -> memref<6400xf32, #tpu.memory_space<vmem_shared>>
      tpu.enqueue_dma source(%arg6 : memref<6400xf32, #tpu.memory_space<vmem>>) target(%dma_start3A_46 : memref<6400xf32, #tpu.memory_space<vmem_shared>>) target_semaphore(%run_scoped3A : memref<!tpu.dma_semaphore, #tpu.memory_space<semaphore_mem>>)
      %dma_wait3A = tpu.memref_slice %arg7[%mul3A_17] : memref<102400xf32, #tpu.memory_space<vmem_shared>> -> memref<6400xf32, #tpu.memory_space<vmem_shared>>
      %dma_wait3A_47 = tpu.memref_slice %arg7[%mul3A_17] : memref<102400xf32, #tpu.memory_space<vmem_shared>> -> memref<6400xf32, #tpu.memory_space<vmem_shared>>
      tpu.wait_dma2 semaphore(%run_scoped3A : memref<!tpu.dma_semaphore, #tpu.memory_space<semaphore_mem>>) src(%arg6 : memref<6400xf32, #tpu.memory_space<vmem>>) dst(%dma_wait3A_47 : memref<6400xf32, #tpu.memory_space<vmem_shared>>)
      tpu.yield
    }) : () -> ()
    %mul3A_18 = arith.constant 200 : i32
    %mul3A_19 = arith.muli %add3A, %mul3A_18 : i32
    %add3A_20 = arith.constant 6248 : i32
    %add3A_21 = arith.addi %add3A_20, %mul3A_19 : i32
    %lt3A = arith.constant 31 : i32
    %lt3A_22 = arith.cmpi slt, %add3A, %lt3A : i32
    %convert_element_type3A_23 = arith.extui %lt3A_22 : i1 to i32
    %cond3A_24 = arith.constant 0 : i32
    %cond3A_25 = arith.cmpi ne, %convert_element_type3A_23, %cond3A_24 : i32
    scf.if %cond3A_25 {
      "tpu.region"() ({
        %run_scoped3A = tpu.sem_alloc : memref<!tpu.dma_semaphore, #tpu.memory_space<semaphore_mem>>
        %dma_start3A = arith.constant 0 : i32
        %dma_start3A_46 = arith.constant 0 : i32
        %dma_start3A_47 = tpu.memref_slice %arg4[%dma_start3A, %dma_start3A_46] : memref<208x128xi32, #tpu.memory_space<vmem>> -> memref<208x128xi32, #tpu.memory_space<vmem>>
        %dma_start3A_48 = arith.constant 0 : i32
        %dma_start3A_49 = tpu.memref_slice %arg2[%add3A_21, %dma_start3A_48] : memref<12504x128xi32, #tpu.memory_space<hbm>> -> memref<208x128xi32, #tpu.memory_space<hbm>>
        %dma_start3A_50 = arith.constant 0 : i32
        %dma_start3A_51 = arith.constant 0 : i32
        %dma_start3A_52 = tpu.memref_slice %arg4[%dma_start3A_50, %dma_start3A_51] : memref<208x128xi32, #tpu.memory_space<vmem>> -> memref<208x128xi32, #tpu.memory_space<vmem>>
        %dma_start3A_53 = arith.constant 0 : i32
        %dma_start3A_54 = tpu.memref_slice %arg2[%add3A_21, %dma_start3A_53] : memref<12504x128xi32, #tpu.memory_space<hbm>> -> memref<208x128xi32, #tpu.memory_space<hbm>>
        tpu.enqueue_dma source(%dma_start3A_54 : memref<208x128xi32, #tpu.memory_space<hbm>>) target(%dma_start3A_52 : memref<208x128xi32, #tpu.memory_space<vmem>>) target_semaphore(%run_scoped3A : memref<!tpu.dma_semaphore, #tpu.memory_space<semaphore_mem>>)
        %dma_wait3A = arith.constant 0 : i32
        %dma_wait3A_55 = arith.constant 0 : i32
        %dma_wait3A_56 = tpu.memref_slice %arg4[%dma_wait3A, %dma_wait3A_55] : memref<208x128xi32, #tpu.memory_space<vmem>> -> memref<208x128xi32, #tpu.memory_space<vmem>>
        %dma_wait3A_57 = arith.constant 0 : i32
        %dma_wait3A_58 = tpu.memref_slice %arg2[%add3A_21, %dma_wait3A_57] : memref<12504x128xi32, #tpu.memory_space<hbm>> -> memref<208x128xi32, #tpu.memory_space<hbm>>
        %dma_wait3A_59 = arith.constant 0 : i32
        %dma_wait3A_60 = arith.constant 0 : i32
        %dma_wait3A_61 = tpu.memref_slice %arg4[%dma_wait3A_59, %dma_wait3A_60] : memref<208x128xi32, #tpu.memory_space<vmem>> -> memref<208x128xi32, #tpu.memory_space<vmem>>
        %dma_wait3A_62 = arith.constant 0 : i32
        %dma_wait3A_63 = tpu.memref_slice %arg2[%add3A_21, %dma_wait3A_62] : memref<12504x128xi32, #tpu.memory_space<hbm>> -> memref<208x128xi32, #tpu.memory_space<hbm>>
        tpu.wait_dma2 semaphore(%run_scoped3A : memref<!tpu.dma_semaphore, #tpu.memory_space<semaphore_mem>>) src(%dma_wait3A_63 : memref<208x128xi32, #tpu.memory_space<hbm>>) dst(%dma_wait3A_61 : memref<208x128xi32, #tpu.memory_space<vmem>>)
        tpu.yield
      }) : () -> ()
    } else {
    }
    %eq3A_26 = arith.constant 31 : i32
    %eq3A_27 = arith.cmpi eq, %add3A, %eq3A_26 : i32
    %convert_element_type3A_28 = arith.extui %eq3A_27 : i1 to i32
    %cond3A_29 = arith.constant 0 : i32
    %cond3A_30 = arith.cmpi ne, %convert_element_type3A_28, %cond3A_29 : i32
    scf.if %cond3A_30 {
      "tpu.region"() ({
        %run_scoped3A = tpu.sem_alloc : memref<!tpu.dma_semaphore, #tpu.memory_space<semaphore_mem>>
        %dma_start3A = arith.constant 0 : i32
        %dma_start3A_46 = arith.constant 0 : i32
        %dma_start3A_47 = tpu.memref_slice %arg4[%dma_start3A, %dma_start3A_46] : memref<208x128xi32, #tpu.memory_space<vmem>> -> memref<56x128xi32, #tpu.memory_space<vmem>>
        %dma_start3A_48 = arith.constant 0 : i32
        %dma_start3A_49 = tpu.memref_slice %arg2[%add3A_21, %dma_start3A_48] : memref<12504x128xi32, #tpu.memory_space<hbm>> -> memref<56x128xi32, #tpu.memory_space<hbm>>
        %dma_start3A_50 = arith.constant 0 : i32
        %dma_start3A_51 = arith.constant 0 : i32
        %dma_start3A_52 = tpu.memref_slice %arg4[%dma_start3A_50, %dma_start3A_51] : memref<208x128xi32, #tpu.memory_space<vmem>> -> memref<56x128xi32, #tpu.memory_space<vmem>>
        %dma_start3A_53 = arith.constant 0 : i32
        %dma_start3A_54 = tpu.memref_slice %arg2[%add3A_21, %dma_start3A_53] : memref<12504x128xi32, #tpu.memory_space<hbm>> -> memref<56x128xi32, #tpu.memory_space<hbm>>
        tpu.enqueue_dma source(%dma_start3A_54 : memref<56x128xi32, #tpu.memory_space<hbm>>) target(%dma_start3A_52 : memref<56x128xi32, #tpu.memory_space<vmem>>) target_semaphore(%run_scoped3A : memref<!tpu.dma_semaphore, #tpu.memory_space<semaphore_mem>>)
        %dma_wait3A = arith.constant 0 : i32
        %dma_wait3A_55 = arith.constant 0 : i32
        %dma_wait3A_56 = tpu.memref_slice %arg4[%dma_wait3A, %dma_wait3A_55] : memref<208x128xi32, #tpu.memory_space<vmem>> -> memref<56x128xi32, #tpu.memory_space<vmem>>
        %dma_wait3A_57 = arith.constant 0 : i32
        %dma_wait3A_58 = tpu.memref_slice %arg2[%add3A_21, %dma_wait3A_57] : memref<12504x128xi32, #tpu.memory_space<hbm>> -> memref<56x128xi32, #tpu.memory_space<hbm>>
        %dma_wait3A_59 = arith.constant 0 : i32
        %dma_wait3A_60 = arith.constant 0 : i32
        %dma_wait3A_61 = tpu.memref_slice %arg4[%dma_wait3A_59, %dma_wait3A_60] : memref<208x128xi32, #tpu.memory_space<vmem>> -> memref<56x128xi32, #tpu.memory_space<vmem>>
        %dma_wait3A_62 = arith.constant 0 : i32
        %dma_wait3A_63 = tpu.memref_slice %arg2[%add3A_21, %dma_wait3A_62] : memref<12504x128xi32, #tpu.memory_space<hbm>> -> memref<56x128xi32, #tpu.memory_space<hbm>>
        tpu.wait_dma2 semaphore(%run_scoped3A : memref<!tpu.dma_semaphore, #tpu.memory_space<semaphore_mem>>) src(%dma_wait3A_63 : memref<56x128xi32, #tpu.memory_space<hbm>>) dst(%dma_wait3A_61 : memref<56x128xi32, #tpu.memory_space<vmem>>)
        tpu.yield
      }) : () -> ()
    } else {
    }
    %barrier3A = arith.constant 0 : index
    tpu.barrier barrier_id(%barrier3A)
    %lt3A_31 = arith.constant 31 : i32
    %lt3A_32 = arith.cmpi slt, %add3A, %lt3A_31 : i32
    %convert_element_type3A_33 = arith.extui %lt3A_32 : i1 to i32
    %cond3A_34 = arith.constant 0 : i32
    %cond3A_35 = arith.cmpi ne, %convert_element_type3A_33, %cond3A_34 : i32
    scf.if %cond3A_35 {
      %scan3A_46 = arith.constant 0 : i32
      %scan3A_47 = arith.constant 0 : i32
      %scan3A_48 = arith.constant 25 : i32
      %scan3A_49 = arith.addi %scan3A_47, %scan3A_48 : i32
      %scan3A_50 = arith.constant 1 : i32
      %scan3A_51 = scf.for %scan3A_53 = %scan3A_47 to %scan3A_49 step %scan3A_50 iter_args(%scan3A_54 = %scan3A_46) -> (i32)  : i32 {
        %mul3A_55 = arith.constant 8 : i32
        %mul3A_56 = arith.muli %scan3A_53, %mul3A_55 : i32
        %add3A_57 = arith.constant 4 : i32
        %add3A_58 = arith.addi %add3A_57, %mul3A_56 : i32
        %add3A_59 = arith.constant 0 : i32
        %add3A_60 = arith.addi %add3A_58, %add3A_59 : i32
        %dma_start3A = arith.constant 0 : i32
        %dma_start3A_61 = tpu.memref_slice %arg4[%add3A_60, %dma_start3A] : memref<208x128xi32, #tpu.memory_space<vmem>> -> memref<1x128xi32, #tpu.memory_space<vmem>>
        %dma_start3A_62 = tpu.memref_squeeze %dma_start3A_61 : memref<1x128xi32, #tpu.memory_space<vmem>> -> memref<128xi32, #tpu.memory_space<vmem>>
        %dma_start3A_63 = arith.constant 0 : i32
        %dma_start3A_64 = tpu.memref_slice %arg7[%dma_start3A_63] : memref<102400xf32, #tpu.memory_space<vmem_shared>> -> memref<102400xf32, #tpu.memory_space<vmem_shared>>
        tpu.enqueue_indirect_dma source(%arg5 : memref<128xf32, #tpu.memory_space<vmem>>) target(%dma_start3A_64 : memref<102400xf32, #tpu.memory_space<vmem_shared>>) offsets(%dma_start3A_62 : memref<128xi32, #tpu.memory_space<vmem>>) semaphore(%arg8 : memref<!tpu.dma_semaphore, #tpu.memory_space<semaphore_mem>>) {add = true}
        %mul3A_65 = arith.constant 8 : i32
        %mul3A_66 = arith.muli %scan3A_53, %mul3A_65 : i32
        %add3A_67 = arith.constant 4 : i32
        %add3A_68 = arith.addi %add3A_67, %mul3A_66 : i32
        %add3A_69 = arith.constant 1 : i32
        %add3A_70 = arith.addi %add3A_68, %add3A_69 : i32
        %dma_start3A_71 = arith.constant 0 : i32
        %dma_start3A_72 = tpu.memref_slice %arg4[%add3A_70, %dma_start3A_71] : memref<208x128xi32, #tpu.memory_space<vmem>> -> memref<1x128xi32, #tpu.memory_space<vmem>>
        %dma_start3A_73 = tpu.memref_squeeze %dma_start3A_72 : memref<1x128xi32, #tpu.memory_space<vmem>> -> memref<128xi32, #tpu.memory_space<vmem>>
        %dma_start3A_74 = arith.constant 0 : i32
        %dma_start3A_75 = tpu.memref_slice %arg7[%dma_start3A_74] : memref<102400xf32, #tpu.memory_space<vmem_shared>> -> memref<102400xf32, #tpu.memory_space<vmem_shared>>
        tpu.enqueue_indirect_dma source(%arg5 : memref<128xf32, #tpu.memory_space<vmem>>) target(%dma_start3A_75 : memref<102400xf32, #tpu.memory_space<vmem_shared>>) offsets(%dma_start3A_73 : memref<128xi32, #tpu.memory_space<vmem>>) semaphore(%arg8 : memref<!tpu.dma_semaphore, #tpu.memory_space<semaphore_mem>>) {add = true}
        %mul3A_76 = arith.constant 8 : i32
        %mul3A_77 = arith.muli %scan3A_53, %mul3A_76 : i32
        %add3A_78 = arith.constant 4 : i32
        %add3A_79 = arith.addi %add3A_78, %mul3A_77 : i32
        %add3A_80 = arith.constant 2 : i32
        %add3A_81 = arith.addi %add3A_79, %add3A_80 : i32
        %dma_start3A_82 = arith.constant 0 : i32
        %dma_start3A_83 = tpu.memref_slice %arg4[%add3A_81, %dma_start3A_82] : memref<208x128xi32, #tpu.memory_space<vmem>> -> memref<1x128xi32, #tpu.memory_space<vmem>>
        %dma_start3A_84 = tpu.memref_squeeze %dma_start3A_83 : memref<1x128xi32, #tpu.memory_space<vmem>> -> memref<128xi32, #tpu.memory_space<vmem>>
        %dma_start3A_85 = arith.constant 0 : i32
        %dma_start3A_86 = tpu.memref_slice %arg7[%dma_start3A_85] : memref<102400xf32, #tpu.memory_space<vmem_shared>> -> memref<102400xf32, #tpu.memory_space<vmem_shared>>
        tpu.enqueue_indirect_dma source(%arg5 : memref<128xf32, #tpu.memory_space<vmem>>) target(%dma_start3A_86 : memref<102400xf32, #tpu.memory_space<vmem_shared>>) offsets(%dma_start3A_84 : memref<128xi32, #tpu.memory_space<vmem>>) semaphore(%arg8 : memref<!tpu.dma_semaphore, #tpu.memory_space<semaphore_mem>>) {add = true}
        %mul3A_87 = arith.constant 8 : i32
        %mul3A_88 = arith.muli %scan3A_53, %mul3A_87 : i32
        %add3A_89 = arith.constant 4 : i32
        %add3A_90 = arith.addi %add3A_89, %mul3A_88 : i32
        %add3A_91 = arith.constant 3 : i32
        %add3A_92 = arith.addi %add3A_90, %add3A_91 : i32
        %dma_start3A_93 = arith.constant 0 : i32
        %dma_start3A_94 = tpu.memref_slice %arg4[%add3A_92, %dma_start3A_93] : memref<208x128xi32, #tpu.memory_space<vmem>> -> memref<1x128xi32, #tpu.memory_space<vmem>>
        %dma_start3A_95 = tpu.memref_squeeze %dma_start3A_94 : memref<1x128xi32, #tpu.memory_space<vmem>> -> memref<128xi32, #tpu.memory_space<vmem>>
        %dma_start3A_96 = arith.constant 0 : i32
        %dma_start3A_97 = tpu.memref_slice %arg7[%dma_start3A_96] : memref<102400xf32, #tpu.memory_space<vmem_shared>> -> memref<102400xf32, #tpu.memory_space<vmem_shared>>
        tpu.enqueue_indirect_dma source(%arg5 : memref<128xf32, #tpu.memory_space<vmem>>) target(%dma_start3A_97 : memref<102400xf32, #tpu.memory_space<vmem_shared>>) offsets(%dma_start3A_95 : memref<128xi32, #tpu.memory_space<vmem>>) semaphore(%arg8 : memref<!tpu.dma_semaphore, #tpu.memory_space<semaphore_mem>>) {add = true}
        %mul3A_98 = arith.constant 8 : i32
        %mul3A_99 = arith.muli %scan3A_53, %mul3A_98 : i32
        %add3A_100 = arith.constant 4 : i32
        %add3A_101 = arith.addi %add3A_100, %mul3A_99 : i32
        %add3A_102 = arith.constant 4 : i32
        %add3A_103 = arith.addi %add3A_101, %add3A_102 : i32
        %dma_start3A_104 = arith.constant 0 : i32
        %dma_start3A_105 = tpu.memref_slice %arg4[%add3A_103, %dma_start3A_104] : memref<208x128xi32, #tpu.memory_space<vmem>> -> memref<1x128xi32, #tpu.memory_space<vmem>>
        %dma_start3A_106 = tpu.memref_squeeze %dma_start3A_105 : memref<1x128xi32, #tpu.memory_space<vmem>> -> memref<128xi32, #tpu.memory_space<vmem>>
        %dma_start3A_107 = arith.constant 0 : i32
        %dma_start3A_108 = tpu.memref_slice %arg7[%dma_start3A_107] : memref<102400xf32, #tpu.memory_space<vmem_shared>> -> memref<102400xf32, #tpu.memory_space<vmem_shared>>
        tpu.enqueue_indirect_dma source(%arg5 : memref<128xf32, #tpu.memory_space<vmem>>) target(%dma_start3A_108 : memref<102400xf32, #tpu.memory_space<vmem_shared>>) offsets(%dma_start3A_106 : memref<128xi32, #tpu.memory_space<vmem>>) semaphore(%arg8 : memref<!tpu.dma_semaphore, #tpu.memory_space<semaphore_mem>>) {add = true}
        %mul3A_109 = arith.constant 8 : i32
        %mul3A_110 = arith.muli %scan3A_53, %mul3A_109 : i32
        %add3A_111 = arith.constant 4 : i32
        %add3A_112 = arith.addi %add3A_111, %mul3A_110 : i32
        %add3A_113 = arith.constant 5 : i32
        %add3A_114 = arith.addi %add3A_112, %add3A_113 : i32
        %dma_start3A_115 = arith.constant 0 : i32
        %dma_start3A_116 = tpu.memref_slice %arg4[%add3A_114, %dma_start3A_115] : memref<208x128xi32, #tpu.memory_space<vmem>> -> memref<1x128xi32, #tpu.memory_space<vmem>>
        %dma_start3A_117 = tpu.memref_squeeze %dma_start3A_116 : memref<1x128xi32, #tpu.memory_space<vmem>> -> memref<128xi32, #tpu.memory_space<vmem>>
        %dma_start3A_118 = arith.constant 0 : i32
        %dma_start3A_119 = tpu.memref_slice %arg7[%dma_start3A_118] : memref<102400xf32, #tpu.memory_space<vmem_shared>> -> memref<102400xf32, #tpu.memory_space<vmem_shared>>
        tpu.enqueue_indirect_dma source(%arg5 : memref<128xf32, #tpu.memory_space<vmem>>) target(%dma_start3A_119 : memref<102400xf32, #tpu.memory_space<vmem_shared>>) offsets(%dma_start3A_117 : memref<128xi32, #tpu.memory_space<vmem>>) semaphore(%arg8 : memref<!tpu.dma_semaphore, #tpu.memory_space<semaphore_mem>>) {add = true}
        %mul3A_120 = arith.constant 8 : i32
        %mul3A_121 = arith.muli %scan3A_53, %mul3A_120 : i32
        %add3A_122 = arith.constant 4 : i32
        %add3A_123 = arith.addi %add3A_122, %mul3A_121 : i32
        %add3A_124 = arith.constant 6 : i32
        %add3A_125 = arith.addi %add3A_123, %add3A_124 : i32
        %dma_start3A_126 = arith.constant 0 : i32
        %dma_start3A_127 = tpu.memref_slice %arg4[%add3A_125, %dma_start3A_126] : memref<208x128xi32, #tpu.memory_space<vmem>> -> memref<1x128xi32, #tpu.memory_space<vmem>>
        %dma_start3A_128 = tpu.memref_squeeze %dma_start3A_127 : memref<1x128xi32, #tpu.memory_space<vmem>> -> memref<128xi32, #tpu.memory_space<vmem>>
        %dma_start3A_129 = arith.constant 0 : i32
        %dma_start3A_130 = tpu.memref_slice %arg7[%dma_start3A_129] : memref<102400xf32, #tpu.memory_space<vmem_shared>> -> memref<102400xf32, #tpu.memory_space<vmem_shared>>
        tpu.enqueue_indirect_dma source(%arg5 : memref<128xf32, #tpu.memory_space<vmem>>) target(%dma_start3A_130 : memref<102400xf32, #tpu.memory_space<vmem_shared>>) offsets(%dma_start3A_128 : memref<128xi32, #tpu.memory_space<vmem>>) semaphore(%arg8 : memref<!tpu.dma_semaphore, #tpu.memory_space<semaphore_mem>>) {add = true}
        %mul3A_131 = arith.constant 8 : i32
        %mul3A_132 = arith.muli %scan3A_53, %mul3A_131 : i32
        %add3A_133 = arith.constant 4 : i32
        %add3A_134 = arith.addi %add3A_133, %mul3A_132 : i32
        %add3A_135 = arith.constant 7 : i32
        %add3A_136 = arith.addi %add3A_134, %add3A_135 : i32
        %dma_start3A_137 = arith.constant 0 : i32
        %dma_start3A_138 = tpu.memref_slice %arg4[%add3A_136, %dma_start3A_137] : memref<208x128xi32, #tpu.memory_space<vmem>> -> memref<1x128xi32, #tpu.memory_space<vmem>>
        %dma_start3A_139 = tpu.memref_squeeze %dma_start3A_138 : memref<1x128xi32, #tpu.memory_space<vmem>> -> memref<128xi32, #tpu.memory_space<vmem>>
        %dma_start3A_140 = arith.constant 0 : i32
        %dma_start3A_141 = tpu.memref_slice %arg7[%dma_start3A_140] : memref<102400xf32, #tpu.memory_space<vmem_shared>> -> memref<102400xf32, #tpu.memory_space<vmem_shared>>
        tpu.enqueue_indirect_dma source(%arg5 : memref<128xf32, #tpu.memory_space<vmem>>) target(%dma_start3A_141 : memref<102400xf32, #tpu.memory_space<vmem_shared>>) offsets(%dma_start3A_139 : memref<128xi32, #tpu.memory_space<vmem>>) semaphore(%arg8 : memref<!tpu.dma_semaphore, #tpu.memory_space<semaphore_mem>>) {add = true}
        %dma_wait3A = arith.constant 0 : i32
        %dma_wait3A_142 = tpu.memref_slice %arg4[%add3A_60, %dma_wait3A] : memref<208x128xi32, #tpu.memory_space<vmem>> -> memref<1x128xi32, #tpu.memory_space<vmem>>
        %dma_wait3A_143 = tpu.memref_squeeze %dma_wait3A_142 : memref<1x128xi32, #tpu.memory_space<vmem>> -> memref<128xi32, #tpu.memory_space<vmem>>
        %dma_wait3A_144 = arith.constant 0 : i32
        %dma_wait3A_145 = tpu.memref_slice %arg7[%dma_wait3A_144] : memref<102400xf32, #tpu.memory_space<vmem_shared>> -> memref<102400xf32, #tpu.memory_space<vmem_shared>>
        tpu.wait_indirect_dma semaphore(%arg8 : memref<!tpu.dma_semaphore, #tpu.memory_space<semaphore_mem>>) src(%arg5 : memref<128xf32, #tpu.memory_space<vmem>>) dst(%dma_wait3A_145 : memref<102400xf32, #tpu.memory_space<vmem_shared>>)
        %dma_wait3A_146 = arith.constant 0 : i32
        %dma_wait3A_147 = tpu.memref_slice %arg4[%add3A_70, %dma_wait3A_146] : memref<208x128xi32, #tpu.memory_space<vmem>> -> memref<1x128xi32, #tpu.memory_space<vmem>>
        %dma_wait3A_148 = tpu.memref_squeeze %dma_wait3A_147 : memref<1x128xi32, #tpu.memory_space<vmem>> -> memref<128xi32, #tpu.memory_space<vmem>>
        %dma_wait3A_149 = arith.constant 0 : i32
        %dma_wait3A_150 = tpu.memref_slice %arg7[%dma_wait3A_149] : memref<102400xf32, #tpu.memory_space<vmem_shared>> -> memref<102400xf32, #tpu.memory_space<vmem_shared>>
        tpu.wait_indirect_dma semaphore(%arg8 : memref<!tpu.dma_semaphore, #tpu.memory_space<semaphore_mem>>) src(%arg5 : memref<128xf32, #tpu.memory_space<vmem>>) dst(%dma_wait3A_150 : memref<102400xf32, #tpu.memory_space<vmem_shared>>)
        %dma_wait3A_151 = arith.constant 0 : i32
        %dma_wait3A_152 = tpu.memref_slice %arg4[%add3A_81, %dma_wait3A_151] : memref<208x128xi32, #tpu.memory_space<vmem>> -> memref<1x128xi32, #tpu.memory_space<vmem>>
        %dma_wait3A_153 = tpu.memref_squeeze %dma_wait3A_152 : memref<1x128xi32, #tpu.memory_space<vmem>> -> memref<128xi32, #tpu.memory_space<vmem>>
        %dma_wait3A_154 = arith.constant 0 : i32
        %dma_wait3A_155 = tpu.memref_slice %arg7[%dma_wait3A_154] : memref<102400xf32, #tpu.memory_space<vmem_shared>> -> memref<102400xf32, #tpu.memory_space<vmem_shared>>
        tpu.wait_indirect_dma semaphore(%arg8 : memref<!tpu.dma_semaphore, #tpu.memory_space<semaphore_mem>>) src(%arg5 : memref<128xf32, #tpu.memory_space<vmem>>) dst(%dma_wait3A_155 : memref<102400xf32, #tpu.memory_space<vmem_shared>>)
        %dma_wait3A_156 = arith.constant 0 : i32
        %dma_wait3A_157 = tpu.memref_slice %arg4[%add3A_92, %dma_wait3A_156] : memref<208x128xi32, #tpu.memory_space<vmem>> -> memref<1x128xi32, #tpu.memory_space<vmem>>
        %dma_wait3A_158 = tpu.memref_squeeze %dma_wait3A_157 : memref<1x128xi32, #tpu.memory_space<vmem>> -> memref<128xi32, #tpu.memory_space<vmem>>
        %dma_wait3A_159 = arith.constant 0 : i32
        %dma_wait3A_160 = tpu.memref_slice %arg7[%dma_wait3A_159] : memref<102400xf32, #tpu.memory_space<vmem_shared>> -> memref<102400xf32, #tpu.memory_space<vmem_shared>>
        tpu.wait_indirect_dma semaphore(%arg8 : memref<!tpu.dma_semaphore, #tpu.memory_space<semaphore_mem>>) src(%arg5 : memref<128xf32, #tpu.memory_space<vmem>>) dst(%dma_wait3A_160 : memref<102400xf32, #tpu.memory_space<vmem_shared>>)
        %dma_wait3A_161 = arith.constant 0 : i32
        %dma_wait3A_162 = tpu.memref_slice %arg4[%add3A_103, %dma_wait3A_161] : memref<208x128xi32, #tpu.memory_space<vmem>> -> memref<1x128xi32, #tpu.memory_space<vmem>>
        %dma_wait3A_163 = tpu.memref_squeeze %dma_wait3A_162 : memref<1x128xi32, #tpu.memory_space<vmem>> -> memref<128xi32, #tpu.memory_space<vmem>>
        %dma_wait3A_164 = arith.constant 0 : i32
        %dma_wait3A_165 = tpu.memref_slice %arg7[%dma_wait3A_164] : memref<102400xf32, #tpu.memory_space<vmem_shared>> -> memref<102400xf32, #tpu.memory_space<vmem_shared>>
        tpu.wait_indirect_dma semaphore(%arg8 : memref<!tpu.dma_semaphore, #tpu.memory_space<semaphore_mem>>) src(%arg5 : memref<128xf32, #tpu.memory_space<vmem>>) dst(%dma_wait3A_165 : memref<102400xf32, #tpu.memory_space<vmem_shared>>)
        %dma_wait3A_166 = arith.constant 0 : i32
        %dma_wait3A_167 = tpu.memref_slice %arg4[%add3A_114, %dma_wait3A_166] : memref<208x128xi32, #tpu.memory_space<vmem>> -> memref<1x128xi32, #tpu.memory_space<vmem>>
        %dma_wait3A_168 = tpu.memref_squeeze %dma_wait3A_167 : memref<1x128xi32, #tpu.memory_space<vmem>> -> memref<128xi32, #tpu.memory_space<vmem>>
        %dma_wait3A_169 = arith.constant 0 : i32
        %dma_wait3A_170 = tpu.memref_slice %arg7[%dma_wait3A_169] : memref<102400xf32, #tpu.memory_space<vmem_shared>> -> memref<102400xf32, #tpu.memory_space<vmem_shared>>
        tpu.wait_indirect_dma semaphore(%arg8 : memref<!tpu.dma_semaphore, #tpu.memory_space<semaphore_mem>>) src(%arg5 : memref<128xf32, #tpu.memory_space<vmem>>) dst(%dma_wait3A_170 : memref<102400xf32, #tpu.memory_space<vmem_shared>>)
        %dma_wait3A_171 = arith.constant 0 : i32
        %dma_wait3A_172 = tpu.memref_slice %arg4[%add3A_125, %dma_wait3A_171] : memref<208x128xi32, #tpu.memory_space<vmem>> -> memref<1x128xi32, #tpu.memory_space<vmem>>
        %dma_wait3A_173 = tpu.memref_squeeze %dma_wait3A_172 : memref<1x128xi32, #tpu.memory_space<vmem>> -> memref<128xi32, #tpu.memory_space<vmem>>
        %dma_wait3A_174 = arith.constant 0 : i32
        %dma_wait3A_175 = tpu.memref_slice %arg7[%dma_wait3A_174] : memref<102400xf32, #tpu.memory_space<vmem_shared>> -> memref<102400xf32, #tpu.memory_space<vmem_shared>>
        tpu.wait_indirect_dma semaphore(%arg8 : memref<!tpu.dma_semaphore, #tpu.memory_space<semaphore_mem>>) src(%arg5 : memref<128xf32, #tpu.memory_space<vmem>>) dst(%dma_wait3A_175 : memref<102400xf32, #tpu.memory_space<vmem_shared>>)
        %dma_wait3A_176 = arith.constant 0 : i32
        %dma_wait3A_177 = tpu.memref_slice %arg4[%add3A_136, %dma_wait3A_176] : memref<208x128xi32, #tpu.memory_space<vmem>> -> memref<1x128xi32, #tpu.memory_space<vmem>>
        %dma_wait3A_178 = tpu.memref_squeeze %dma_wait3A_177 : memref<1x128xi32, #tpu.memory_space<vmem>> -> memref<128xi32, #tpu.memory_space<vmem>>
        %dma_wait3A_179 = arith.constant 0 : i32
        %dma_wait3A_180 = tpu.memref_slice %arg7[%dma_wait3A_179] : memref<102400xf32, #tpu.memory_space<vmem_shared>> -> memref<102400xf32, #tpu.memory_space<vmem_shared>>
        tpu.wait_indirect_dma semaphore(%arg8 : memref<!tpu.dma_semaphore, #tpu.memory_space<semaphore_mem>>) src(%arg5 : memref<128xf32, #tpu.memory_space<vmem>>) dst(%dma_wait3A_180 : memref<102400xf32, #tpu.memory_space<vmem_shared>>)
        %scan3A_181 = arith.constant 0 : i32
        scf.yield %scan3A_181 : i32
      }
      %scan3A_52 = arith.constant 25 : i32
    } else {
    }
    %eq3A_36 = arith.constant 31 : i32
    %eq3A_37 = arith.cmpi eq, %add3A, %eq3A_36 : i32
    %convert_element_type3A_38 = arith.extui %eq3A_37 : i1 to i32
    %cond3A_39 = arith.constant 0 : i32
    %cond3A_40 = arith.cmpi ne, %convert_element_type3A_38, %cond3A_39 : i32
    scf.if %cond3A_40 {
      %scan3A_46 = arith.constant 0 : i32
      %scan3A_47 = arith.constant 0 : i32
      %scan3A_48 = arith.constant 7 : i32
      %scan3A_49 = arith.addi %scan3A_47, %scan3A_48 : i32
      %scan3A_50 = arith.constant 1 : i32
      %scan3A_51 = scf.for %scan3A_53 = %scan3A_47 to %scan3A_49 step %scan3A_50 iter_args(%scan3A_54 = %scan3A_46) -> (i32)  : i32 {
        %mul3A_55 = arith.constant 8 : i32
        %mul3A_56 = arith.muli %scan3A_53, %mul3A_55 : i32
        %add3A_57 = arith.constant 4 : i32
        %add3A_58 = arith.addi %add3A_57, %mul3A_56 : i32
        %add3A_59 = arith.constant 0 : i32
        %add3A_60 = arith.addi %add3A_58, %add3A_59 : i32
        %dma_start3A = arith.constant 0 : i32
        %dma_start3A_61 = tpu.memref_slice %arg4[%add3A_60, %dma_start3A] : memref<208x128xi32, #tpu.memory_space<vmem>> -> memref<1x128xi32, #tpu.memory_space<vmem>>
        %dma_start3A_62 = tpu.memref_squeeze %dma_start3A_61 : memref<1x128xi32, #tpu.memory_space<vmem>> -> memref<128xi32, #tpu.memory_space<vmem>>
        %dma_start3A_63 = arith.constant 0 : i32
        %dma_start3A_64 = tpu.memref_slice %arg7[%dma_start3A_63] : memref<102400xf32, #tpu.memory_space<vmem_shared>> -> memref<102400xf32, #tpu.memory_space<vmem_shared>>
        tpu.enqueue_indirect_dma source(%arg5 : memref<128xf32, #tpu.memory_space<vmem>>) target(%dma_start3A_64 : memref<102400xf32, #tpu.memory_space<vmem_shared>>) offsets(%dma_start3A_62 : memref<128xi32, #tpu.memory_space<vmem>>) semaphore(%arg8 : memref<!tpu.dma_semaphore, #tpu.memory_space<semaphore_mem>>) {add = true}
        %mul3A_65 = arith.constant 8 : i32
        %mul3A_66 = arith.muli %scan3A_53, %mul3A_65 : i32
        %add3A_67 = arith.constant 4 : i32
        %add3A_68 = arith.addi %add3A_67, %mul3A_66 : i32
        %add3A_69 = arith.constant 1 : i32
        %add3A_70 = arith.addi %add3A_68, %add3A_69 : i32
        %dma_start3A_71 = arith.constant 0 : i32
        %dma_start3A_72 = tpu.memref_slice %arg4[%add3A_70, %dma_start3A_71] : memref<208x128xi32, #tpu.memory_space<vmem>> -> memref<1x128xi32, #tpu.memory_space<vmem>>
        %dma_start3A_73 = tpu.memref_squeeze %dma_start3A_72 : memref<1x128xi32, #tpu.memory_space<vmem>> -> memref<128xi32, #tpu.memory_space<vmem>>
        %dma_start3A_74 = arith.constant 0 : i32
        %dma_start3A_75 = tpu.memref_slice %arg7[%dma_start3A_74] : memref<102400xf32, #tpu.memory_space<vmem_shared>> -> memref<102400xf32, #tpu.memory_space<vmem_shared>>
        tpu.enqueue_indirect_dma source(%arg5 : memref<128xf32, #tpu.memory_space<vmem>>) target(%dma_start3A_75 : memref<102400xf32, #tpu.memory_space<vmem_shared>>) offsets(%dma_start3A_73 : memref<128xi32, #tpu.memory_space<vmem>>) semaphore(%arg8 : memref<!tpu.dma_semaphore, #tpu.memory_space<semaphore_mem>>) {add = true}
        %mul3A_76 = arith.constant 8 : i32
        %mul3A_77 = arith.muli %scan3A_53, %mul3A_76 : i32
        %add3A_78 = arith.constant 4 : i32
        %add3A_79 = arith.addi %add3A_78, %mul3A_77 : i32
        %add3A_80 = arith.constant 2 : i32
        %add3A_81 = arith.addi %add3A_79, %add3A_80 : i32
        %dma_start3A_82 = arith.constant 0 : i32
        %dma_start3A_83 = tpu.memref_slice %arg4[%add3A_81, %dma_start3A_82] : memref<208x128xi32, #tpu.memory_space<vmem>> -> memref<1x128xi32, #tpu.memory_space<vmem>>
        %dma_start3A_84 = tpu.memref_squeeze %dma_start3A_83 : memref<1x128xi32, #tpu.memory_space<vmem>> -> memref<128xi32, #tpu.memory_space<vmem>>
        %dma_start3A_85 = arith.constant 0 : i32
        %dma_start3A_86 = tpu.memref_slice %arg7[%dma_start3A_85] : memref<102400xf32, #tpu.memory_space<vmem_shared>> -> memref<102400xf32, #tpu.memory_space<vmem_shared>>
        tpu.enqueue_indirect_dma source(%arg5 : memref<128xf32, #tpu.memory_space<vmem>>) target(%dma_start3A_86 : memref<102400xf32, #tpu.memory_space<vmem_shared>>) offsets(%dma_start3A_84 : memref<128xi32, #tpu.memory_space<vmem>>) semaphore(%arg8 : memref<!tpu.dma_semaphore, #tpu.memory_space<semaphore_mem>>) {add = true}
        %mul3A_87 = arith.constant 8 : i32
        %mul3A_88 = arith.muli %scan3A_53, %mul3A_87 : i32
        %add3A_89 = arith.constant 4 : i32
        %add3A_90 = arith.addi %add3A_89, %mul3A_88 : i32
        %add3A_91 = arith.constant 3 : i32
        %add3A_92 = arith.addi %add3A_90, %add3A_91 : i32
        %dma_start3A_93 = arith.constant 0 : i32
        %dma_start3A_94 = tpu.memref_slice %arg4[%add3A_92, %dma_start3A_93] : memref<208x128xi32, #tpu.memory_space<vmem>> -> memref<1x128xi32, #tpu.memory_space<vmem>>
        %dma_start3A_95 = tpu.memref_squeeze %dma_start3A_94 : memref<1x128xi32, #tpu.memory_space<vmem>> -> memref<128xi32, #tpu.memory_space<vmem>>
        %dma_start3A_96 = arith.constant 0 : i32
        %dma_start3A_97 = tpu.memref_slice %arg7[%dma_start3A_96] : memref<102400xf32, #tpu.memory_space<vmem_shared>> -> memref<102400xf32, #tpu.memory_space<vmem_shared>>
        tpu.enqueue_indirect_dma source(%arg5 : memref<128xf32, #tpu.memory_space<vmem>>) target(%dma_start3A_97 : memref<102400xf32, #tpu.memory_space<vmem_shared>>) offsets(%dma_start3A_95 : memref<128xi32, #tpu.memory_space<vmem>>) semaphore(%arg8 : memref<!tpu.dma_semaphore, #tpu.memory_space<semaphore_mem>>) {add = true}
        %mul3A_98 = arith.constant 8 : i32
        %mul3A_99 = arith.muli %scan3A_53, %mul3A_98 : i32
        %add3A_100 = arith.constant 4 : i32
        %add3A_101 = arith.addi %add3A_100, %mul3A_99 : i32
        %add3A_102 = arith.constant 4 : i32
        %add3A_103 = arith.addi %add3A_101, %add3A_102 : i32
        %dma_start3A_104 = arith.constant 0 : i32
        %dma_start3A_105 = tpu.memref_slice %arg4[%add3A_103, %dma_start3A_104] : memref<208x128xi32, #tpu.memory_space<vmem>> -> memref<1x128xi32, #tpu.memory_space<vmem>>
        %dma_start3A_106 = tpu.memref_squeeze %dma_start3A_105 : memref<1x128xi32, #tpu.memory_space<vmem>> -> memref<128xi32, #tpu.memory_space<vmem>>
        %dma_start3A_107 = arith.constant 0 : i32
        %dma_start3A_108 = tpu.memref_slice %arg7[%dma_start3A_107] : memref<102400xf32, #tpu.memory_space<vmem_shared>> -> memref<102400xf32, #tpu.memory_space<vmem_shared>>
        tpu.enqueue_indirect_dma source(%arg5 : memref<128xf32, #tpu.memory_space<vmem>>) target(%dma_start3A_108 : memref<102400xf32, #tpu.memory_space<vmem_shared>>) offsets(%dma_start3A_106 : memref<128xi32, #tpu.memory_space<vmem>>) semaphore(%arg8 : memref<!tpu.dma_semaphore, #tpu.memory_space<semaphore_mem>>) {add = true}
        %mul3A_109 = arith.constant 8 : i32
        %mul3A_110 = arith.muli %scan3A_53, %mul3A_109 : i32
        %add3A_111 = arith.constant 4 : i32
        %add3A_112 = arith.addi %add3A_111, %mul3A_110 : i32
        %add3A_113 = arith.constant 5 : i32
        %add3A_114 = arith.addi %add3A_112, %add3A_113 : i32
        %dma_start3A_115 = arith.constant 0 : i32
        %dma_start3A_116 = tpu.memref_slice %arg4[%add3A_114, %dma_start3A_115] : memref<208x128xi32, #tpu.memory_space<vmem>> -> memref<1x128xi32, #tpu.memory_space<vmem>>
        %dma_start3A_117 = tpu.memref_squeeze %dma_start3A_116 : memref<1x128xi32, #tpu.memory_space<vmem>> -> memref<128xi32, #tpu.memory_space<vmem>>
        %dma_start3A_118 = arith.constant 0 : i32
        %dma_start3A_119 = tpu.memref_slice %arg7[%dma_start3A_118] : memref<102400xf32, #tpu.memory_space<vmem_shared>> -> memref<102400xf32, #tpu.memory_space<vmem_shared>>
        tpu.enqueue_indirect_dma source(%arg5 : memref<128xf32, #tpu.memory_space<vmem>>) target(%dma_start3A_119 : memref<102400xf32, #tpu.memory_space<vmem_shared>>) offsets(%dma_start3A_117 : memref<128xi32, #tpu.memory_space<vmem>>) semaphore(%arg8 : memref<!tpu.dma_semaphore, #tpu.memory_space<semaphore_mem>>) {add = true}
        %mul3A_120 = arith.constant 8 : i32
        %mul3A_121 = arith.muli %scan3A_53, %mul3A_120 : i32
        %add3A_122 = arith.constant 4 : i32
        %add3A_123 = arith.addi %add3A_122, %mul3A_121 : i32
        %add3A_124 = arith.constant 6 : i32
        %add3A_125 = arith.addi %add3A_123, %add3A_124 : i32
        %dma_start3A_126 = arith.constant 0 : i32
        %dma_start3A_127 = tpu.memref_slice %arg4[%add3A_125, %dma_start3A_126] : memref<208x128xi32, #tpu.memory_space<vmem>> -> memref<1x128xi32, #tpu.memory_space<vmem>>
        %dma_start3A_128 = tpu.memref_squeeze %dma_start3A_127 : memref<1x128xi32, #tpu.memory_space<vmem>> -> memref<128xi32, #tpu.memory_space<vmem>>
        %dma_start3A_129 = arith.constant 0 : i32
        %dma_start3A_130 = tpu.memref_slice %arg7[%dma_start3A_129] : memref<102400xf32, #tpu.memory_space<vmem_shared>> -> memref<102400xf32, #tpu.memory_space<vmem_shared>>
        tpu.enqueue_indirect_dma source(%arg5 : memref<128xf32, #tpu.memory_space<vmem>>) target(%dma_start3A_130 : memref<102400xf32, #tpu.memory_space<vmem_shared>>) offsets(%dma_start3A_128 : memref<128xi32, #tpu.memory_space<vmem>>) semaphore(%arg8 : memref<!tpu.dma_semaphore, #tpu.memory_space<semaphore_mem>>) {add = true}
        %mul3A_131 = arith.constant 8 : i32
        %mul3A_132 = arith.muli %scan3A_53, %mul3A_131 : i32
        %add3A_133 = arith.constant 4 : i32
        %add3A_134 = arith.addi %add3A_133, %mul3A_132 : i32
        %add3A_135 = arith.constant 7 : i32
        %add3A_136 = arith.addi %add3A_134, %add3A_135 : i32
        %dma_start3A_137 = arith.constant 0 : i32
        %dma_start3A_138 = tpu.memref_slice %arg4[%add3A_136, %dma_start3A_137] : memref<208x128xi32, #tpu.memory_space<vmem>> -> memref<1x128xi32, #tpu.memory_space<vmem>>
        %dma_start3A_139 = tpu.memref_squeeze %dma_start3A_138 : memref<1x128xi32, #tpu.memory_space<vmem>> -> memref<128xi32, #tpu.memory_space<vmem>>
        %dma_start3A_140 = arith.constant 0 : i32
        %dma_start3A_141 = tpu.memref_slice %arg7[%dma_start3A_140] : memref<102400xf32, #tpu.memory_space<vmem_shared>> -> memref<102400xf32, #tpu.memory_space<vmem_shared>>
        tpu.enqueue_indirect_dma source(%arg5 : memref<128xf32, #tpu.memory_space<vmem>>) target(%dma_start3A_141 : memref<102400xf32, #tpu.memory_space<vmem_shared>>) offsets(%dma_start3A_139 : memref<128xi32, #tpu.memory_space<vmem>>) semaphore(%arg8 : memref<!tpu.dma_semaphore, #tpu.memory_space<semaphore_mem>>) {add = true}
        %dma_wait3A = arith.constant 0 : i32
        %dma_wait3A_142 = tpu.memref_slice %arg4[%add3A_60, %dma_wait3A] : memref<208x128xi32, #tpu.memory_space<vmem>> -> memref<1x128xi32, #tpu.memory_space<vmem>>
        %dma_wait3A_143 = tpu.memref_squeeze %dma_wait3A_142 : memref<1x128xi32, #tpu.memory_space<vmem>> -> memref<128xi32, #tpu.memory_space<vmem>>
        %dma_wait3A_144 = arith.constant 0 : i32
        %dma_wait3A_145 = tpu.memref_slice %arg7[%dma_wait3A_144] : memref<102400xf32, #tpu.memory_space<vmem_shared>> -> memref<102400xf32, #tpu.memory_space<vmem_shared>>
        tpu.wait_indirect_dma semaphore(%arg8 : memref<!tpu.dma_semaphore, #tpu.memory_space<semaphore_mem>>) src(%arg5 : memref<128xf32, #tpu.memory_space<vmem>>) dst(%dma_wait3A_145 : memref<102400xf32, #tpu.memory_space<vmem_shared>>)
        %dma_wait3A_146 = arith.constant 0 : i32
        %dma_wait3A_147 = tpu.memref_slice %arg4[%add3A_70, %dma_wait3A_146] : memref<208x128xi32, #tpu.memory_space<vmem>> -> memref<1x128xi32, #tpu.memory_space<vmem>>
        %dma_wait3A_148 = tpu.memref_squeeze %dma_wait3A_147 : memref<1x128xi32, #tpu.memory_space<vmem>> -> memref<128xi32, #tpu.memory_space<vmem>>
        %dma_wait3A_149 = arith.constant 0 : i32
        %dma_wait3A_150 = tpu.memref_slice %arg7[%dma_wait3A_149] : memref<102400xf32, #tpu.memory_space<vmem_shared>> -> memref<102400xf32, #tpu.memory_space<vmem_shared>>
        tpu.wait_indirect_dma semaphore(%arg8 : memref<!tpu.dma_semaphore, #tpu.memory_space<semaphore_mem>>) src(%arg5 : memref<128xf32, #tpu.memory_space<vmem>>) dst(%dma_wait3A_150 : memref<102400xf32, #tpu.memory_space<vmem_shared>>)
        %dma_wait3A_151 = arith.constant 0 : i32
        %dma_wait3A_152 = tpu.memref_slice %arg4[%add3A_81, %dma_wait3A_151] : memref<208x128xi32, #tpu.memory_space<vmem>> -> memref<1x128xi32, #tpu.memory_space<vmem>>
        %dma_wait3A_153 = tpu.memref_squeeze %dma_wait3A_152 : memref<1x128xi32, #tpu.memory_space<vmem>> -> memref<128xi32, #tpu.memory_space<vmem>>
        %dma_wait3A_154 = arith.constant 0 : i32
        %dma_wait3A_155 = tpu.memref_slice %arg7[%dma_wait3A_154] : memref<102400xf32, #tpu.memory_space<vmem_shared>> -> memref<102400xf32, #tpu.memory_space<vmem_shared>>
        tpu.wait_indirect_dma semaphore(%arg8 : memref<!tpu.dma_semaphore, #tpu.memory_space<semaphore_mem>>) src(%arg5 : memref<128xf32, #tpu.memory_space<vmem>>) dst(%dma_wait3A_155 : memref<102400xf32, #tpu.memory_space<vmem_shared>>)
        %dma_wait3A_156 = arith.constant 0 : i32
        %dma_wait3A_157 = tpu.memref_slice %arg4[%add3A_92, %dma_wait3A_156] : memref<208x128xi32, #tpu.memory_space<vmem>> -> memref<1x128xi32, #tpu.memory_space<vmem>>
        %dma_wait3A_158 = tpu.memref_squeeze %dma_wait3A_157 : memref<1x128xi32, #tpu.memory_space<vmem>> -> memref<128xi32, #tpu.memory_space<vmem>>
        %dma_wait3A_159 = arith.constant 0 : i32
        %dma_wait3A_160 = tpu.memref_slice %arg7[%dma_wait3A_159] : memref<102400xf32, #tpu.memory_space<vmem_shared>> -> memref<102400xf32, #tpu.memory_space<vmem_shared>>
        tpu.wait_indirect_dma semaphore(%arg8 : memref<!tpu.dma_semaphore, #tpu.memory_space<semaphore_mem>>) src(%arg5 : memref<128xf32, #tpu.memory_space<vmem>>) dst(%dma_wait3A_160 : memref<102400xf32, #tpu.memory_space<vmem_shared>>)
        %dma_wait3A_161 = arith.constant 0 : i32
        %dma_wait3A_162 = tpu.memref_slice %arg4[%add3A_103, %dma_wait3A_161] : memref<208x128xi32, #tpu.memory_space<vmem>> -> memref<1x128xi32, #tpu.memory_space<vmem>>
        %dma_wait3A_163 = tpu.memref_squeeze %dma_wait3A_162 : memref<1x128xi32, #tpu.memory_space<vmem>> -> memref<128xi32, #tpu.memory_space<vmem>>
        %dma_wait3A_164 = arith.constant 0 : i32
        %dma_wait3A_165 = tpu.memref_slice %arg7[%dma_wait3A_164] : memref<102400xf32, #tpu.memory_space<vmem_shared>> -> memref<102400xf32, #tpu.memory_space<vmem_shared>>
        tpu.wait_indirect_dma semaphore(%arg8 : memref<!tpu.dma_semaphore, #tpu.memory_space<semaphore_mem>>) src(%arg5 : memref<128xf32, #tpu.memory_space<vmem>>) dst(%dma_wait3A_165 : memref<102400xf32, #tpu.memory_space<vmem_shared>>)
        %dma_wait3A_166 = arith.constant 0 : i32
        %dma_wait3A_167 = tpu.memref_slice %arg4[%add3A_114, %dma_wait3A_166] : memref<208x128xi32, #tpu.memory_space<vmem>> -> memref<1x128xi32, #tpu.memory_space<vmem>>
        %dma_wait3A_168 = tpu.memref_squeeze %dma_wait3A_167 : memref<1x128xi32, #tpu.memory_space<vmem>> -> memref<128xi32, #tpu.memory_space<vmem>>
        %dma_wait3A_169 = arith.constant 0 : i32
        %dma_wait3A_170 = tpu.memref_slice %arg7[%dma_wait3A_169] : memref<102400xf32, #tpu.memory_space<vmem_shared>> -> memref<102400xf32, #tpu.memory_space<vmem_shared>>
        tpu.wait_indirect_dma semaphore(%arg8 : memref<!tpu.dma_semaphore, #tpu.memory_space<semaphore_mem>>) src(%arg5 : memref<128xf32, #tpu.memory_space<vmem>>) dst(%dma_wait3A_170 : memref<102400xf32, #tpu.memory_space<vmem_shared>>)
        %dma_wait3A_171 = arith.constant 0 : i32
        %dma_wait3A_172 = tpu.memref_slice %arg4[%add3A_125, %dma_wait3A_171] : memref<208x128xi32, #tpu.memory_space<vmem>> -> memref<1x128xi32, #tpu.memory_space<vmem>>
        %dma_wait3A_173 = tpu.memref_squeeze %dma_wait3A_172 : memref<1x128xi32, #tpu.memory_space<vmem>> -> memref<128xi32, #tpu.memory_space<vmem>>
        %dma_wait3A_174 = arith.constant 0 : i32
        %dma_wait3A_175 = tpu.memref_slice %arg7[%dma_wait3A_174] : memref<102400xf32, #tpu.memory_space<vmem_shared>> -> memref<102400xf32, #tpu.memory_space<vmem_shared>>
        tpu.wait_indirect_dma semaphore(%arg8 : memref<!tpu.dma_semaphore, #tpu.memory_space<semaphore_mem>>) src(%arg5 : memref<128xf32, #tpu.memory_space<vmem>>) dst(%dma_wait3A_175 : memref<102400xf32, #tpu.memory_space<vmem_shared>>)
        %dma_wait3A_176 = arith.constant 0 : i32
        %dma_wait3A_177 = tpu.memref_slice %arg4[%add3A_136, %dma_wait3A_176] : memref<208x128xi32, #tpu.memory_space<vmem>> -> memref<1x128xi32, #tpu.memory_space<vmem>>
        %dma_wait3A_178 = tpu.memref_squeeze %dma_wait3A_177 : memref<1x128xi32, #tpu.memory_space<vmem>> -> memref<128xi32, #tpu.memory_space<vmem>>
        %dma_wait3A_179 = arith.constant 0 : i32
        %dma_wait3A_180 = tpu.memref_slice %arg7[%dma_wait3A_179] : memref<102400xf32, #tpu.memory_space<vmem_shared>> -> memref<102400xf32, #tpu.memory_space<vmem_shared>>
        tpu.wait_indirect_dma semaphore(%arg8 : memref<!tpu.dma_semaphore, #tpu.memory_space<semaphore_mem>>) src(%arg5 : memref<128xf32, #tpu.memory_space<vmem>>) dst(%dma_wait3A_180 : memref<102400xf32, #tpu.memory_space<vmem_shared>>)
        %scan3A_181 = arith.constant 0 : i32
        scf.yield %scan3A_181 : i32
      }
      %scan3A_52 = arith.constant 7 : i32
    } else {
    }
    %barrier3A_41 = arith.constant 0 : index
    tpu.barrier barrier_id(%barrier3A_41)
    %mul3A_42 = arith.constant 6400 : i32
    %mul3A_43 = arith.muli %arg1, %mul3A_42 : i32
    "tpu.region"() ({
      %run_scoped3A = tpu.sem_alloc : memref<!tpu.dma_semaphore, #tpu.memory_space<semaphore_mem>>
      %dma_start3A = tpu.memref_slice %arg7[%mul3A_43] : memref<102400xf32, #tpu.memory_space<vmem_shared>> -> memref<6400xf32, #tpu.memory_space<vmem_shared>>
      %dma_start3A_46 = tpu.memref_slice %arg7[%mul3A_43] : memref<102400xf32, #tpu.memory_space<vmem_shared>> -> memref<6400xf32, #tpu.memory_space<vmem_shared>>
      tpu.enqueue_dma source(%dma_start3A_46 : memref<6400xf32, #tpu.memory_space<vmem_shared>>) target(%arg6 : memref<6400xf32, #tpu.memory_space<vmem>>) target_semaphore(%run_scoped3A : memref<!tpu.dma_semaphore, #tpu.memory_space<semaphore_mem>>)
      %dma_wait3A = tpu.memref_slice %arg7[%mul3A_43] : memref<102400xf32, #tpu.memory_space<vmem_shared>> -> memref<6400xf32, #tpu.memory_space<vmem_shared>>
      %dma_wait3A_47 = tpu.memref_slice %arg7[%mul3A_43] : memref<102400xf32, #tpu.memory_space<vmem_shared>> -> memref<6400xf32, #tpu.memory_space<vmem_shared>>
      tpu.wait_dma2 semaphore(%run_scoped3A : memref<!tpu.dma_semaphore, #tpu.memory_space<semaphore_mem>>) src(%dma_wait3A_47 : memref<6400xf32, #tpu.memory_space<vmem_shared>>) dst(%arg6 : memref<6400xf32, #tpu.memory_space<vmem>>)
      tpu.yield
    }) : () -> ()
    %mul3A_44 = arith.constant 6400 : i32
    %mul3A_45 = arith.muli %arg1, %mul3A_44 : i32
    "tpu.region"() ({
      %run_scoped3A = tpu.sem_alloc : memref<!tpu.dma_semaphore, #tpu.memory_space<semaphore_mem>>
      %dma_start3A = tpu.memref_slice %arg3[%arg0, %mul3A_45] : memref<2x102400xf32, #tpu.memory_space<hbm>> -> memref<1x6400xf32, #tpu.memory_space<hbm>>
      %dma_start3A_46 = tpu.memref_squeeze %dma_start3A : memref<1x6400xf32, #tpu.memory_space<hbm>> -> memref<6400xf32, #tpu.memory_space<hbm>>
      %dma_start3A_47 = tpu.memref_slice %arg3[%arg0, %mul3A_45] : memref<2x102400xf32, #tpu.memory_space<hbm>> -> memref<1x6400xf32, #tpu.memory_space<hbm>>
      %dma_start3A_48 = tpu.memref_squeeze %dma_start3A_47 : memref<1x6400xf32, #tpu.memory_space<hbm>> -> memref<6400xf32, #tpu.memory_space<hbm>>
      tpu.enqueue_dma source(%arg6 : memref<6400xf32, #tpu.memory_space<vmem>>) target(%dma_start3A_48 : memref<6400xf32, #tpu.memory_space<hbm>>) target_semaphore(%run_scoped3A : memref<!tpu.dma_semaphore, #tpu.memory_space<semaphore_mem>>)
      %dma_wait3A = tpu.memref_slice %arg3[%arg0, %mul3A_45] : memref<2x102400xf32, #tpu.memory_space<hbm>> -> memref<1x6400xf32, #tpu.memory_space<hbm>>
      %dma_wait3A_49 = tpu.memref_squeeze %dma_wait3A : memref<1x6400xf32, #tpu.memory_space<hbm>> -> memref<6400xf32, #tpu.memory_space<hbm>>
      %dma_wait3A_50 = tpu.memref_slice %arg3[%arg0, %mul3A_45] : memref<2x102400xf32, #tpu.memory_space<hbm>> -> memref<1x6400xf32, #tpu.memory_space<hbm>>
      %dma_wait3A_51 = tpu.memref_squeeze %dma_wait3A_50 : memref<1x6400xf32, #tpu.memory_space<hbm>> -> memref<6400xf32, #tpu.memory_space<hbm>>
      tpu.wait_dma2 semaphore(%run_scoped3A : memref<!tpu.dma_semaphore, #tpu.memory_space<semaphore_mem>>) src(%arg6 : memref<6400xf32, #tpu.memory_space<vmem>>) dst(%dma_wait3A_51 : memref<6400xf32, #tpu.memory_space<hbm>>)
      tpu.yield
    }) : () -> ()
    return
  }
}

module attributes {stable_mosaic.version = 14 : i64} {
  func.func @_dense_body(%arg0: i32, %arg1: memref<2x4096xf32, #tpu.memory_space<vmem>>, %arg2: memref<2x4096xf32, #tpu.memory_space<vmem>>, %arg3: memref<1x4096xf32, #tpu.memory_space<vmem>>, %arg4: memref<512x1xf32, #tpu.memory_space<vmem>>, %arg5: memref<512x1xf32, #tpu.memory_space<vmem>>, %arg6: memref<512x1xf32, #tpu.memory_space<vmem>>, %arg7: memref<512x512xbf16, #tpu.memory_space<vmem>>, %arg8: memref<1x512xf32, #tpu.memory_space<vmem>>, %arg9: memref<512x512xbf16, #tpu.memory_space<vmem>>, %arg10: memref<1x512xf32, #tpu.memory_space<vmem>>, %arg11: memref<4096x512xf32, #tpu.memory_space<vmem>>) attributes {dimension_semantics = [#tpu.dimension_semantics<arbitrary>], iteration_bounds = array<i64: 25>, scalar_prefetch = 0 : i64, scratch_operands = 0 : i64, tpu.core_type = #tpu.core_type<tc>, window_params = [{transform_indices = @transform_0, window_bounds = array<i64: 2, 4096>}, {transform_indices = @transform_1, window_bounds = array<i64: 2, 4096>}, {transform_indices = @transform_2, window_bounds = array<i64: 1, 4096>}, {pipeline_mode = #tpu.pipeline_mode<synchronous>, transform_indices = @transform_3, window_bounds = array<i64: 512, 1>}, {pipeline_mode = #tpu.pipeline_mode<synchronous>, transform_indices = @transform_4, window_bounds = array<i64: 512, 1>}, {pipeline_mode = #tpu.pipeline_mode<synchronous>, transform_indices = @transform_5, window_bounds = array<i64: 512, 1>}, {pipeline_mode = #tpu.pipeline_mode<synchronous>, transform_indices = @transform_6, window_bounds = array<i64: 512, 512>}, {pipeline_mode = #tpu.pipeline_mode<synchronous>, transform_indices = @transform_7, window_bounds = array<i64: 1, 512>}, {pipeline_mode = #tpu.pipeline_mode<synchronous>, transform_indices = @transform_8, window_bounds = array<i64: 512, 512>}, {pipeline_mode = #tpu.pipeline_mode<synchronous>, transform_indices = @transform_9, window_bounds = array<i64: 1, 512>}, {transform_indices = @transform_10, window_bounds = array<i64: 4096, 512>}]} {
    %get3A = arith.constant 0 : index
    %get3A_0 = arith.constant 0 : index
    %get3A_1 = vector.load %arg1[%get3A, %get3A_0] : memref<2x4096xf32, #tpu.memory_space<vmem>>, vector<2x4096xf32>
    %get3A_2 = arith.constant 0 : index
    %get3A_3 = arith.constant 0 : index
    %get3A_4 = vector.load %arg2[%get3A_2, %get3A_3] : memref<2x4096xf32, #tpu.memory_space<vmem>>, vector<2x4096xf32>
    %add3A = arith.addf %get3A_1, %get3A_4 : vector<2x4096xf32>
    %slice3A = vector.extract_strided_slice %add3A {offsets = [0, 0], sizes = [1, 4096], strides = [1, 1]} : vector<2x4096xf32> to vector<1x4096xf32>
    %slice3A_5 = vector.extract_strided_slice %add3A {offsets = [1, 0], sizes = [1, 4096], strides = [1, 1]} : vector<2x4096xf32> to vector<1x4096xf32>
    %add3A_6 = arith.addf %slice3A, %slice3A_5 : vector<1x4096xf32>
    %max3A = arith.constant 1.000000e+00 : f32
    %max3A_7 = vector.broadcast %max3A : f32 to vector<1x4096xf32>
    %max3A_8 = arith.maximumf %add3A_6, %max3A_7 : vector<1x4096xf32>
    %get3A_9 = arith.constant 0 : index
    %get3A_10 = arith.constant 0 : index
    %get3A_11 = vector.load %arg4[%get3A_9, %get3A_10] : memref<512x1xf32, #tpu.memory_space<vmem>>, vector<512x1xf32>
    %mul3A = vector.broadcast %get3A_11 : vector<512x1xf32> to vector<512x4096xf32>
    %mul3A_12 = vector.broadcast %max3A_8 : vector<1x4096xf32> to vector<512x4096xf32>
    %mul3A_13 = arith.mulf %mul3A, %mul3A_12 : vector<512x4096xf32>
    %get3A_14 = arith.constant 0 : index
    %get3A_15 = arith.constant 0 : index
    %get3A_16 = vector.load %arg5[%get3A_14, %get3A_15] : memref<512x1xf32, #tpu.memory_space<vmem>>, vector<512x1xf32>
    %get3A_17 = arith.constant 0 : index
    %get3A_18 = arith.constant 0 : index
    %get3A_19 = vector.load %arg3[%get3A_17, %get3A_18] : memref<1x4096xf32, #tpu.memory_space<vmem>>, vector<1x4096xf32>
    %mul3A_20 = vector.broadcast %get3A_16 : vector<512x1xf32> to vector<512x4096xf32>
    %mul3A_21 = vector.broadcast %get3A_19 : vector<1x4096xf32> to vector<512x4096xf32>
    %mul3A_22 = arith.mulf %mul3A_20, %mul3A_21 : vector<512x4096xf32>
    %add3A_23 = arith.addf %mul3A_13, %mul3A_22 : vector<512x4096xf32>
    %get3A_24 = arith.constant 0 : index
    %get3A_25 = arith.constant 0 : index
    %get3A_26 = vector.load %arg6[%get3A_24, %get3A_25] : memref<512x1xf32, #tpu.memory_space<vmem>>, vector<512x1xf32>
    %add3A_27 = vector.broadcast %get3A_26 : vector<512x1xf32> to vector<512x4096xf32>
    %add3A_28 = arith.addf %add3A_23, %add3A_27 : vector<512x4096xf32>
    %max3A_29 = arith.constant 0.000000e+00 : f32
    %max3A_30 = vector.broadcast %max3A_29 : f32 to vector<512x4096xf32>
    %max3A_31 = arith.maximumf %add3A_28, %max3A_30 : vector<512x4096xf32>
    %convert_element_type3A = arith.truncf %max3A_31 : vector<512x4096xf32> to vector<512x4096xbf16>
    %get3A_32 = arith.constant 0 : index
    %get3A_33 = arith.constant 0 : index
    %get3A_34 = vector.load %arg7[%get3A_32, %get3A_33] : memref<512x512xbf16, #tpu.memory_space<vmem>>, vector<512x512xbf16>
    %dot_general3A = arith.constant dense<0.000000e+00> : vector<4096x512xf32>
    %dot_general3A_35 = tpu.matmul %convert_element_type3A, %get3A_34, %dot_general3A {dimension_numbers = #tpu.dot_dimension_numbers<[0], [1], [1], [0], [0, 1, 1, 0], [], []>, transpose_lhs_hint = false} : vector<512x4096xbf16>, vector<512x512xbf16>, vector<4096x512xf32> -> vector<4096x512xf32>
    %get3A_36 = arith.constant 0 : index
    %get3A_37 = arith.constant 0 : index
    %get3A_38 = vector.load %arg8[%get3A_36, %get3A_37] : memref<1x512xf32, #tpu.memory_space<vmem>>, vector<1x512xf32>
    %add3A_39 = vector.broadcast %get3A_38 : vector<1x512xf32> to vector<4096x512xf32>
    %add3A_40 = arith.addf %dot_general3A_35, %add3A_39 : vector<4096x512xf32>
    %max3A_41 = arith.constant 0.000000e+00 : f32
    %max3A_42 = vector.broadcast %max3A_41 : f32 to vector<4096x512xf32>
    %max3A_43 = arith.maximumf %add3A_40, %max3A_42 : vector<4096x512xf32>
    %convert_element_type3A_44 = arith.truncf %max3A_43 : vector<4096x512xf32> to vector<4096x512xbf16>
    %get3A_45 = arith.constant 0 : index
    %get3A_46 = arith.constant 0 : index
    %get3A_47 = vector.load %arg9[%get3A_45, %get3A_46] : memref<512x512xbf16, #tpu.memory_space<vmem>>, vector<512x512xbf16>
    %dot_general3A_48 = arith.constant dense<0.000000e+00> : vector<4096x512xf32>
    %dot_general3A_49 = tpu.matmul %convert_element_type3A_44, %get3A_47, %dot_general3A_48 {dimension_numbers = #tpu.dot_dimension_numbers<[1], [1], [0], [0], [0, 0, 1, 0], [], []>, transpose_lhs_hint = false} : vector<4096x512xbf16>, vector<512x512xbf16>, vector<4096x512xf32> -> vector<4096x512xf32>
    %get3A_50 = arith.constant 0 : index
    %get3A_51 = arith.constant 0 : index
    %get3A_52 = vector.load %arg10[%get3A_50, %get3A_51] : memref<1x512xf32, #tpu.memory_space<vmem>>, vector<1x512xf32>
    %add3A_53 = vector.broadcast %get3A_52 : vector<1x512xf32> to vector<4096x512xf32>
    %add3A_54 = arith.addf %dot_general3A_49, %add3A_53 : vector<4096x512xf32>
    %swap3A = arith.constant 0 : index
    %swap3A_55 = arith.constant 0 : index
    %swap3A_56 = vector.load %arg11[%swap3A, %swap3A_55] : memref<4096x512xf32, #tpu.memory_space<vmem>>, vector<4096x512xf32>
    tpu.vector_store %arg11[%swap3A, %swap3A_55], %add3A_54 {strides = array<i32>} : memref<4096x512xf32, #tpu.memory_space<vmem>>, vector<4096x512xf32>,
    return
  }
  func.func @transform_0(%arg0: i32) -> (i32, i32) {
    %c0_i32 = arith.constant 0 : i32
    %c0_i32_0 = arith.constant 0 : i32
    return %c0_i32, %arg0 : i32, i32
  }
  func.func @transform_1(%arg0: i32) -> (i32, i32) {
    %c0_i32 = arith.constant 0 : i32
    %c0_i32_0 = arith.constant 0 : i32
    return %c0_i32, %arg0 : i32, i32
  }
  func.func @transform_2(%arg0: i32) -> (i32, i32) {
    %c0_i32 = arith.constant 0 : i32
    %c0_i32_0 = arith.constant 0 : i32
    return %c0_i32, %arg0 : i32, i32
  }
  func.func @transform_3(%arg0: i32) -> (i32, i32) {
    %c0_i32 = arith.constant 0 : i32
    %c0_i32_0 = arith.constant 0 : i32
    %c0_i32_1 = arith.constant 0 : i32
    return %c0_i32, %c0_i32_0 : i32, i32
  }
  func.func @transform_4(%arg0: i32) -> (i32, i32) {
    %c0_i32 = arith.constant 0 : i32
    %c0_i32_0 = arith.constant 0 : i32
    %c0_i32_1 = arith.constant 0 : i32
    return %c0_i32, %c0_i32_0 : i32, i32
  }
  func.func @transform_5(%arg0: i32) -> (i32, i32) {
    %c0_i32 = arith.constant 0 : i32
    %c0_i32_0 = arith.constant 0 : i32
    %c0_i32_1 = arith.constant 0 : i32
    return %c0_i32, %c0_i32_0 : i32, i32
  }
  func.func @transform_6(%arg0: i32) -> (i32, i32) {
    %c0_i32 = arith.constant 0 : i32
    %c0_i32_0 = arith.constant 0 : i32
    %c0_i32_1 = arith.constant 0 : i32
    return %c0_i32, %c0_i32_0 : i32, i32
  }
  func.func @transform_7(%arg0: i32) -> (i32, i32) {
    %c0_i32 = arith.constant 0 : i32
    %c0_i32_0 = arith.constant 0 : i32
    %c0_i32_1 = arith.constant 0 : i32
    return %c0_i32, %c0_i32_0 : i32, i32
  }
  func.func @transform_8(%arg0: i32) -> (i32, i32) {
    %c0_i32 = arith.constant 0 : i32
    %c0_i32_0 = arith.constant 0 : i32
    %c0_i32_1 = arith.constant 0 : i32
    return %c0_i32, %c0_i32_0 : i32, i32
  }
  func.func @transform_9(%arg0: i32) -> (i32, i32) {
    %c0_i32 = arith.constant 0 : i32
    %c0_i32_0 = arith.constant 0 : i32
    %c0_i32_1 = arith.constant 0 : i32
    return %c0_i32, %c0_i32_0 : i32, i32
  }
  func.func @transform_10(%arg0: i32) -> (i32, i32) {
    %c0_i32 = arith.constant 0 : i32
    %c0_i32_0 = arith.constant 0 : i32
    return %arg0, %c0_i32 : i32, i32
  }
}

</mosaic_0001>

<sc_bundles>
// kernel: kernel.5.cloned.1.call-start
scs
__scs_entry_jumppad:
0x0: {  	(pc) =	sbr.rel $0x88, $3  }
0x1: {  	(tag) =	ssettag $0x0;
	lr =	simm.s32 $0x1  }
0x2: {  	[smem:$0x3F98] =	sst lr;
	_ =	strace $0xD0000000  }
0x3: {  	_ = 	snop  }
0x4: {  	_ = 	snop  }
0x5: {  	_ = 	snop  }
0x6: {  	_ = 	snop  }
0x7: {  	_ = 	snop  }
__scs_overlays_trampoline_lowered:
0x8: {  	[smem:$0x3FA7] =	sst s0  }
0x9: {  	[smem:$0x3FA8] =	sst s1  }
0xa: {  	[smem:$0x3FA9] =	sst s2  }
0xb: {  	[smem:$0x3FAA] =	sst s3  }
0xc: {  	[smem:$0x3FAB] =	sst s4  }
0xd: {  	[smem:$0x3FAC] =	sst s5  }
0xe: {  	[smem:$0x3FAD] =	sst s6  }
0xf: {  	[smem:$0x3FAE] =	sst s7  }
0x10: {  	[smem:$0x3FAF] =	sst s8  }
0x11: {  	[smem:$0x3FB0] =	sst s9;
	s0 =	simm.s32 @!p0 $0x0  }
0x12: {  	s1 =	sld [smem:$0x3F96];
	s0 =	simm.s32 @p0 $0x1  }
0x13: {  	[smem:$0x3FB1] =	sst s0;
	s0 =	simm.s32 @!p1 $0x0  }
0x14: {  	s2 =	sld [smem:$0x3F95];
	s0 =	simm.s32 @p1 $0x1  }
0x15: {  	[smem:$0x3FB2] =	sst s0;
	s0 =	simm.s32 @!p2 $0x0  }
0x16: {  	s3 =	sld [smem:$0x3FDB];
	s0 =	simm.s32 @p2 $0x1  }
0x17: {  	s4 =	simm.s32 $0x1BF5;
	[smem:$0x3FB4] =	sst s0  }
0x18: {  	s0 =	sld [smem:$0x3F97];
	_ =	swait.ge [sflag:s4], $0x0  }
0x19: {  	s7 =	sld [smem:$0x3F98]  }
0x1a: {  	s8 =	sadd.s32 $0xFFFFE003, lr  }
0x1b: {  	s9 =	sadd.s32 $0xFFFFFEF7, lr;
	s5 =	simm.s32 $0xFFFFFFFF;
	p2 =	slt.u32 s8, $0xFFFFF086  }
0x1c: {  	p1 =	slt.u32 s9, $0xF7A;
	s5 =	simm.s32 @!p2 $0x0  }
0x1d: {  	s5 =	simm.s32 @p1 $0x1;
	p0 =	seq.s32 s7, s2  }
0x1e: {  	s7 =	smul.u32 @!p0 $0xF7A, s2;
	p2 =	seq.s32 @!p0 s5, $0x0  }
0x1f: {  	s9 =	smul.u32 $0xF7A, s1;
	s8 =	simm.s32 @!p0 $0x1BF5;
	p2 =	por !p2, p0  }
0x20: {  	[sflag:s8] =	ssyncset.s32 @!p0 $0xFFFFF086;
	s6 =	sadd.s32 @!p0 s3, s7;
	s7 =	simm.s32 @!p0 $0x108  }
0x21: {  	s3 =	sadd.s32 s3, s9;
	s6 =	sadd.s32 @!p0 $0x88, s6;
	s7 =	simm.s32 @p2 $0x1082  }
0x22: {  	[simem:s7], [sflag:s8] =	dma.local @!p0 [hbm:s6], $0xF7A  }
0x23: {  	s9 =	sor.u32 $0xD0000000, s2;
	s6 =	simm.s32 $0x108;
	_ =	swait.ge @!p0 [sflag:s8], $0x0  }
0x24: {  	s3 =	sadd.s32 $0x88, s3;
	s6 =	simm.s32 @!p1 $0x1082;
	[sflag:s4] =	ssyncset.s32 $0xFFFFF086  }
0x25: {  	[simem:s6], [sflag:s4] =	dma.local [hbm:s3], $0xF7A  }
0x26: {  	[smem:$0x3F98] =	sst s1;
	(tag) =	ssettag s2;
	_ =	strace s9  }
0x27: {  	s1 =	sld [smem:$0x3FA8]  }
0x28: {  	s2 =	sld [smem:$0x3FA9]  }
0x29: {  	s4 =	sld [smem:$0x3FAB]  }
0x2a: {  	p0 =	seq.s32 s5, $0x0;
	s5 =	sld [smem:$0x3FAC]  }
0x2b: {  	s6 =	sld [smem:$0x3FAD]  }
0x2c: {  	s7 =	sld [smem:$0x3FAE]  }
0x2d: {  	s3 =	simm.s32 $0x108;
	s8 =	sld [smem:$0x3FAF]  }
0x2e: {  	s3 =	simm.s32 @!p0 $0x1082;
	s9 =	sld [smem:$0x3FB0]  }
0x2f: {  	lr =	sadd.s32 s0, s3;
	s0 =	sld [smem:$0x3FA7]  }
0x30: {  	s3 =	sld [smem:$0x3FAA]  }
0x31: {  	[smem:$0x3FB3] =	sst s10  }
0x32: {  	s10 =	sld [smem:$0x3FB1];
	_ =	sdelay $0x3  }
0x33: {  	p0 =	seq.s32 s10, $0x1;
	s10 =	sld [smem:$0x3FB3];
	_ =	sdelay $0x3  }
0x34: {  	[smem:$0x3FB3] =	sst s10  }
0x35: {  	s10 =	sld [smem:$0x3FB2];
	_ =	sdelay $0x3  }
0x36: {  	p1 =	seq.s32 s10, $0x1;
	s10 =	sld [smem:$0x3FB3];
	_ =	sdelay $0x3  }
0x37: {  	[smem:$0x3FB3] =	sst s10  }
0x38: {  	s10 =	sld [smem:$0x3FB4]  }
0x39: {  	_ = 	snop;
	(pc) =	sbr.ind lr, $3  }
0x3a: {  	_ = 	snop  }
0x3b: {  	_ = 	snop  }
0x3c: {  	p2 =	seq.s32 s10, $0x1;
	s10 =	sld [smem:$0x3FB3]  }
0x3d: {  	_ =	shalt  }
0x3e: {  	_ =	shalt  }
0x3f: {  	_ =	shalt  }
0x40: {  	_ =	shalt  }
0x41: {  	_ =	shalt  }
0x42: {  	_ =	shalt  }
0x43: {  	_ =	shalt  }
0x44: {  	_ =	shalt  }
0x45: {  	_ =	shalt  }
0x46: {  	_ =	shalt  }
0x47: {  	_ =	shalt  }
0x48: {  	_ =	shalt  }
0x49: {  	_ =	shalt  }
0x4a: {  	_ =	shalt  }
0x4b: {  	_ =	shalt  }
0x4c: {  	_ =	shalt  }
0x4d: {  	_ =	shalt  }
0x4e: {  	_ =	shalt  }
0x4f: {  	_ =	shalt  }
0x50: {  	_ =	shalt  }
0x51: {  	_ =	shalt  }
0x52: {  	_ =	shalt  }
0x53: {  	_ =	shalt  }
0x54: {  	_ =	shalt  }
0x55: {  	_ =	shalt  }
0x56: {  	_ =	shalt  }
0x57: {  	_ =	shalt  }
0x58: {  	_ =	shalt  }
0x59: {  	_ =	shalt  }
0x5a: {  	_ =	shalt  }
0x5b: {  	_ =	shalt  }
0x5c: {  	_ =	shalt  }
0x5d: {  	_ =	shalt  }
0x5e: {  	_ =	shalt  }
0x5f: {  	_ =	shalt  }
0x60: {  	_ =	shalt  }
0x61: {  	_ =	shalt  }
0x62: {  	_ =	shalt  }
0x63: {  	_ =	shalt  }
0x64: {  	_ =	shalt  }
0x65: {  	_ =	shalt  }
0x66: {  	_ =	shalt  }
0x67: {  	_ =	shalt  }
0x68: {  	_ =	shalt  }
0x69: {  	_ =	shalt  }
0x6a: {  	_ =	shalt  }
0x6b: {  	_ =	shalt  }
0x6c: {  	_ =	shalt  }
0x6d: {  	_ =	shalt  }
0x6e: {  	_ =	shalt  }
0x6f: {  	_ =	shalt  }
0x70: {  	_ =	shalt  }
0x71: {  	_ =	shalt  }
0x72: {  	_ =	shalt  }
0x73: {  	_ =	shalt  }
0x74: {  	_ =	shalt  }
0x75: {  	_ =	shalt  }
0x76: {  	_ =	shalt  }
0x77: {  	_ =	shalt  }
0x78: {  	_ =	shalt  }
0x79: {  	_ =	shalt  }
0x7a: {  	_ =	shalt  }
0x7b: {  	_ =	shalt  }
0x7c: {  	_ =	shalt  }
0x7d: {  	_ =	shalt  }
0x7e: {  	_ =	shalt  }
0x7f: {  	_ =	shalt  }
0x80: {  	_ =	shalt  }
0x81: {  	_ =	shalt  }
0x82: {  	_ =	shalt  }
0x83: {  	_ =	shalt  }
0x84: {  	_ =	shalt  }
0x85: {  	_ =	shalt  }
0x86: {  	_ =	shalt  }
0x87: {  	_ =	shalt  }
.Lfunc_end0:
.L_simem_size_0:
called_computation_lowered:
.L_overlay_start_0:
0x88: {  	s2 =	sld [smem:$0x3FD9]  }
0x89: {  	s3 =	sld [smem:$0x3FFE];
	_ =	sdelay $0x1  }
0x8a: {  	s1 =	srdreg.scid  }
0x8b: {  	s0 =	sand.u32 $0x1, s1  }
0x8c: {  	s16 =	sshll.u32 s0, $0xA;
	s2 =	sadd.s32 s3, s2  }
0x8d: {  	s2 =	sadd.s32 s2, s16  }
0x8e: {  	[smem:$0x3FBF] =	sst s2  }
0x8f: {  	_ = 	snop  }
0x90: {  	(tm) =	ssettm $0x1  }
0x91: {  	s17 =	sld [smem:$0x3FFB];
	_ =	sdelay $0x3  }
0x92: {  	_ =	strace s17  }
0x93: {  	s2 =	sld [smem:$0x3FFC];
	_ =	sdelay $0x3  }
0x94: {  	_ =	strace s2  }
0x95: {  	s2 =	sld [smem:$0x3FFD];
	_ =	sdelay $0x3  }
0x96: {  	_ =	strace s2  }
0x97: {  	_ =	strace $0x8FFFFFFF  }
0x98: {  	s18 =	sld [smem:$0x3FDB];
	_ =	sdelay $0x1  }
0x99: {  	s19 =	simm.s32 $_scs_section_size  }
0x9a: {  	s4 =	simm.s32 $_size__tile_overlayer_lowered;
	s5 =	simm.s32 $_tile_overlayer_lowered  }
0x9b: {  	s22 =	simm.s32 $0x1BFF;
	s21 =	sshll.u32 s5, $0x1;
	s2 =	sadd.s32 s19, s18  }
0x9c: {  	s6 =	simm.s32 $0x0;
	s20 =	sshll.u32 s4, $0x1;
	s4 =	sadd.s32 s21, s2  }
0x9d: {  	[timem:s6], [sflag:s22] =	dma.local [hbm:s4], s20  }
0x9e: {  	_ =	swait.ge [sflag:s22], s20  }
0x9f: {  	s3 =	ssub.s32 $0x0, s20;
	[sflag:s22] =	ssyncset.done $0x0  }
0xa0: {  	[sflag:s22] =	ssyncadd.s32 s3;
	_ =	sdelay $0x1  }
0xa1: {  	s23 =	simm.s32 $0x1B8B  }
0xa2: {  	_ =	swait.ge [sflag:s23], $0x1  }
0xa3: {  	[sflag:s23] =	ssyncset.done $0x0  }
0xa4: {  	s25 =	simm.s32 $0x1B8E;
	s24 =	sld [smem:$0x3FFE];
	[sflag:s23] =	ssyncadd.s32 $0xFFFFFFFF  }
0xa5: {  	s26 =	simm.s32 $execute0_lowered;
	[smem:$0x3FD2] =	sst s25  }
0xa6: {  	s4 =	sshll.u32 s26, $0x1;
	_ =	strace $0x80000046;
	[dreg:$0x1] =	wrdreg $0xFFFFFFFF  }
0xa7: {  	s28 =	simm.s32 $_size_execute0_lowered;
	s2 =	sadd.s32 s2, s4;
	[dreg:$0x0] =	wrdreg $0x0  }
0xa8: {  	s4 =	sshll.u32 s28, $0x1;
	[dreg:$0x2] =	wrdreg s2  }
0xa9: {  	[dreg:$0x3] =	wrdreg s4  }
0xaa: {  	[dreg:$0x4] =	wrdreg $0xC0  }
0xab: {  	_ =	task [dreg:s6], $0x5FFFF  }
0xac: {  	[dreg:$0x1] =	wrdreg $0xFFFFFFFF  }
0xad: {  	[dreg:$0x0] =	wrdreg $0x60  }
0xae: {  	[dreg:$0x2] =	wrdreg s24  }
0xaf: {  	[dreg:$0x3] =	wrdreg $0x7D800  }
0xb0: {  	[dreg:$0x4] =	wrdreg $0x9  }
0xb1: {  	_ =	task.clear_ibuf [dreg:s6], $0x5FFFF;
	_ =	strace $0x90000046  }
0xb2: {  	s29 =	simm.s32 $0x9;
	_ =	strace $0x80000048  }
0xb3: {  	_ =	swait.ge [sflag:s29], $0x1  }
0xb4: {  	[sflag:s29] =	ssyncadd.s32 $0xFFFFFFFF  }
0xb5: {  	_ =	strace $0x90000048  }
0xb6: {  	_ =	sfence  }
0xb7: {  	s30 =	sld [smem:$0x0];
	_ =	sdelay $0x2  }
0xb8: {  	s31 =	sshll.u32 s1, $0xD;
	s1 =	sshrl.u32 s1, $0x2  }
0xb9: {  	s3 =	sand.u32 $0x4000, s31;
	s1 =	sadd.s32 s1, s30  }
0xba: {  	s0 =	sor.u32 s3, s0;
	s1 =	sshll.u32 s1, $0x11  }
0xbb: {  	s0 =	sor.u32 s1, s0  }
0xbc: {  	s0 =	sadd.s32 $0x8F2B, s0  }
0xbd: {  	[sflag:s0] =	ssyncadd.remote.s32 $0x1  }
0xbe: {  	_ =	sfence.sel $0xFFFF  }
0xbf: {  	[dreg:$0x0] =	wrdreg $0xFFFFFFFF;
	(pc) =	sbr.abs _section_cstart, $3  }
0xc0: {  	[dreg:$0x1] =	wrdreg $0xFFFFFFFF  }
0xc1: {  	_ =	task.clear_ibuf [dreg:s6], $0x2FFFF;
	_ =	strace $0x9FFFFFFF  }
0xc2: {  	(tm) =	ssettm $0x7FFFFFFF  }
0xc3: {  	_ =	shalt  }
tec
execute0_lowered:
.L_overlay_start_1:
0x0: {  	(tag) =	ssettag $0x1  }
0x1: {  	s6 =	rddreg [dreg:$0x0]  }
0x2: {  	s2 =	rddreg [dreg:$0x1]  }
0x3: {  	s0 =	rddreg [dreg:$0x2]  }
0x4: {  	s4 =	srdreg.scid;
	s1 =	stileid.u32;
	s3 =	simm.s32 $0x0  }
0x5: {  	s12 =	simm.s32 $0x6400;
	s13 =	simm.s32 $0x1;
	s14 =	simm.s32 $0x100  }
0x6: {  	s4 =	sand.u32 $0x1, s4;
	s5 =	sshll.u32 s1, $0x1;
	s29 =	smul.u32 $0x3200, s1  }
0x7: {  	[smem:$0x7FF] =	sst s3;
	s30 =	smul.u32 $0x6400, s1;
	s9 =	sor.u32 s4, s5  }
0x8: {  	_ =	strace $0x80000047;
	s8 =	sshll.u32 s4, $0x7;
	s4 =	ssub.s32 $0x2, s4  }
0x9: {  	s7 =	smul.u32 $0xC80, s9;
	s5 =	sor.u32 s8, s29;
	s10 =	sshrl.u32 s4, $0x1  }
.Ltmp0:
0xa: {  	s31 =	sshrl.u32 s30, $0x2;
	p0 =	seq.s32 s9, $0x1F;
	(pc) =	sbr.rel .LBB2_1-.Ltmp0, $4  }
0xb: {  	s9 =	simm.s32 $0x6480;
	s5 =	sshrl.u32 s5, $0x3;
	s10 =	ssub.s32 s4, s10  }
0xc: {  	s4 =	sadd.s32 s31, s2;
	s7 =	sadd.s32 s7, s6;
	s11 =	sadd.s32 s5, s6  }
0xd: {  	s6 =	sadd.s32 $0x32E00, s6;
	s8 =	smax.u32 s10, $0x1;
	s10 =	simm.s32 $0x2  }
0xe: {  	v0 =	vimm.f32 $1.000000000e+00;
	v1 =	vimm.f32 $0.0e+00;
	s5 =	sadd.s32 $0x1AA80, s7;
	s7 =	sadd.s32 $0x33200, s11;
	s11 =	simm.s32 $0x80  }
.LBB2_6:
0xf: {  	s15 =	sshra.s32 s15, $0x2;
	[sflag:s13] =	ssyncadd.s32 $0xFFFFFF80  }
0x10: {  	[spmem:s2] =	stream.indirect.scatter.add.f32 [tilespmem:s12], [sflag:$0x1], $0x1, s15, s11, $0xb8;
	[tilespmem:$0x9680] =	vst v63  }
0x11: {  	s16 =	sadd.s32 $0x80, s15  }
0x12: {  	[spmem:s2] =	stream.indirect.scatter.add.f32 [tilespmem:s12], [sflag:$0x1], $0x1, s16, s11, $0xb8;
	[tilespmem:$0x9680] =	vst v63  }
0x13: {  	s26 =	sadd.s32 $0x100, s15  }
0x14: {  	[spmem:s2] =	stream.indirect.scatter.add.f32 [tilespmem:s12], [sflag:$0x1], $0x1, s26, s11, $0xb8;
	[tilespmem:$0x9680] =	vst v63  }
0x15: {  	s28 =	sadd.s32 $0x180, s15  }
0x16: {  	[spmem:s2] =	stream.indirect.scatter.add.f32 [tilespmem:s12], [sflag:$0x1], $0x1, s28, s11, $0xb8;
	[tilespmem:$0x9680] =	vst v63  }
0x17: {  	s29 =	sadd.s32 $0x200, s15  }
0x18: {  	[spmem:s2] =	stream.indirect.scatter.add.f32 [tilespmem:s12], [sflag:$0x1], $0x1, s29, s11, $0xb8;
	[tilespmem:$0x9680] =	vst v63  }
0x19: {  	s30 =	sadd.s32 $0x280, s15  }
0x1a: {  	[spmem:s2] =	stream.indirect.scatter.add.f32 [tilespmem:s12], [sflag:$0x1], $0x1, s30, s11, $0xb8;
	[tilespmem:$0x9680] =	vst v63  }
0x1b: {  	s31 =	sadd.s32 $0x300, s15  }
0x1c: {  	[spmem:s2] =	stream.indirect.scatter.add.f32 [tilespmem:s12], [sflag:$0x1], $0x1, s31, s11, $0xb8;
	[tilespmem:$0x9680] =	vst v63  }
0x1d: {  	s15 =	sadd.s32 $0x380, s15  }
0x1e: {  	[spmem:s2] =	stream.indirect.scatter.add.f32 [tilespmem:s12], [sflag:$0x1], $0x1, s15, s11, $0xb8;
	[tilespmem:$0x9680] =	vst v63  }
0x1f: {  	_ =	swait.ge [sflag:s13], $0x80  }
0x20: {  	[sflag:s13] =	ssyncset.done $0x0  }
0x21: {  	[sflag:s13] =	ssyncadd.s32 $0xFFFFFF80  }
0x22: {  	_ =	swait.ge [sflag:s13], $0x80  }
0x23: {  	[sflag:s13] =	ssyncset.done $0x0  }
0x24: {  	[sflag:s13] =	ssyncadd.s32 $0xFFFFFF80  }
0x25: {  	_ =	swait.ge [sflag:s13], $0x80  }
0x26: {  	[sflag:s13] =	ssyncset.done $0x0  }
0x27: {  	[sflag:s13] =	ssyncadd.s32 $0xFFFFFF80  }
0x28: {  	_ =	swait.ge [sflag:s13], $0x80  }
0x29: {  	[sflag:s13] =	ssyncset.done $0x0  }
0x2a: {  	[sflag:s13] =	ssyncadd.s32 $0xFFFFFF80  }
0x2b: {  	_ =	swait.ge [sflag:s13], $0x80  }
0x2c: {  	[sflag:s13] =	ssyncset.done $0x0  }
0x2d: {  	[sflag:s13] =	ssyncadd.s32 $0xFFFFFF80  }
0x2e: {  	_ =	swait.ge [sflag:s13], $0x80  }
0x2f: {  	[sflag:s13] =	ssyncset.done $0x0  }
0x30: {  	[sflag:s13] =	ssyncadd.s32 $0xFFFFFF80  }
0x31: {  	_ =	swait.ge [sflag:s13], $0x80  }
0x32: {  	[sflag:s13] =	ssyncset.done $0x0  }
0x33: {  	[sflag:s13] =	ssyncadd.s32 $0xFFFFFF80  }
0x34: {  	_ =	swait.ge [sflag:s13], $0x80  }
0x35: {  	[sflag:s13] =	ssyncset.done $0x0  }
0x36: {  	[sflag:s13] =	ssyncadd.s32 $0xFFFFFF80  }
.LBB2_10:
0x37: {  	[bflag:$0x0] =	sbarrier.arrive $0xFFFF  }
0x38: {  	[tilespmem:s9], [sflag:$0x2] =	stream.linear.gather [spmem:s4], $0x1900, $0x38;
	[tilespmem:$0x9680] =	vst v63  }
0x39: {  	s3 =	sadd.s32 $0x1, s3;
	_ =	swait.ge [sflag:s10], $0x1900  }
0x3a: {  	p1 =	sne.s32 s3, s8;
	[sflag:s10] =	ssyncset.done $0x0  }
.Ltmp1:
0x3b: {  	[sflag:s10] =	ssyncadd.s32 $0xFFFFE700;
	(pc) =	sbr.rel @!p1 .LBB2_11-.Ltmp1, $4  }
0x3c: {  	[hbm4b:s7+s11] =	stream.strided.scatter [tilespmem:s9], [sflag:$0x2], $0x1900, s14, s11, $0x38;
	[tilespmem:$0x9680] =	vst v63  }
0x3d: {  	_ =	swait.ge [sflag:s10], $0x1900  }
0x3e: {  	[sflag:s10] =	ssyncset.done $0x0  }
0x3f: {  	[sflag:s10] =	ssyncadd.s32 $0xFFFFE700  }
.LBB2_1:
0x40: {  	[tilespmem:$0x6400] =	vst v0  }
0x41: {  	[tilespmem:$0x6410] =	vst v0  }
0x42: {  	[tilespmem:$0x6420] =	vst v0  }
0x43: {  	[tilespmem:$0x6430] =	vst v0  }
0x44: {  	[tilespmem:$0x6440] =	vst v0  }
0x45: {  	[tilespmem:$0x6450] =	vst v0  }
0x46: {  	[tilespmem:$0x6460] =	vst v0  }
0x47: {  	[tilespmem:$0x6470] =	vst v0;
	s15 =	simm.s32 $0x40;
	s16 =	simm.s32 $0x0  }
.LBB2_2:
0x48: {  	p1 =	sne.s32 s15, $0x63C0;
	[tilespmem:s16+$0x6480] =	vst v1;
	s16 =	smov.u32 s15;
	s15 =	sadd.s32 $0x40, s15  }
.Ltmp2:
0x49: {  	(pc) =	sbr.rel @p1 .LBB2_2-.Ltmp2, $2  }
0x4a: {  	_ =	sdelay $0x2  }
0x4b: {  	s16 =	sshra.s32 s16, $0x2  }
.Ltmp3:
0x4c: {  	[tilespmem:s16+$0x6480] =	vst v1;
	(pc) =	sbr.rel @!p0 .LBB2_4-.Ltmp3, $4  }
0x4d: {  	[spmem:s4] =	stream.linear.scatter [tilespmem:s9], [sflag:$0x2], $0x1900, $0x38;
	[tilespmem:$0x9680] =	vst v63  }
0x4e: {  	_ =	swait.ge [sflag:s10], $0x1900  }
0x4f: {  	[sflag:s10] =	ssyncset.done $0x0  }
0x50: {  	s15 =	simm.s32 $0x0;
	[sflag:s10] =	ssyncadd.s32 $0xFFFFE700  }
0x51: {  	[tilespmem:s15], [sflag:$0x2] =	stream.linear.gather [hbm4b:s6+s15], $0x1800, $0x38;
	[tilespmem:$0x9680] =	vst v63  }
0x52: {  	_ =	swait.ge [sflag:s10], $0x1800  }
0x53: {  	[sflag:s10] =	ssyncset.done $0x0  }
0x54: {  	[sflag:s10] =	ssyncadd.s32 $0xFFFFE800  }
0x55: {  	s23 =	simm.s32 $0x0;
	[bflag:$0x0] =	sbarrier.arrive $0xFFFF  }
0x56: {  	[spmem:s2] =	stream.indirect.scatter.add.f32 [tilespmem:s12], [sflag:$0x1], $0x1, s23, s11, $0xb8;
	[tilespmem:$0x9680] =	vst v63  }
0x57: {  	s24 =	simm.s32 $0x80  }
0x58: {  	[spmem:s2] =	stream.indirect.scatter.add.f32 [tilespmem:s12], [sflag:$0x1], $0x1, s24, s11, $0xb8;
	[tilespmem:$0x9680] =	vst v63  }
0x59: {  	s25 =	simm.s32 $0x100  }
0x5a: {  	[spmem:s2] =	stream.indirect.scatter.add.f32 [tilespmem:s12], [sflag:$0x1], $0x1, s25, s11, $0xb8;
	[tilespmem:$0x9680] =	vst v63  }
0x5b: {  	s26 =	simm.s32 $0x180  }
0x5c: {  	[spmem:s2] =	stream.indirect.scatter.add.f32 [tilespmem:s12], [sflag:$0x1], $0x1, s26, s11, $0xb8;
	[tilespmem:$0x9680] =	vst v63  }
0x5d: {  	s28 =	simm.s32 $0x200  }
0x5e: {  	[spmem:s2] =	stream.indirect.scatter.add.f32 [tilespmem:s12], [sflag:$0x1], $0x1, s28, s11, $0xb8;
	[tilespmem:$0x9680] =	vst v63  }
0x5f: {  	s29 =	simm.s32 $0x280  }
0x60: {  	[spmem:s2] =	stream.indirect.scatter.add.f32 [tilespmem:s12], [sflag:$0x1], $0x1, s29, s11, $0xb8;
	[tilespmem:$0x9680] =	vst v63  }
0x61: {  	s30 =	simm.s32 $0x300  }
0x62: {  	[spmem:s2] =	stream.indirect.scatter.add.f32 [tilespmem:s12], [sflag:$0x1], $0x1, s30, s11, $0xb8;
	[tilespmem:$0x9680] =	vst v63  }
0x63: {  	s31 =	simm.s32 $0x380  }
0x64: {  	[spmem:s2] =	stream.indirect.scatter.add.f32 [tilespmem:s12], [sflag:$0x1], $0x1, s31, s11, $0xb8;
	[tilespmem:$0x9680] =	vst v63  }
0x65: {  	_ =	swait.ge [sflag:s13], $0x80  }
0x66: {  	[sflag:s13] =	ssyncset.done $0x0  }
0x67: {  	[sflag:s13] =	ssyncadd.s32 $0xFFFFFF80  }
0x68: {  	_ =	swait.ge [sflag:s13], $0x80  }
0x69: {  	[sflag:s13] =	ssyncset.done $0x0  }
0x6a: {  	[sflag:s13] =	ssyncadd.s32 $0xFFFFFF80  }
0x6b: {  	_ =	swait.ge [sflag:s13], $0x80  }
0x6c: {  	[sflag:s13] =	ssyncset.done $0x0  }
0x6d: {  	[sflag:s13] =	ssyncadd.s32 $0xFFFFFF80  }
0x6e: {  	_ =	swait.ge [sflag:s13], $0x80  }
0x6f: {  	[sflag:s13] =	ssyncset.done $0x0  }
0x70: {  	[sflag:s13] =	ssyncadd.s32 $0xFFFFFF80  }
0x71: {  	_ =	swait.ge [sflag:s13], $0x80  }
0x72: {  	[sflag:s13] =	ssyncset.done $0x0  }
0x73: {  	[sflag:s13] =	ssyncadd.s32 $0xFFFFFF80  }
0x74: {  	_ =	swait.ge [sflag:s13], $0x80  }
0x75: {  	[sflag:s13] =	ssyncset.done $0x0  }
0x76: {  	[sflag:s13] =	ssyncadd.s32 $0xFFFFFF80  }
0x77: {  	_ =	swait.ge [sflag:s13], $0x80  }
0x78: {  	[sflag:s13] =	ssyncset.done $0x0  }
0x79: {  	[sflag:s13] =	ssyncadd.s32 $0xFFFFFF80  }
0x7a: {  	_ =	swait.ge [sflag:s13], $0x80  }
0x7b: {  	s15 =	simm.s32 $0x1000;
	s17 =	simm.s32 $0x2000;
	[sflag:s13] =	ssyncset.done $0x0  }
.LBB2_8:
0x7c: {  	s18 =	sshra.s32 s15, $0x2  }
0x7d: {  	[sflag:s13] =	ssyncadd.s32 $0xFFFFFF80;
	s15 =	smov.u32 s17;
	s16 =	sadd.s32 $0x1000, s17  }
0x7e: {  	[spmem:s2] =	stream.indirect.scatter.add.f32 [tilespmem:s12], [sflag:$0x1], $0x1, s18, s11, $0xb8;
	[tilespmem:$0x9680] =	vst v63  }
0x7f: {  	p1 =	sne.s32 s17, $0x5000;
	s17 =	sadd.s32 $0x80, s18  }
0x80: {  	[spmem:s2] =	stream.indirect.scatter.add.f32 [tilespmem:s12], [sflag:$0x1], $0x1, s17, s11, $0xb8;
	[tilespmem:$0x9680] =	vst v63  }
0x81: {  	s17 =	sadd.s32 $0x100, s18  }
0x82: {  	[spmem:s2] =	stream.indirect.scatter.add.f32 [tilespmem:s12], [sflag:$0x1], $0x1, s17, s11, $0xb8;
	[tilespmem:$0x9680] =	vst v63  }
0x83: {  	s17 =	sadd.s32 $0x180, s18  }
0x84: {  	[spmem:s2] =	stream.indirect.scatter.add.f32 [tilespmem:s12], [sflag:$0x1], $0x1, s17, s11, $0xb8;
	[tilespmem:$0x9680] =	vst v63  }
0x85: {  	s17 =	sadd.s32 $0x200, s18  }
0x86: {  	[spmem:s2] =	stream.indirect.scatter.add.f32 [tilespmem:s12], [sflag:$0x1], $0x1, s17, s11, $0xb8;
	[tilespmem:$0x9680] =	vst v63  }
0x87: {  	s17 =	sadd.s32 $0x280, s18  }
0x88: {  	[spmem:s2] =	stream.indirect.scatter.add.f32 [tilespmem:s12], [sflag:$0x1], $0x1, s17, s11, $0xb8;
	[tilespmem:$0x9680] =	vst v63  }
0x89: {  	s17 =	sadd.s32 $0x300, s18  }
0x8a: {  	[spmem:s2] =	stream.indirect.scatter.add.f32 [tilespmem:s12], [sflag:$0x1], $0x1, s17, s11, $0xb8;
	[tilespmem:$0x9680] =	vst v63  }
0x8b: {  	s17 =	sadd.s32 $0x380, s18  }
0x8c: {  	[spmem:s2] =	stream.indirect.scatter.add.f32 [tilespmem:s12], [sflag:$0x1], $0x1, s17, s11, $0xb8;
	[tilespmem:$0x9680] =	vst v63  }
0x8d: {  	_ =	swait.ge [sflag:s13], $0x80  }
0x8e: {  	[sflag:s13] =	ssyncset.done $0x0  }
0x8f: {  	[sflag:s13] =	ssyncadd.s32 $0xFFFFFF80  }
0x90: {  	_ =	swait.ge [sflag:s13], $0x80  }
0x91: {  	[sflag:s13] =	ssyncset.done $0x0  }
0x92: {  	[sflag:s13] =	ssyncadd.s32 $0xFFFFFF80  }
0x93: {  	_ =	swait.ge [sflag:s13], $0x80  }
0x94: {  	[sflag:s13] =	ssyncset.done $0x0  }
0x95: {  	[sflag:s13] =	ssyncadd.s32 $0xFFFFFF80  }
0x96: {  	_ =	swait.ge [sflag:s13], $0x80  }
0x97: {  	[sflag:s13] =	ssyncset.done $0x0  }
0x98: {  	[sflag:s13] =	ssyncadd.s32 $0xFFFFFF80  }
0x99: {  	_ =	swait.ge [sflag:s13], $0x80  }
0x9a: {  	[sflag:s13] =	ssyncset.done $0x0  }
0x9b: {  	[sflag:s13] =	ssyncadd.s32 $0xFFFFFF80  }
0x9c: {  	_ =	swait.ge [sflag:s13], $0x80  }
0x9d: {  	[sflag:s13] =	ssyncset.done $0x0  }
0x9e: {  	[sflag:s13] =	ssyncadd.s32 $0xFFFFFF80  }
.Ltmp4:
0x9f: {  	_ =	swait.ge [sflag:s13], $0x80;
	(pc) =	sbr.rel @p1 .LBB2_8-.Ltmp4, $4  }
0xa0: {  	[sflag:s13] =	ssyncset.done $0x0  }
0xa1: {  	[sflag:s13] =	ssyncadd.s32 $0xFFFFFF80  }
0xa2: {  	_ =	swait.ge [sflag:s13], $0x80  }
0xa3: {  	s17 =	smov.u32 s16;
	[sflag:s13] =	ssyncset.done $0x0  }
0xa4: {  	s15 =	sshra.s32 s15, $0x2;
	[sflag:s13] =	ssyncadd.s32 $0xFFFFFF80  }
0xa5: {  	[spmem:s2] =	stream.indirect.scatter.add.f32 [tilespmem:s12], [sflag:$0x1], $0x1, s15, s11, $0xb8;
	[tilespmem:$0x9680] =	vst v63  }
0xa6: {  	s16 =	sadd.s32 $0x80, s15  }
0xa7: {  	[spmem:s2] =	stream.indirect.scatter.add.f32 [tilespmem:s12], [sflag:$0x1], $0x1, s16, s11, $0xb8;
	[tilespmem:$0x9680] =	vst v63  }
0xa8: {  	s26 =	sadd.s32 $0x100, s15  }
0xa9: {  	[spmem:s2] =	stream.indirect.scatter.add.f32 [tilespmem:s12], [sflag:$0x1], $0x1, s26, s11, $0xb8;
	[tilespmem:$0x9680] =	vst v63  }
0xaa: {  	s28 =	sadd.s32 $0x180, s15  }
0xab: {  	[spmem:s2] =	stream.indirect.scatter.add.f32 [tilespmem:s12], [sflag:$0x1], $0x1, s28, s11, $0xb8;
	[tilespmem:$0x9680] =	vst v63  }
0xac: {  	s29 =	sadd.s32 $0x200, s15  }
0xad: {  	[spmem:s2] =	stream.indirect.scatter.add.f32 [tilespmem:s12], [sflag:$0x1], $0x1, s29, s11, $0xb8;
	[tilespmem:$0x9680] =	vst v63  }
0xae: {  	s30 =	sadd.s32 $0x280, s15  }
0xaf: {  	[spmem:s2] =	stream.indirect.scatter.add.f32 [tilespmem:s12], [sflag:$0x1], $0x1, s30, s11, $0xb8;
	[tilespmem:$0x9680] =	vst v63  }
0xb0: {  	s31 =	sadd.s32 $0x300, s15  }
0xb1: {  	[spmem:s2] =	stream.indirect.scatter.add.f32 [tilespmem:s12], [sflag:$0x1], $0x1, s31, s11, $0xb8;
	[tilespmem:$0x9680] =	vst v63  }
0xb2: {  	s15 =	sadd.s32 $0x380, s15  }
0xb3: {  	[spmem:s2] =	stream.indirect.scatter.add.f32 [tilespmem:s12], [sflag:$0x1], $0x1, s15, s11, $0xb8;
	[tilespmem:$0x9680] =	vst v63  }
0xb4: {  	_ =	swait.ge [sflag:s13], $0x80  }
0xb5: {  	[sflag:s13] =	ssyncset.done $0x0  }
0xb6: {  	[sflag:s13] =	ssyncadd.s32 $0xFFFFFF80  }
0xb7: {  	_ =	swait.ge [sflag:s13], $0x80  }
0xb8: {  	[sflag:s13] =	ssyncset.done $0x0  }
0xb9: {  	[sflag:s13] =	ssyncadd.s32 $0xFFFFFF80  }
0xba: {  	_ =	swait.ge [sflag:s13], $0x80  }
0xbb: {  	[sflag:s13] =	ssyncset.done $0x0  }
0xbc: {  	[sflag:s13] =	ssyncadd.s32 $0xFFFFFF80  }
0xbd: {  	_ =	swait.ge [sflag:s13], $0x80  }
0xbe: {  	[sflag:s13] =	ssyncset.done $0x0  }
0xbf: {  	[sflag:s13] =	ssyncadd.s32 $0xFFFFFF80  }
0xc0: {  	_ =	swait.ge [sflag:s13], $0x80  }
0xc1: {  	[sflag:s13] =	ssyncset.done $0x0  }
0xc2: {  	[sflag:s13] =	ssyncadd.s32 $0xFFFFFF80  }
0xc3: {  	_ =	swait.ge [sflag:s13], $0x80  }
0xc4: {  	[sflag:s13] =	ssyncset.done $0x0  }
0xc5: {  	[sflag:s13] =	ssyncadd.s32 $0xFFFFFF80  }
0xc6: {  	_ =	swait.ge [sflag:s13], $0x80  }
.Ltmp5:
0xc7: {  	[sflag:s13] =	ssyncset.done $0x0;
	(pc) =	sbr.rel .LBB2_10-.Ltmp5, $4  }
0xc8: {  	[sflag:s13] =	ssyncadd.s32 $0xFFFFFF80  }
0xc9: {  	_ =	swait.ge [sflag:s13], $0x80  }
0xca: {  	[sflag:s13] =	ssyncset.done $0x0  }
0xcb: {  	[sflag:s13] =	ssyncadd.s32 $0xFFFFFF80  }
.LBB2_4:
0xcc: {  	[tilespmem:s15], [sflag:$0x2] =	stream.linear.gather [hbm4b:s5+s15], $0x6400, $0x38;
	[tilespmem:$0x9680] =	vst v63  }
0xcd: {  	_ =	swait.ge [sflag:s10], $0x6400  }
0xce: {  	[sflag:s10] =	ssyncset.done $0x0  }
0xcf: {  	[sflag:s10] =	ssyncadd.s32 $0xFFFF9C00  }
0xd0: {  	s23 =	simm.s32 $0x0;
	[bflag:$0x0] =	sbarrier.arrive $0xFFFF  }
0xd1: {  	[spmem:s2] =	stream.indirect.scatter.add.f32 [tilespmem:s12], [sflag:$0x1], $0x1, s23, s11, $0xb8;
	[tilespmem:$0x9680] =	vst v63  }
0xd2: {  	s24 =	simm.s32 $0x80  }
0xd3: {  	[spmem:s2] =	stream.indirect.scatter.add.f32 [tilespmem:s12], [sflag:$0x1], $0x1, s24, s11, $0xb8;
	[tilespmem:$0x9680] =	vst v63  }
0xd4: {  	s25 =	simm.s32 $0x100  }
0xd5: {  	[spmem:s2] =	stream.indirect.scatter.add.f32 [tilespmem:s12], [sflag:$0x1], $0x1, s25, s11, $0xb8;
	[tilespmem:$0x9680] =	vst v63  }
0xd6: {  	s26 =	simm.s32 $0x180  }
0xd7: {  	[spmem:s2] =	stream.indirect.scatter.add.f32 [tilespmem:s12], [sflag:$0x1], $0x1, s26, s11, $0xb8;
	[tilespmem:$0x9680] =	vst v63  }
0xd8: {  	s28 =	simm.s32 $0x200  }
0xd9: {  	[spmem:s2] =	stream.indirect.scatter.add.f32 [tilespmem:s12], [sflag:$0x1], $0x1, s28, s11, $0xb8;
	[tilespmem:$0x9680] =	vst v63  }
0xda: {  	s29 =	simm.s32 $0x280  }
0xdb: {  	[spmem:s2] =	stream.indirect.scatter.add.f32 [tilespmem:s12], [sflag:$0x1], $0x1, s29, s11, $0xb8;
	[tilespmem:$0x9680] =	vst v63  }
0xdc: {  	s30 =	simm.s32 $0x300  }
0xdd: {  	[spmem:s2] =	stream.indirect.scatter.add.f32 [tilespmem:s12], [sflag:$0x1], $0x1, s30, s11, $0xb8;
	[tilespmem:$0x9680] =	vst v63  }
0xde: {  	s31 =	simm.s32 $0x380  }
0xdf: {  	[spmem:s2] =	stream.indirect.scatter.add.f32 [tilespmem:s12], [sflag:$0x1], $0x1, s31, s11, $0xb8;
	[tilespmem:$0x9680] =	vst v63  }
0xe0: {  	_ =	swait.ge [sflag:s13], $0x80  }
0xe1: {  	[sflag:s13] =	ssyncset.done $0x0  }
0xe2: {  	[sflag:s13] =	ssyncadd.s32 $0xFFFFFF80  }
0xe3: {  	_ =	swait.ge [sflag:s13], $0x80  }
0xe4: {  	[sflag:s13] =	ssyncset.done $0x0  }
0xe5: {  	[sflag:s13] =	ssyncadd.s32 $0xFFFFFF80  }
0xe6: {  	_ =	swait.ge [sflag:s13], $0x80  }
0xe7: {  	[sflag:s13] =	ssyncset.done $0x0  }
0xe8: {  	[sflag:s13] =	ssyncadd.s32 $0xFFFFFF80  }
0xe9: {  	_ =	swait.ge [sflag:s13], $0x80  }
0xea: {  	[sflag:s13] =	ssyncset.done $0x0  }
0xeb: {  	[sflag:s13] =	ssyncadd.s32 $0xFFFFFF80  }
0xec: {  	_ =	swait.ge [sflag:s13], $0x80  }
0xed: {  	[sflag:s13] =	ssyncset.done $0x0  }
0xee: {  	[sflag:s13] =	ssyncadd.s32 $0xFFFFFF80  }
0xef: {  	_ =	swait.ge [sflag:s13], $0x80  }
0xf0: {  	[sflag:s13] =	ssyncset.done $0x0  }
0xf1: {  	[sflag:s13] =	ssyncadd.s32 $0xFFFFFF80  }
0xf2: {  	_ =	swait.ge [sflag:s13], $0x80  }
0xf3: {  	[sflag:s13] =	ssyncset.done $0x0  }
0xf4: {  	[sflag:s13] =	ssyncadd.s32 $0xFFFFFF80  }
0xf5: {  	_ =	swait.ge [sflag:s13], $0x80  }
0xf6: {  	s15 =	simm.s32 $0x1000;
	s17 =	simm.s32 $0x2000;
	[sflag:s13] =	ssyncset.done $0x0  }
.LBB2_5:
0xf7: {  	s18 =	sshra.s32 s15, $0x2  }
0xf8: {  	[sflag:s13] =	ssyncadd.s32 $0xFFFFFF80;
	s15 =	smov.u32 s17;
	s16 =	sadd.s32 $0x1000, s17  }
0xf9: {  	[spmem:s2] =	stream.indirect.scatter.add.f32 [tilespmem:s12], [sflag:$0x1], $0x1, s18, s11, $0xb8;
	[tilespmem:$0x9680] =	vst v63  }
0xfa: {  	p1 =	seq.s32 s17, $0x18000;
	s17 =	sadd.s32 $0x80, s18  }
0xfb: {  	[spmem:s2] =	stream.indirect.scatter.add.f32 [tilespmem:s12], [sflag:$0x1], $0x1, s17, s11, $0xb8;
	[tilespmem:$0x9680] =	vst v63  }
0xfc: {  	s17 =	sadd.s32 $0x100, s18  }
0xfd: {  	[spmem:s2] =	stream.indirect.scatter.add.f32 [tilespmem:s12], [sflag:$0x1], $0x1, s17, s11, $0xb8;
	[tilespmem:$0x9680] =	vst v63  }
0xfe: {  	s17 =	sadd.s32 $0x180, s18  }
0xff: {  	[spmem:s2] =	stream.indirect.scatter.add.f32 [tilespmem:s12], [sflag:$0x1], $0x1, s17, s11, $0xb8;
	[tilespmem:$0x9680] =	vst v63  }
0x100: {  	s17 =	sadd.s32 $0x200, s18  }
0x101: {  	[spmem:s2] =	stream.indirect.scatter.add.f32 [tilespmem:s12], [sflag:$0x1], $0x1, s17, s11, $0xb8;
	[tilespmem:$0x9680] =	vst v63  }
0x102: {  	s17 =	sadd.s32 $0x280, s18  }
0x103: {  	[spmem:s2] =	stream.indirect.scatter.add.f32 [tilespmem:s12], [sflag:$0x1], $0x1, s17, s11, $0xb8;
	[tilespmem:$0x9680] =	vst v63  }
0x104: {  	s17 =	sadd.s32 $0x300, s18  }
0x105: {  	[spmem:s2] =	stream.indirect.scatter.add.f32 [tilespmem:s12], [sflag:$0x1], $0x1, s17, s11, $0xb8;
	[tilespmem:$0x9680] =	vst v63  }
0x106: {  	s17 =	sadd.s32 $0x380, s18  }
0x107: {  	[spmem:s2] =	stream.indirect.scatter.add.f32 [tilespmem:s12], [sflag:$0x1], $0x1, s17, s11, $0xb8;
	[tilespmem:$0x9680] =	vst v63  }
0x108: {  	_ =	swait.ge [sflag:s13], $0x80  }
0x109: {  	[sflag:s13] =	ssyncset.done $0x0  }
0x10a: {  	[sflag:s13] =	ssyncadd.s32 $0xFFFFFF80  }
0x10b: {  	_ =	swait.ge [sflag:s13], $0x80  }
0x10c: {  	[sflag:s13] =	ssyncset.done $0x0  }
0x10d: {  	[sflag:s13] =	ssyncadd.s32 $0xFFFFFF80  }
0x10e: {  	_ =	swait.ge [sflag:s13], $0x80  }
0x10f: {  	[sflag:s13] =	ssyncset.done $0x0  }
0x110: {  	[sflag:s13] =	ssyncadd.s32 $0xFFFFFF80  }
0x111: {  	_ =	swait.ge [sflag:s13], $0x80  }
0x112: {  	[sflag:s13] =	ssyncset.done $0x0  }
0x113: {  	[sflag:s13] =	ssyncadd.s32 $0xFFFFFF80  }
0x114: {  	_ =	swait.ge [sflag:s13], $0x80  }
0x115: {  	[sflag:s13] =	ssyncset.done $0x0  }
0x116: {  	[sflag:s13] =	ssyncadd.s32 $0xFFFFFF80  }
0x117: {  	_ =	swait.ge [sflag:s13], $0x80  }
0x118: {  	[sflag:s13] =	ssyncset.done $0x0  }
0x119: {  	[sflag:s13] =	ssyncadd.s32 $0xFFFFFF80  }
.Ltmp6:
0x11a: {  	_ =	swait.ge [sflag:s13], $0x80;
	(pc) =	sbr.rel @!p1 .LBB2_5-.Ltmp6, $4  }
0x11b: {  	[sflag:s13] =	ssyncset.done $0x0  }
0x11c: {  	[sflag:s13] =	ssyncadd.s32 $0xFFFFFF80  }
0x11d: {  	_ =	swait.ge [sflag:s13], $0x80  }
0x11e: {  	s17 =	smov.u32 s16;
	[sflag:s13] =	ssyncset.done $0x0  }
.Ltmp7:
0x11f: {  	_ = 	snop;
	(pc) =	sbr.rel .LBB2_6-.Ltmp7, $1  }
0x120: {  	_ =	sdelay $0x3  }
.LBB2_11:
0x121: {  	_ =	sfence.sel $0x180000  }
0x122: {  	[bflag:$0x0] =	sbarrier.arrive $0xFFFF  }
0x123: {  	p0 =	sne.s32 s1, $0x0;
	_ =	strace $0x90000047  }
0x124: {  	s0 =	sadd.s32 @!p0 $0x100000, s0;
	[bflag:$0x2] =	sbarrier.arrive $0xFFFF  }
0x125: {  	[sflag:s0] =	ssyncadd.tile.s32 @!p0 $0x1;
	_ =	shalt  }
.Lfunc_end2:
_tile_overlayer_lowered:
.L_overlay_start_2:
0x126: {  	(tag) =	ssettag $0x2  }
0x127: {  	s0 =	rddreg [dreg:$0x0];
	s2 =	stileid.u32  }
0x128: {  	s1 =	rddreg [dreg:$0x1];
	p0 =	sne.s32 s2, $0x0  }
0x129: {  	s3 =	rddreg [dreg:$0x2];
	[bflag:$0x3] =	sbarrier.arrive $0xFFFF;
	s2 =	simm.s32 @!p0 $0x1C02  }
0x12a: {  	[timem:s3], [sflag:s2] =	dma.local @!p0 [hbm:s0], s1  }
0x12b: {  	s0 =	simm.s32 @!p0 $0x2  }
0x12c: {  	_ =	swait.ge @!p0 [sflag:s0], s1  }
0x12d: {  	s1 =	ssub.s32 @!p0 $0x0, s1;
	[sflag:s0] =	ssyncset.done @!p0 $0x0  }
0x12e: {  	[sflag:s0] =	ssyncadd.s32 @!p0 s1  }
0x12f: {  	[bflag:$0x3] =	sbarrier.arrive $0xFFFF  }
0x130: {  	_ =	shalt  }

// kernel: kernel.8.cloned.1.call-start
scs
__scs_entry_jumppad:
0x0: {  	(pc) =	sbr.rel $0x88, $3  }
0x1: {  	(tag) =	ssettag $0x0;
	lr =	simm.s32 $0x1  }
0x2: {  	[smem:$0x3F98] =	sst lr;
	_ =	strace $0xD0000000  }
0x3: {  	_ = 	snop  }
0x4: {  	_ = 	snop  }
0x5: {  	_ = 	snop  }
0x6: {  	_ = 	snop  }
0x7: {  	_ = 	snop  }
__scs_overlays_trampoline_lowered:
0x8: {  	[smem:$0x3FA7] =	sst s0  }
0x9: {  	[smem:$0x3FA8] =	sst s1  }
0xa: {  	[smem:$0x3FA9] =	sst s2  }
0xb: {  	[smem:$0x3FAA] =	sst s3  }
0xc: {  	[smem:$0x3FAB] =	sst s4  }
0xd: {  	[smem:$0x3FAC] =	sst s5  }
0xe: {  	[smem:$0x3FAD] =	sst s6  }
0xf: {  	[smem:$0x3FAE] =	sst s7  }
0x10: {  	[smem:$0x3FAF] =	sst s8  }
0x11: {  	[smem:$0x3FB0] =	sst s9;
	s0 =	simm.s32 @!p0 $0x0  }
0x12: {  	s1 =	sld [smem:$0x3F96];
	s0 =	simm.s32 @p0 $0x1  }
0x13: {  	[smem:$0x3FB1] =	sst s0;
	s0 =	simm.s32 @!p1 $0x0  }
0x14: {  	s2 =	sld [smem:$0x3F95];
	s0 =	simm.s32 @p1 $0x1  }
0x15: {  	[smem:$0x3FB2] =	sst s0;
	s0 =	simm.s32 @!p2 $0x0  }
0x16: {  	s3 =	sld [smem:$0x3FDB];
	s0 =	simm.s32 @p2 $0x1  }
0x17: {  	s4 =	simm.s32 $0x1BF5;
	[smem:$0x3FB4] =	sst s0  }
0x18: {  	s0 =	sld [smem:$0x3F97];
	_ =	swait.ge [sflag:s4], $0x0  }
0x19: {  	s7 =	sld [smem:$0x3F98]  }
0x1a: {  	s8 =	sadd.s32 $0xFFFFE003, lr  }
0x1b: {  	s9 =	sadd.s32 $0xFFFFFEF7, lr;
	s5 =	simm.s32 $0xFFFFFFFF;
	p2 =	slt.u32 s8, $0xFFFFF086  }
0x1c: {  	p1 =	slt.u32 s9, $0xF7A;
	s5 =	simm.s32 @!p2 $0x0  }
0x1d: {  	s5 =	simm.s32 @p1 $0x1;
	p0 =	seq.s32 s7, s2  }
0x1e: {  	s7 =	smul.u32 @!p0 $0xF7A, s2;
	p2 =	seq.s32 @!p0 s5, $0x0  }
0x1f: {  	s9 =	smul.u32 $0xF7A, s1;
	s8 =	simm.s32 @!p0 $0x1BF5;
	p2 =	por !p2, p0  }
0x20: {  	[sflag:s8] =	ssyncset.s32 @!p0 $0xFFFFF086;
	s6 =	sadd.s32 @!p0 s3, s7;
	s7 =	simm.s32 @!p0 $0x108  }
0x21: {  	s3 =	sadd.s32 s3, s9;
	s6 =	sadd.s32 @!p0 $0x88, s6;
	s7 =	simm.s32 @p2 $0x1082  }
0x22: {  	[simem:s7], [sflag:s8] =	dma.local @!p0 [hbm:s6], $0xF7A  }
0x23: {  	s9 =	sor.u32 $0xD0000000, s2;
	s6 =	simm.s32 $0x108;
	_ =	swait.ge @!p0 [sflag:s8], $0x0  }
0x24: {  	s3 =	sadd.s32 $0x88, s3;
	s6 =	simm.s32 @!p1 $0x1082;
	[sflag:s4] =	ssyncset.s32 $0xFFFFF086  }
0x25: {  	[simem:s6], [sflag:s4] =	dma.local [hbm:s3], $0xF7A  }
0x26: {  	[smem:$0x3F98] =	sst s1;
	(tag) =	ssettag s2;
	_ =	strace s9  }
0x27: {  	s1 =	sld [smem:$0x3FA8]  }
0x28: {  	s2 =	sld [smem:$0x3FA9]  }
0x29: {  	s4 =	sld [smem:$0x3FAB]  }
0x2a: {  	p0 =	seq.s32 s5, $0x0;
	s5 =	sld [smem:$0x3FAC]  }
0x2b: {  	s6 =	sld [smem:$0x3FAD]  }
0x2c: {  	s7 =	sld [smem:$0x3FAE]  }
0x2d: {  	s3 =	simm.s32 $0x108;
	s8 =	sld [smem:$0x3FAF]  }
0x2e: {  	s3 =	simm.s32 @!p0 $0x1082;
	s9 =	sld [smem:$0x3FB0]  }
0x2f: {  	lr =	sadd.s32 s0, s3;
	s0 =	sld [smem:$0x3FA7]  }
0x30: {  	s3 =	sld [smem:$0x3FAA]  }
0x31: {  	[smem:$0x3FB3] =	sst s10  }
0x32: {  	s10 =	sld [smem:$0x3FB1];
	_ =	sdelay $0x3  }
0x33: {  	p0 =	seq.s32 s10, $0x1;
	s10 =	sld [smem:$0x3FB3];
	_ =	sdelay $0x3  }
0x34: {  	[smem:$0x3FB3] =	sst s10  }
0x35: {  	s10 =	sld [smem:$0x3FB2];
	_ =	sdelay $0x3  }
0x36: {  	p1 =	seq.s32 s10, $0x1;
	s10 =	sld [smem:$0x3FB3];
	_ =	sdelay $0x3  }
0x37: {  	[smem:$0x3FB3] =	sst s10  }
0x38: {  	s10 =	sld [smem:$0x3FB4]  }
0x39: {  	_ = 	snop;
	(pc) =	sbr.ind lr, $3  }
0x3a: {  	_ = 	snop  }
0x3b: {  	_ = 	snop  }
0x3c: {  	p2 =	seq.s32 s10, $0x1;
	s10 =	sld [smem:$0x3FB3]  }
0x3d: {  	_ =	shalt  }
0x3e: {  	_ =	shalt  }
0x3f: {  	_ =	shalt  }
0x40: {  	_ =	shalt  }
0x41: {  	_ =	shalt  }
0x42: {  	_ =	shalt  }
0x43: {  	_ =	shalt  }
0x44: {  	_ =	shalt  }
0x45: {  	_ =	shalt  }
0x46: {  	_ =	shalt  }
0x47: {  	_ =	shalt  }
0x48: {  	_ =	shalt  }
0x49: {  	_ =	shalt  }
0x4a: {  	_ =	shalt  }
0x4b: {  	_ =	shalt  }
0x4c: {  	_ =	shalt  }
0x4d: {  	_ =	shalt  }
0x4e: {  	_ =	shalt  }
0x4f: {  	_ =	shalt  }
0x50: {  	_ =	shalt  }
0x51: {  	_ =	shalt  }
0x52: {  	_ =	shalt  }
0x53: {  	_ =	shalt  }
0x54: {  	_ =	shalt  }
0x55: {  	_ =	shalt  }
0x56: {  	_ =	shalt  }
0x57: {  	_ =	shalt  }
0x58: {  	_ =	shalt  }
0x59: {  	_ =	shalt  }
0x5a: {  	_ =	shalt  }
0x5b: {  	_ =	shalt  }
0x5c: {  	_ =	shalt  }
0x5d: {  	_ =	shalt  }
0x5e: {  	_ =	shalt  }
0x5f: {  	_ =	shalt  }
0x60: {  	_ =	shalt  }
0x61: {  	_ =	shalt  }
0x62: {  	_ =	shalt  }
0x63: {  	_ =	shalt  }
0x64: {  	_ =	shalt  }
0x65: {  	_ =	shalt  }
0x66: {  	_ =	shalt  }
0x67: {  	_ =	shalt  }
0x68: {  	_ =	shalt  }
0x69: {  	_ =	shalt  }
0x6a: {  	_ =	shalt  }
0x6b: {  	_ =	shalt  }
0x6c: {  	_ =	shalt  }
0x6d: {  	_ =	shalt  }
0x6e: {  	_ =	shalt  }
0x6f: {  	_ =	shalt  }
0x70: {  	_ =	shalt  }
0x71: {  	_ =	shalt  }
0x72: {  	_ =	shalt  }
0x73: {  	_ =	shalt  }
0x74: {  	_ =	shalt  }
0x75: {  	_ =	shalt  }
0x76: {  	_ =	shalt  }
0x77: {  	_ =	shalt  }
0x78: {  	_ =	shalt  }
0x79: {  	_ =	shalt  }
0x7a: {  	_ =	shalt  }
0x7b: {  	_ =	shalt  }
0x7c: {  	_ =	shalt  }
0x7d: {  	_ =	shalt  }
0x7e: {  	_ =	shalt  }
0x7f: {  	_ =	shalt  }
0x80: {  	_ =	shalt  }
0x81: {  	_ =	shalt  }
0x82: {  	_ =	shalt  }
0x83: {  	_ =	shalt  }
0x84: {  	_ =	shalt  }
0x85: {  	_ =	shalt  }
0x86: {  	_ =	shalt  }
0x87: {  	_ =	shalt  }
.Lfunc_end0:
.L_simem_size_0:
called_computation.1_lowered:
.L_overlay_start_0:
0x88: {  	s2 =	sld [smem:$0x3FD9]  }
0x89: {  	s3 =	sld [smem:$0x3FFE];
	_ =	sdelay $0x1  }
0x8a: {  	s1 =	srdreg.scid  }
0x8b: {  	s0 =	sand.u32 $0x1, s1  }
0x8c: {  	s17 =	sshll.u32 s0, $0xA;
	s2 =	sadd.s32 s3, s2  }
0x8d: {  	s2 =	sadd.s32 s2, s17  }
0x8e: {  	[smem:$0x3FBF] =	sst s2  }
0x8f: {  	_ = 	snop  }
0x90: {  	s18 =	sld [smem:$0x3FD0];
	(tm) =	ssettm $0x1  }
0x91: {  	s19 =	sld [smem:$0x3FFB];
	_ =	sdelay $0x3  }
0x92: {  	_ =	strace s19  }
0x93: {  	s2 =	sld [smem:$0x3FFC];
	_ =	sdelay $0x3  }
0x94: {  	_ =	strace s2  }
0x95: {  	s2 =	sld [smem:$0x3FFD];
	_ =	sdelay $0x3  }
0x96: {  	_ =	strace s2  }
0x97: {  	_ =	strace $0x8FFFFFFF  }
0x98: {  	s20 =	sld [smem:$0x3FDB];
	_ =	sdelay $0x1  }
0x99: {  	s4 =	simm.s32 $_scs_section_size  }
0x9a: {  	s5 =	simm.s32 $_size__tile_overlayer_lowered;
	s6 =	simm.s32 $_tile_overlayer_lowered  }
0x9b: {  	s7 =	simm.s32 $0x1BFF;
	s21 =	sshll.u32 s6, $0x1;
	s4 =	sadd.s32 s4, s20  }
0x9c: {  	s22 =	simm.s32 $0x0;
	s5 =	sshll.u32 s5, $0x1;
	s6 =	sadd.s32 s21, s4  }
0x9d: {  	[timem:s22], [sflag:s7] =	dma.local [hbm:s6], s5  }
0x9e: {  	_ =	swait.ge [sflag:s7], s5  }
0x9f: {  	s5 =	ssub.s32 $0x0, s5;
	[sflag:s7] =	ssyncset.done $0x0  }
0xa0: {  	[sflag:s7] =	ssyncadd.s32 s5;
	_ =	sdelay $0x1  }
0xa1: {  	s23 =	simm.s32 $0x1B8B  }
0xa2: {  	_ =	swait.ge [sflag:s23], $0x1  }
0xa3: {  	[sflag:s23] =	ssyncset.done $0x0  }
0xa4: {  	[sflag:s23] =	ssyncadd.s32 $0xFFFFFFFF  }
0xa5: {  	s5 =	sld [smem:$0x0]  }
0xa6: {  	s6 =	sand.u32 $0xFFFFFFFE, s1  }
0xa7: {  	p0 =	sne.s32 s1, s6  }
0xa8: {  	s6 =	sshll.u32 @p0 s6, $0xE  }
0xa9: {  	s6 =	sadd.s32 @p0 $0x11B8D, s6;
	s7 =	sshll.u32 @p0 s5, $0x11  }
0xaa: {  	s6 =	sor.u32 @p0 s7, s6  }
0xab: {  	[sflag:s6] =	ssyncadd.remote.s32 @p0 $0x1;
	_ =	sdelay $0x1  }
0xac: {  	s6 =	simm.s32 @p0 $0x1B8D  }
0xad: {  	_ =	swait.eq @p0 [sflag:s6], $0x1  }
0xae: {  	[sflag:s6] =	ssyncadd.s32 @p0 $0xFFFFFFFF  }
0xaf: {  	s7 =	sshll.u32 @!p0 s1, $0xE  }
0xb0: {  	s7 =	sor.u32 @!p0 $0x4000, s7;
	s6 =	simm.s32 @!p0 $0x1B8D  }
0xb1: {  	s5 =	sshll.u32 @!p0 s5, $0x11;
	s7 =	sadd.s32 @!p0 $0x11B8D, s7;
	_ =	swait.eq @!p0 [sflag:s6], $0x1  }
0xb2: {  	s5 =	sor.u32 @!p0 s5, s7;
	[sflag:s6] =	ssyncadd.s32 @!p0 $0xFFFFFFFF  }
0xb3: {  	s25 =	simm.s32 $0x1B8E;
	s24 =	sld [smem:$0x3FFE];
	[sflag:s5] =	ssyncadd.remote.s32 @!p0 $0x1  }
0xb4: {  	s26 =	simm.s32 $execute0_lowered;
	[smem:$0x3FD2] =	sst s25  }
0xb5: {  	s6 =	sshll.u32 s26, $0x1;
	_ =	strace $0x80000049;
	[dreg:$0x1] =	wrdreg $0xFFFFFFFF  }
0xb6: {  	s28 =	simm.s32 $_size_execute0_lowered;
	s4 =	sadd.s32 s4, s6;
	[dreg:$0x0] =	wrdreg $0x0  }
0xb7: {  	s6 =	sshll.u32 s28, $0x1;
	[dreg:$0x2] =	wrdreg s4  }
0xb8: {  	[dreg:$0x3] =	wrdreg s6  }
0xb9: {  	[dreg:$0x4] =	wrdreg $0xC0  }
0xba: {  	_ =	task [dreg:s22], $0x5FFFF  }
0xbb: {  	[dreg:$0x1] =	wrdreg $0xFFFFFFFF  }
0xbc: {  	[dreg:$0x0] =	wrdreg $0x60  }
0xbd: {  	[dreg:$0x2] =	wrdreg s18  }
0xbe: {  	[dreg:$0x3] =	wrdreg s24  }
0xbf: {  	[dreg:$0x4] =	wrdreg $0x81800  }
0xc0: {  	[dreg:$0x5] =	wrdreg $0xA  }
0xc1: {  	_ =	task.clear_ibuf [dreg:s22], $0x6FFFF;
	_ =	strace $0x90000049  }
0xc2: {  	s29 =	simm.s32 $0xA;
	_ =	strace $0x8000004B  }
0xc3: {  	_ =	swait.ge [sflag:s29], $0x1  }
0xc4: {  	[sflag:s29] =	ssyncadd.s32 $0xFFFFFFFF  }
0xc5: {  	_ =	strace $0x9000004B  }
0xc6: {  	_ =	sfence  }
0xc7: {  	s30 =	sld [smem:$0x0];
	_ =	sdelay $0x2  }
0xc8: {  	s31 =	sshll.u32 s1, $0xD;
	s1 =	sshrl.u32 s1, $0x2  }
0xc9: {  	s4 =	sand.u32 $0x4000, s31;
	s1 =	sadd.s32 s1, s30  }
0xca: {  	s0 =	sor.u32 s4, s0;
	s1 =	sshll.u32 s1, $0x11  }
0xcb: {  	s0 =	sor.u32 s1, s0  }
0xcc: {  	s0 =	sadd.s32 $0x8F2B, s0  }
0xcd: {  	[sflag:s0] =	ssyncadd.remote.s32 $0x1  }
0xce: {  	_ =	sfence.sel $0xFFFF  }
0xcf: {  	[dreg:$0x0] =	wrdreg $0xFFFFFFFF;
	(pc) =	sbr.abs _section_cstart, $3  }
0xd0: {  	[dreg:$0x1] =	wrdreg $0xFFFFFFFF  }
0xd1: {  	_ =	task.clear_ibuf [dreg:s22], $0x2FFFF;
	_ =	strace $0x9FFFFFFF  }
0xd2: {  	(tm) =	ssettm $0x7FFFFFFF  }
0xd3: {  	_ =	shalt  }
tec
execute0_lowered:
.L_overlay_start_1:
0x0: {  	(tag) =	ssettag $0x1  }
0x1: {  	s6 =	rddreg [dreg:$0x0]  }
0x2: {  	s4 =	rddreg [dreg:$0x1]  }
0x3: {  	s2 =	rddreg [dreg:$0x2]  }
0x4: {  	s0 =	rddreg [dreg:$0x3];
	s3 =	simm.s32 $0x0  }
0x5: {  	s5 =	srdreg.scid;
	s1 =	stileid.u32;
	s12 =	simm.s32 $0x6800  }
0x6: {  	s13 =	simm.s32 $0x1;
	s14 =	simm.s32 $0x100;
	[smem:$0x7FF] =	sst s3  }
0x7: {  	s5 =	sand.u32 $0x1, s5;
	s7 =	smul.u32 $0x3200, s1;
	s9 =	sshll.u32 s1, $0x1  }
0x8: {  	s29 =	smul.u32 $0x6400, s1;
	_ =	strace $0x8000004A;
	s8 =	sshll.u32 s5, $0x7  }
0x9: {  	s9 =	sor.u32 s5, s9;
	s5 =	ssub.s32 $0x2, s5;
	s7 =	sor.u32 s8, s7  }
0xa: {  	s10 =	smul.u32 $0xC80, s9;
	s30 =	sshrl.u32 s5, $0x1;
	s8 =	sshrl.u32 s29, $0x2  }
.Ltmp0:
0xb: {  	p0 =	sne.s32 s9, $0x1F;
	p1 =	seq.s32 s9, $0x1F;
	(pc) =	sbr.rel .LBB2_1-.Ltmp0, $4  }
0xc: {  	s9 =	simm.s32 $0x6880;
	s7 =	sshrl.u32 s7, $0x3;
	s11 =	ssub.s32 s5, s30  }
0xd: {  	s7 =	sadd.s32 s7, s4;
	s4 =	sadd.s32 s8, s2;
	s31 =	sadd.s32 s10, s6  }
0xe: {  	s6 =	sadd.s32 $0x30A00, s6;
	s8 =	smax.u32 s11, $0x1;
	s10 =	simm.s32 $0x2  }
0xf: {  	v0 =	vimm.f32 $1.000000000e+00;
	v1 =	vimm.f32 $0.0e+00;
	s11 =	simm.s32 $0x80;
	s5 =	sadd.s32 $0x18680, s31;
	s7 =	sadd.s32 $0x39600, s7  }
.LBB2_6:
0x10: {  	s15 =	sadd.s32 $0x200, s17;
	[sflag:s13] =	ssyncadd.s32 $0xFFFFFF80  }
0x11: {  	[spmem:s2] =	stream.indirect.scatter.add.f32 [tilespmem:s12], [sflag:$0x1], $0x1, s15, s11, $0xb8;
	[tilespmem:$0x9A80] =	vst v63  }
0x12: {  	s24 =	sadd.s32 $0x280, s17  }
0x13: {  	[spmem:s2] =	stream.indirect.scatter.add.f32 [tilespmem:s12], [sflag:$0x1], $0x1, s24, s11, $0xb8;
	[tilespmem:$0x9A80] =	vst v63  }
0x14: {  	s25 =	sadd.s32 $0x300, s17  }
0x15: {  	[spmem:s2] =	stream.indirect.scatter.add.f32 [tilespmem:s12], [sflag:$0x1], $0x1, s25, s11, $0xb8;
	[tilespmem:$0x9A80] =	vst v63  }
0x16: {  	s26 =	sadd.s32 $0x380, s17  }
0x17: {  	[spmem:s2] =	stream.indirect.scatter.add.f32 [tilespmem:s12], [sflag:$0x1], $0x1, s26, s11, $0xb8;
	[tilespmem:$0x9A80] =	vst v63  }
0x18: {  	s28 =	sadd.s32 $0x400, s17  }
0x19: {  	[spmem:s2] =	stream.indirect.scatter.add.f32 [tilespmem:s12], [sflag:$0x1], $0x1, s28, s11, $0xb8;
	[tilespmem:$0x9A80] =	vst v63  }
0x1a: {  	s29 =	sadd.s32 $0x480, s17  }
0x1b: {  	[spmem:s2] =	stream.indirect.scatter.add.f32 [tilespmem:s12], [sflag:$0x1], $0x1, s29, s11, $0xb8;
	[tilespmem:$0x9A80] =	vst v63  }
0x1c: {  	s30 =	sadd.s32 $0x500, s17  }
0x1d: {  	[spmem:s2] =	stream.indirect.scatter.add.f32 [tilespmem:s12], [sflag:$0x1], $0x1, s30, s11, $0xb8;
	[tilespmem:$0x9A80] =	vst v63  }
0x1e: {  	s31 =	sadd.s32 $0x580, s17  }
0x1f: {  	[spmem:s2] =	stream.indirect.scatter.add.f32 [tilespmem:s12], [sflag:$0x1], $0x1, s31, s11, $0xb8;
	[tilespmem:$0x9A80] =	vst v63  }
0x20: {  	_ =	swait.ge [sflag:s13], $0x80  }
0x21: {  	[sflag:s13] =	ssyncset.done $0x0  }
0x22: {  	[sflag:s13] =	ssyncadd.s32 $0xFFFFFF80  }
0x23: {  	_ =	swait.ge [sflag:s13], $0x80  }
0x24: {  	[sflag:s13] =	ssyncset.done $0x0  }
0x25: {  	[sflag:s13] =	ssyncadd.s32 $0xFFFFFF80  }
0x26: {  	_ =	swait.ge [sflag:s13], $0x80  }
0x27: {  	[sflag:s13] =	ssyncset.done $0x0  }
0x28: {  	[sflag:s13] =	ssyncadd.s32 $0xFFFFFF80  }
0x29: {  	_ =	swait.ge [sflag:s13], $0x80  }
0x2a: {  	[sflag:s13] =	ssyncset.done $0x0  }
0x2b: {  	[sflag:s13] =	ssyncadd.s32 $0xFFFFFF80  }
0x2c: {  	_ =	swait.ge [sflag:s13], $0x80  }
0x2d: {  	[sflag:s13] =	ssyncset.done $0x0  }
0x2e: {  	[sflag:s13] =	ssyncadd.s32 $0xFFFFFF80  }
0x2f: {  	_ =	swait.ge [sflag:s13], $0x80  }
0x30: {  	[sflag:s13] =	ssyncset.done $0x0  }
0x31: {  	[sflag:s13] =	ssyncadd.s32 $0xFFFFFF80  }
0x32: {  	_ =	swait.ge [sflag:s13], $0x80  }
0x33: {  	[sflag:s13] =	ssyncset.done $0x0  }
0x34: {  	[sflag:s13] =	ssyncadd.s32 $0xFFFFFF80  }
0x35: {  	_ =	swait.ge [sflag:s13], $0x80  }
0x36: {  	[sflag:s13] =	ssyncset.done $0x0  }
0x37: {  	[sflag:s13] =	ssyncadd.s32 $0xFFFFFF80  }
.LBB2_10:
0x38: {  	[bflag:$0x0] =	sbarrier.arrive $0xFFFF  }
0x39: {  	[tilespmem:s9], [sflag:$0x2] =	stream.linear.gather [spmem:s4], $0x1900, $0x38;
	[tilespmem:$0x9A80] =	vst v63  }
0x3a: {  	s3 =	sadd.s32 $0x1, s3;
	_ =	swait.ge [sflag:s10], $0x1900  }
0x3b: {  	p2 =	sne.s32 s3, s8;
	[sflag:s10] =	ssyncset.done $0x0  }
.Ltmp1:
0x3c: {  	[sflag:s10] =	ssyncadd.s32 $0xFFFFE700;
	(pc) =	sbr.rel @!p2 .LBB2_11-.Ltmp1, $4  }
0x3d: {  	[hbm4b:s7+s11] =	stream.strided.scatter [tilespmem:s9], [sflag:$0x2], $0x1900, s14, s11, $0x38;
	[tilespmem:$0x9A80] =	vst v63  }
0x3e: {  	_ =	swait.ge [sflag:s10], $0x1900  }
0x3f: {  	[sflag:s10] =	ssyncset.done $0x0  }
0x40: {  	[sflag:s10] =	ssyncadd.s32 $0xFFFFE700  }
.LBB2_1:
0x41: {  	[tilespmem:$0x6800] =	vst v0  }
0x42: {  	[tilespmem:$0x6810] =	vst v0  }
0x43: {  	[tilespmem:$0x6820] =	vst v0  }
0x44: {  	[tilespmem:$0x6830] =	vst v0  }
0x45: {  	[tilespmem:$0x6840] =	vst v0  }
0x46: {  	[tilespmem:$0x6850] =	vst v0  }
0x47: {  	[tilespmem:$0x6860] =	vst v0  }
0x48: {  	[tilespmem:$0x6870] =	vst v0;
	v2 =	vimm.s32 @!p0 $0x186A0  }
0x49: {  	[tilespmem:$0x1C00] =	vst @!p0 v2  }
0x4a: {  	[tilespmem:$0x1C10] =	vst @!p0 v2  }
0x4b: {  	[tilespmem:$0x1C20] =	vst @!p0 v2  }
0x4c: {  	[tilespmem:$0x1C30] =	vst @!p0 v2  }
0x4d: {  	[tilespmem:$0x1C40] =	vst @!p0 v2  }
0x4e: {  	[tilespmem:$0x1C50] =	vst @!p0 v2  }
0x4f: {  	[tilespmem:$0x1C60] =	vst @!p0 v2  }
0x50: {  	[tilespmem:$0x1C70] =	vst @!p0 v2  }
0x51: {  	[tilespmem:$0x1C80] =	vst @!p0 v2  }
0x52: {  	[tilespmem:$0x1C90] =	vst @!p0 v2  }
0x53: {  	[tilespmem:$0x1CA0] =	vst @!p0 v2  }
0x54: {  	[tilespmem:$0x1CB0] =	vst @!p0 v2  }
0x55: {  	[tilespmem:$0x1CC0] =	vst @!p0 v2  }
0x56: {  	[tilespmem:$0x1CD0] =	vst @!p0 v2  }
0x57: {  	[tilespmem:$0x1CE0] =	vst @!p0 v2  }
0x58: {  	[tilespmem:$0x1CF0] =	vst @!p0 v2  }
0x59: {  	[tilespmem:$0x1D00] =	vst @!p0 v2  }
0x5a: {  	[tilespmem:$0x1D10] =	vst @!p0 v2  }
0x5b: {  	[tilespmem:$0x1D20] =	vst @!p0 v2  }
0x5c: {  	[tilespmem:$0x1D30] =	vst @!p0 v2  }
0x5d: {  	[tilespmem:$0x1D40] =	vst @!p0 v2  }
0x5e: {  	[tilespmem:$0x1D50] =	vst @!p0 v2  }
0x5f: {  	[tilespmem:$0x1D60] =	vst @!p0 v2  }
0x60: {  	[tilespmem:$0x1D70] =	vst @!p0 v2  }
0x61: {  	[tilespmem:$0x1D80] =	vst @!p0 v2  }
0x62: {  	[tilespmem:$0x1D90] =	vst @!p0 v2  }
0x63: {  	[tilespmem:$0x1DA0] =	vst @!p0 v2  }
0x64: {  	[tilespmem:$0x1DB0] =	vst @!p0 v2  }
0x65: {  	[tilespmem:$0x1DC0] =	vst @!p0 v2  }
0x66: {  	[tilespmem:$0x1DD0] =	vst @!p0 v2  }
0x67: {  	[tilespmem:$0x1DE0] =	vst @!p0 v2  }
0x68: {  	s15 =	simm.s32 $0x40;
	s16 =	simm.s32 $0x0;
	[tilespmem:$0x1DF0] =	vst @!p0 v2  }
.LBB2_2:
0x69: {  	p2 =	sne.s32 s15, $0x63C0;
	[tilespmem:s16+$0x6880] =	vst v1;
	s16 =	smov.u32 s15;
	s15 =	sadd.s32 $0x40, s15  }
.Ltmp2:
0x6a: {  	(pc) =	sbr.rel @p2 .LBB2_2-.Ltmp2, $2  }
0x6b: {  	_ =	sdelay $0x2  }
0x6c: {  	s16 =	sshra.s32 s16, $0x2  }
.Ltmp3:
0x6d: {  	[tilespmem:s16+$0x6880] =	vst v1;
	(pc) =	sbr.rel @!p1 .LBB2_4-.Ltmp3, $4  }
0x6e: {  	[spmem:s4] =	stream.linear.scatter [tilespmem:s9], [sflag:$0x2], $0x1900, $0x38;
	[tilespmem:$0x9A80] =	vst v63  }
0x6f: {  	_ =	swait.ge [sflag:s10], $0x1900  }
0x70: {  	[sflag:s10] =	ssyncset.done $0x0  }
0x71: {  	s15 =	simm.s32 $0x0;
	[sflag:s10] =	ssyncadd.s32 $0xFFFFE700  }
0x72: {  	[tilespmem:s15], [sflag:$0x2] =	stream.linear.gather [hbm4b:s6+s15], $0x1C00, $0x38;
	[tilespmem:$0x9A80] =	vst v63  }
0x73: {  	_ =	swait.ge [sflag:s10], $0x1C00  }
0x74: {  	[sflag:s10] =	ssyncset.done $0x0  }
0x75: {  	[sflag:s10] =	ssyncadd.s32 $0xFFFFE400  }
0x76: {  	s23 =	simm.s32 $0x200;
	[bflag:$0x0] =	sbarrier.arrive $0xFFFF  }
0x77: {  	[spmem:s2] =	stream.indirect.scatter.add.f32 [tilespmem:s12], [sflag:$0x1], $0x1, s23, s11, $0xb8;
	[tilespmem:$0x9A80] =	vst v63  }
0x78: {  	s24 =	simm.s32 $0x280  }
0x79: {  	[spmem:s2] =	stream.indirect.scatter.add.f32 [tilespmem:s12], [sflag:$0x1], $0x1, s24, s11, $0xb8;
	[tilespmem:$0x9A80] =	vst v63  }
0x7a: {  	s25 =	simm.s32 $0x300  }
0x7b: {  	[spmem:s2] =	stream.indirect.scatter.add.f32 [tilespmem:s12], [sflag:$0x1], $0x1, s25, s11, $0xb8;
	[tilespmem:$0x9A80] =	vst v63  }
0x7c: {  	s26 =	simm.s32 $0x380  }
0x7d: {  	[spmem:s2] =	stream.indirect.scatter.add.f32 [tilespmem:s12], [sflag:$0x1], $0x1, s26, s11, $0xb8;
	[tilespmem:$0x9A80] =	vst v63  }
0x7e: {  	s28 =	simm.s32 $0x400  }
0x7f: {  	[spmem:s2] =	stream.indirect.scatter.add.f32 [tilespmem:s12], [sflag:$0x1], $0x1, s28, s11, $0xb8;
	[tilespmem:$0x9A80] =	vst v63  }
0x80: {  	s29 =	simm.s32 $0x480  }
0x81: {  	[spmem:s2] =	stream.indirect.scatter.add.f32 [tilespmem:s12], [sflag:$0x1], $0x1, s29, s11, $0xb8;
	[tilespmem:$0x9A80] =	vst v63  }
0x82: {  	s30 =	simm.s32 $0x500  }
0x83: {  	[spmem:s2] =	stream.indirect.scatter.add.f32 [tilespmem:s12], [sflag:$0x1], $0x1, s30, s11, $0xb8;
	[tilespmem:$0x9A80] =	vst v63  }
0x84: {  	s31 =	simm.s32 $0x580  }
0x85: {  	[spmem:s2] =	stream.indirect.scatter.add.f32 [tilespmem:s12], [sflag:$0x1], $0x1, s31, s11, $0xb8;
	[tilespmem:$0x9A80] =	vst v63  }
0x86: {  	_ =	swait.ge [sflag:s13], $0x80  }
0x87: {  	[sflag:s13] =	ssyncset.done $0x0  }
0x88: {  	[sflag:s13] =	ssyncadd.s32 $0xFFFFFF80  }
0x89: {  	_ =	swait.ge [sflag:s13], $0x80  }
0x8a: {  	[sflag:s13] =	ssyncset.done $0x0  }
0x8b: {  	[sflag:s13] =	ssyncadd.s32 $0xFFFFFF80  }
0x8c: {  	_ =	swait.ge [sflag:s13], $0x80  }
0x8d: {  	[sflag:s13] =	ssyncset.done $0x0  }
0x8e: {  	[sflag:s13] =	ssyncadd.s32 $0xFFFFFF80  }
0x8f: {  	_ =	swait.ge [sflag:s13], $0x80  }
0x90: {  	[sflag:s13] =	ssyncset.done $0x0  }
0x91: {  	[sflag:s13] =	ssyncadd.s32 $0xFFFFFF80  }
0x92: {  	_ =	swait.ge [sflag:s13], $0x80  }
0x93: {  	[sflag:s13] =	ssyncset.done $0x0  }
0x94: {  	[sflag:s13] =	ssyncadd.s32 $0xFFFFFF80  }
0x95: {  	_ =	swait.ge [sflag:s13], $0x80  }
0x96: {  	[sflag:s13] =	ssyncset.done $0x0  }
0x97: {  	[sflag:s13] =	ssyncadd.s32 $0xFFFFFF80  }
0x98: {  	_ =	swait.ge [sflag:s13], $0x80  }
0x99: {  	[sflag:s13] =	ssyncset.done $0x0  }
0x9a: {  	[sflag:s13] =	ssyncadd.s32 $0xFFFFFF80  }
0x9b: {  	_ =	swait.ge [sflag:s13], $0x80  }
0x9c: {  	s18 =	simm.s32 $0x2000;
	s17 =	simm.s32 $0x400;
	[sflag:s13] =	ssyncset.done $0x0  }
.LBB2_8:
0x9d: {  	s19 =	sadd.s32 $0x200, s17  }
0x9e: {  	[sflag:s13] =	ssyncadd.s32 $0xFFFFFF80;
	s16 =	smov.u32 s18;
	s15 =	sadd.s32 $0x1000, s18  }
0x9f: {  	[spmem:s2] =	stream.indirect.scatter.add.f32 [tilespmem:s12], [sflag:$0x1], $0x1, s19, s11, $0xb8;
	[tilespmem:$0x9A80] =	vst v63  }
0xa0: {  	p2 =	sne.s32 s18, $0x6000;
	s18 =	sadd.s32 $0x280, s17  }
0xa1: {  	[spmem:s2] =	stream.indirect.scatter.add.f32 [tilespmem:s12], [sflag:$0x1], $0x1, s18, s11, $0xb8;
	[tilespmem:$0x9A80] =	vst v63  }
0xa2: {  	s18 =	sadd.s32 $0x300, s17  }
0xa3: {  	[spmem:s2] =	stream.indirect.scatter.add.f32 [tilespmem:s12], [sflag:$0x1], $0x1, s18, s11, $0xb8;
	[tilespmem:$0x9A80] =	vst v63  }
0xa4: {  	s18 =	sadd.s32 $0x380, s17  }
0xa5: {  	[spmem:s2] =	stream.indirect.scatter.add.f32 [tilespmem:s12], [sflag:$0x1], $0x1, s18, s11, $0xb8;
	[tilespmem:$0x9A80] =	vst v63  }
0xa6: {  	s18 =	sadd.s32 $0x400, s17  }
0xa7: {  	[spmem:s2] =	stream.indirect.scatter.add.f32 [tilespmem:s12], [sflag:$0x1], $0x1, s18, s11, $0xb8;
	[tilespmem:$0x9A80] =	vst v63  }
0xa8: {  	s18 =	sadd.s32 $0x480, s17  }
0xa9: {  	[spmem:s2] =	stream.indirect.scatter.add.f32 [tilespmem:s12], [sflag:$0x1], $0x1, s18, s11, $0xb8;
	[tilespmem:$0x9A80] =	vst v63  }
0xaa: {  	s18 =	sadd.s32 $0x500, s17  }
0xab: {  	[spmem:s2] =	stream.indirect.scatter.add.f32 [tilespmem:s12], [sflag:$0x1], $0x1, s18, s11, $0xb8;
	[tilespmem:$0x9A80] =	vst v63  }
0xac: {  	s17 =	sadd.s32 $0x580, s17  }
0xad: {  	[spmem:s2] =	stream.indirect.scatter.add.f32 [tilespmem:s12], [sflag:$0x1], $0x1, s17, s11, $0xb8;
	[tilespmem:$0x9A80] =	vst v63  }
0xae: {  	_ =	swait.ge [sflag:s13], $0x80  }
0xaf: {  	[sflag:s13] =	ssyncset.done $0x0  }
0xb0: {  	[sflag:s13] =	ssyncadd.s32 $0xFFFFFF80  }
0xb1: {  	_ =	swait.ge [sflag:s13], $0x80  }
0xb2: {  	[sflag:s13] =	ssyncset.done $0x0  }
0xb3: {  	[sflag:s13] =	ssyncadd.s32 $0xFFFFFF80  }
0xb4: {  	_ =	swait.ge [sflag:s13], $0x80  }
0xb5: {  	[sflag:s13] =	ssyncset.done $0x0  }
0xb6: {  	[sflag:s13] =	ssyncadd.s32 $0xFFFFFF80  }
0xb7: {  	_ =	swait.ge [sflag:s13], $0x80  }
0xb8: {  	[sflag:s13] =	ssyncset.done $0x0  }
0xb9: {  	[sflag:s13] =	ssyncadd.s32 $0xFFFFFF80  }
0xba: {  	_ =	swait.ge [sflag:s13], $0x80  }
0xbb: {  	[sflag:s13] =	ssyncset.done $0x0  }
0xbc: {  	[sflag:s13] =	ssyncadd.s32 $0xFFFFFF80  }
0xbd: {  	_ =	swait.ge [sflag:s13], $0x80  }
0xbe: {  	[sflag:s13] =	ssyncset.done $0x0  }
0xbf: {  	[sflag:s13] =	ssyncadd.s32 $0xFFFFFF80  }
.Ltmp4:
0xc0: {  	_ =	swait.ge [sflag:s13], $0x80;
	(pc) =	sbr.rel @p2 .LBB2_8-.Ltmp4, $4  }
0xc1: {  	[sflag:s13] =	ssyncset.done $0x0  }
0xc2: {  	[sflag:s13] =	ssyncadd.s32 $0xFFFFFF80  }
0xc3: {  	_ =	swait.ge [sflag:s13], $0x80  }
0xc4: {  	s18 =	smov.u32 s15;
	s17 =	sshra.s32 s16, $0x2;
	[sflag:s13] =	ssyncset.done $0x0  }
0xc5: {  	s15 =	sadd.s32 $0x200, s17;
	[sflag:s13] =	ssyncadd.s32 $0xFFFFFF80  }
0xc6: {  	[spmem:s2] =	stream.indirect.scatter.add.f32 [tilespmem:s12], [sflag:$0x1], $0x1, s15, s11, $0xb8;
	[tilespmem:$0x9A80] =	vst v63  }
0xc7: {  	s24 =	sadd.s32 $0x280, s17  }
0xc8: {  	[spmem:s2] =	stream.indirect.scatter.add.f32 [tilespmem:s12], [sflag:$0x1], $0x1, s24, s11, $0xb8;
	[tilespmem:$0x9A80] =	vst v63  }
0xc9: {  	s25 =	sadd.s32 $0x300, s17  }
0xca: {  	[spmem:s2] =	stream.indirect.scatter.add.f32 [tilespmem:s12], [sflag:$0x1], $0x1, s25, s11, $0xb8;
	[tilespmem:$0x9A80] =	vst v63  }
0xcb: {  	s26 =	sadd.s32 $0x380, s17  }
0xcc: {  	[spmem:s2] =	stream.indirect.scatter.add.f32 [tilespmem:s12], [sflag:$0x1], $0x1, s26, s11, $0xb8;
	[tilespmem:$0x9A80] =	vst v63  }
0xcd: {  	s28 =	sadd.s32 $0x400, s17  }
0xce: {  	[spmem:s2] =	stream.indirect.scatter.add.f32 [tilespmem:s12], [sflag:$0x1], $0x1, s28, s11, $0xb8;
	[tilespmem:$0x9A80] =	vst v63  }
0xcf: {  	s29 =	sadd.s32 $0x480, s17  }
0xd0: {  	[spmem:s2] =	stream.indirect.scatter.add.f32 [tilespmem:s12], [sflag:$0x1], $0x1, s29, s11, $0xb8;
	[tilespmem:$0x9A80] =	vst v63  }
0xd1: {  	s30 =	sadd.s32 $0x500, s17  }
0xd2: {  	[spmem:s2] =	stream.indirect.scatter.add.f32 [tilespmem:s12], [sflag:$0x1], $0x1, s30, s11, $0xb8;
	[tilespmem:$0x9A80] =	vst v63  }
0xd3: {  	s31 =	sadd.s32 $0x580, s17  }
0xd4: {  	[spmem:s2] =	stream.indirect.scatter.add.f32 [tilespmem:s12], [sflag:$0x1], $0x1, s31, s11, $0xb8;
	[tilespmem:$0x9A80] =	vst v63  }
0xd5: {  	_ =	swait.ge [sflag:s13], $0x80  }
0xd6: {  	[sflag:s13] =	ssyncset.done $0x0  }
0xd7: {  	[sflag:s13] =	ssyncadd.s32 $0xFFFFFF80  }
0xd8: {  	_ =	swait.ge [sflag:s13], $0x80  }
0xd9: {  	[sflag:s13] =	ssyncset.done $0x0  }
0xda: {  	[sflag:s13] =	ssyncadd.s32 $0xFFFFFF80  }
0xdb: {  	_ =	swait.ge [sflag:s13], $0x80  }
0xdc: {  	[sflag:s13] =	ssyncset.done $0x0  }
0xdd: {  	[sflag:s13] =	ssyncadd.s32 $0xFFFFFF80  }
0xde: {  	_ =	swait.ge [sflag:s13], $0x80  }
0xdf: {  	[sflag:s13] =	ssyncset.done $0x0  }
0xe0: {  	[sflag:s13] =	ssyncadd.s32 $0xFFFFFF80  }
0xe1: {  	_ =	swait.ge [sflag:s13], $0x80  }
0xe2: {  	[sflag:s13] =	ssyncset.done $0x0  }
0xe3: {  	[sflag:s13] =	ssyncadd.s32 $0xFFFFFF80  }
0xe4: {  	_ =	swait.ge [sflag:s13], $0x80  }
0xe5: {  	[sflag:s13] =	ssyncset.done $0x0  }
0xe6: {  	[sflag:s13] =	ssyncadd.s32 $0xFFFFFF80  }
0xe7: {  	_ =	swait.ge [sflag:s13], $0x80  }
.Ltmp5:
0xe8: {  	[sflag:s13] =	ssyncset.done $0x0;
	(pc) =	sbr.rel .LBB2_10-.Ltmp5, $4  }
0xe9: {  	[sflag:s13] =	ssyncadd.s32 $0xFFFFFF80  }
0xea: {  	_ =	swait.ge [sflag:s13], $0x80  }
0xeb: {  	[sflag:s13] =	ssyncset.done $0x0  }
0xec: {  	[sflag:s13] =	ssyncadd.s32 $0xFFFFFF80  }
.LBB2_4:
0xed: {  	[tilespmem:s15], [sflag:$0x2] =	stream.linear.gather [hbm4b:s5+s15], $0x6800, $0x38;
	[tilespmem:$0x9A80] =	vst v63  }
0xee: {  	_ =	swait.ge [sflag:s10], $0x6800  }
0xef: {  	[sflag:s10] =	ssyncset.done $0x0  }
0xf0: {  	[sflag:s10] =	ssyncadd.s32 $0xFFFF9800  }
0xf1: {  	s23 =	simm.s32 $0x200;
	[bflag:$0x0] =	sbarrier.arrive $0xFFFF  }
0xf2: {  	[spmem:s2] =	stream.indirect.scatter.add.f32 [tilespmem:s12], [sflag:$0x1], $0x1, s23, s11, $0xb8;
	[tilespmem:$0x9A80] =	vst v63  }
0xf3: {  	s24 =	simm.s32 $0x280  }
0xf4: {  	[spmem:s2] =	stream.indirect.scatter.add.f32 [tilespmem:s12], [sflag:$0x1], $0x1, s24, s11, $0xb8;
	[tilespmem:$0x9A80] =	vst v63  }
0xf5: {  	s25 =	simm.s32 $0x300  }
0xf6: {  	[spmem:s2] =	stream.indirect.scatter.add.f32 [tilespmem:s12], [sflag:$0x1], $0x1, s25, s11, $0xb8;
	[tilespmem:$0x9A80] =	vst v63  }
0xf7: {  	s26 =	simm.s32 $0x380  }
0xf8: {  	[spmem:s2] =	stream.indirect.scatter.add.f32 [tilespmem:s12], [sflag:$0x1], $0x1, s26, s11, $0xb8;
	[tilespmem:$0x9A80] =	vst v63  }
0xf9: {  	s28 =	simm.s32 $0x400  }
0xfa: {  	[spmem:s2] =	stream.indirect.scatter.add.f32 [tilespmem:s12], [sflag:$0x1], $0x1, s28, s11, $0xb8;
	[tilespmem:$0x9A80] =	vst v63  }
0xfb: {  	s29 =	simm.s32 $0x480  }
0xfc: {  	[spmem:s2] =	stream.indirect.scatter.add.f32 [tilespmem:s12], [sflag:$0x1], $0x1, s29, s11, $0xb8;
	[tilespmem:$0x9A80] =	vst v63  }
0xfd: {  	s30 =	simm.s32 $0x500  }
0xfe: {  	[spmem:s2] =	stream.indirect.scatter.add.f32 [tilespmem:s12], [sflag:$0x1], $0x1, s30, s11, $0xb8;
	[tilespmem:$0x9A80] =	vst v63  }
0xff: {  	s31 =	simm.s32 $0x580  }
0x100: {  	[spmem:s2] =	stream.indirect.scatter.add.f32 [tilespmem:s12], [sflag:$0x1], $0x1, s31, s11, $0xb8;
	[tilespmem:$0x9A80] =	vst v63  }
0x101: {  	_ =	swait.ge [sflag:s13], $0x80  }
0x102: {  	[sflag:s13] =	ssyncset.done $0x0  }
0x103: {  	[sflag:s13] =	ssyncadd.s32 $0xFFFFFF80  }
0x104: {  	_ =	swait.ge [sflag:s13], $0x80  }
0x105: {  	[sflag:s13] =	ssyncset.done $0x0  }
0x106: {  	[sflag:s13] =	ssyncadd.s32 $0xFFFFFF80  }
0x107: {  	_ =	swait.ge [sflag:s13], $0x80  }
0x108: {  	[sflag:s13] =	ssyncset.done $0x0  }
0x109: {  	[sflag:s13] =	ssyncadd.s32 $0xFFFFFF80  }
0x10a: {  	_ =	swait.ge [sflag:s13], $0x80  }
0x10b: {  	[sflag:s13] =	ssyncset.done $0x0  }
0x10c: {  	[sflag:s13] =	ssyncadd.s32 $0xFFFFFF80  }
0x10d: {  	_ =	swait.ge [sflag:s13], $0x80  }
0x10e: {  	[sflag:s13] =	ssyncset.done $0x0  }
0x10f: {  	[sflag:s13] =	ssyncadd.s32 $0xFFFFFF80  }
0x110: {  	_ =	swait.ge [sflag:s13], $0x80  }
0x111: {  	[sflag:s13] =	ssyncset.done $0x0  }
0x112: {  	[sflag:s13] =	ssyncadd.s32 $0xFFFFFF80  }
0x113: {  	_ =	swait.ge [sflag:s13], $0x80  }
0x114: {  	[sflag:s13] =	ssyncset.done $0x0  }
0x115: {  	[sflag:s13] =	ssyncadd.s32 $0xFFFFFF80  }
0x116: {  	_ =	swait.ge [sflag:s13], $0x80  }
0x117: {  	s18 =	simm.s32 $0x2000;
	s17 =	simm.s32 $0x400;
	[sflag:s13] =	ssyncset.done $0x0  }
.LBB2_5:
0x118: {  	s19 =	sadd.s32 $0x200, s17  }
0x119: {  	[sflag:s13] =	ssyncadd.s32 $0xFFFFFF80;
	s16 =	smov.u32 s18;
	s15 =	sadd.s32 $0x1000, s18  }
0x11a: {  	[spmem:s2] =	stream.indirect.scatter.add.f32 [tilespmem:s12], [sflag:$0x1], $0x1, s19, s11, $0xb8;
	[tilespmem:$0x9A80] =	vst v63  }
0x11b: {  	p2 =	seq.s32 s18, $0x18000;
	s18 =	sadd.s32 $0x280, s17  }
0x11c: {  	[spmem:s2] =	stream.indirect.scatter.add.f32 [tilespmem:s12], [sflag:$0x1], $0x1, s18, s11, $0xb8;
	[tilespmem:$0x9A80] =	vst v63  }
0x11d: {  	s18 =	sadd.s32 $0x300, s17  }
0x11e: {  	[spmem:s2] =	stream.indirect.scatter.add.f32 [tilespmem:s12], [sflag:$0x1], $0x1, s18, s11, $0xb8;
	[tilespmem:$0x9A80] =	vst v63  }
0x11f: {  	s18 =	sadd.s32 $0x380, s17  }
0x120: {  	[spmem:s2] =	stream.indirect.scatter.add.f32 [tilespmem:s12], [sflag:$0x1], $0x1, s18, s11, $0xb8;
	[tilespmem:$0x9A80] =	vst v63  }
0x121: {  	s18 =	sadd.s32 $0x400, s17  }
0x122: {  	[spmem:s2] =	stream.indirect.scatter.add.f32 [tilespmem:s12], [sflag:$0x1], $0x1, s18, s11, $0xb8;
	[tilespmem:$0x9A80] =	vst v63  }
0x123: {  	s18 =	sadd.s32 $0x480, s17  }
0x124: {  	[spmem:s2] =	stream.indirect.scatter.add.f32 [tilespmem:s12], [sflag:$0x1], $0x1, s18, s11, $0xb8;
	[tilespmem:$0x9A80] =	vst v63  }
0x125: {  	s18 =	sadd.s32 $0x500, s17  }
0x126: {  	[spmem:s2] =	stream.indirect.scatter.add.f32 [tilespmem:s12], [sflag:$0x1], $0x1, s18, s11, $0xb8;
	[tilespmem:$0x9A80] =	vst v63  }
0x127: {  	s17 =	sadd.s32 $0x580, s17  }
0x128: {  	[spmem:s2] =	stream.indirect.scatter.add.f32 [tilespmem:s12], [sflag:$0x1], $0x1, s17, s11, $0xb8;
	[tilespmem:$0x9A80] =	vst v63  }
0x129: {  	_ =	swait.ge [sflag:s13], $0x80  }
0x12a: {  	[sflag:s13] =	ssyncset.done $0x0  }
0x12b: {  	[sflag:s13] =	ssyncadd.s32 $0xFFFFFF80  }
0x12c: {  	_ =	swait.ge [sflag:s13], $0x80  }
0x12d: {  	[sflag:s13] =	ssyncset.done $0x0  }
0x12e: {  	[sflag:s13] =	ssyncadd.s32 $0xFFFFFF80  }
0x12f: {  	_ =	swait.ge [sflag:s13], $0x80  }
0x130: {  	[sflag:s13] =	ssyncset.done $0x0  }
0x131: {  	[sflag:s13] =	ssyncadd.s32 $0xFFFFFF80  }
0x132: {  	_ =	swait.ge [sflag:s13], $0x80  }
0x133: {  	[sflag:s13] =	ssyncset.done $0x0  }
0x134: {  	[sflag:s13] =	ssyncadd.s32 $0xFFFFFF80  }
0x135: {  	_ =	swait.ge [sflag:s13], $0x80  }
0x136: {  	[sflag:s13] =	ssyncset.done $0x0  }
0x137: {  	[sflag:s13] =	ssyncadd.s32 $0xFFFFFF80  }
0x138: {  	_ =	swait.ge [sflag:s13], $0x80  }
0x139: {  	[sflag:s13] =	ssyncset.done $0x0  }
0x13a: {  	[sflag:s13] =	ssyncadd.s32 $0xFFFFFF80  }
.Ltmp6:
0x13b: {  	_ =	swait.ge [sflag:s13], $0x80;
	(pc) =	sbr.rel @!p2 .LBB2_5-.Ltmp6, $4  }
0x13c: {  	[sflag:s13] =	ssyncset.done $0x0  }
0x13d: {  	[sflag:s13] =	ssyncadd.s32 $0xFFFFFF80  }
0x13e: {  	_ =	swait.ge [sflag:s13], $0x80  }
0x13f: {  	s18 =	smov.u32 s15;
	s17 =	sshra.s32 s16, $0x2;
	[sflag:s13] =	ssyncset.done $0x0  }
.Ltmp7:
0x140: {  	_ = 	snop;
	(pc) =	sbr.rel .LBB2_6-.Ltmp7, $1  }
0x141: {  	_ =	sdelay $0x3  }
.LBB2_11:
0x142: {  	_ =	sfence.sel $0x180000  }
0x143: {  	[bflag:$0x0] =	sbarrier.arrive $0xFFFF  }
0x144: {  	p0 =	sne.s32 s1, $0x0;
	_ =	strace $0x9000004A  }
0x145: {  	s0 =	sadd.s32 @!p0 $0x100000, s0;
	[bflag:$0x2] =	sbarrier.arrive $0xFFFF  }
0x146: {  	[sflag:s0] =	ssyncadd.tile.s32 @!p0 $0x1;
	_ =	shalt  }
.Lfunc_end2:
_tile_overlayer_lowered:
.L_overlay_start_2:
0x147: {  	(tag) =	ssettag $0x2  }
0x148: {  	s0 =	rddreg [dreg:$0x0];
	s2 =	stileid.u32  }
0x149: {  	s1 =	rddreg [dreg:$0x1];
	p0 =	sne.s32 s2, $0x0  }
0x14a: {  	s3 =	rddreg [dreg:$0x2];
	[bflag:$0x3] =	sbarrier.arrive $0xFFFF;
	s2 =	simm.s32 @!p0 $0x1C02  }
0x14b: {  	[timem:s3], [sflag:s2] =	dma.local @!p0 [hbm:s0], s1  }
0x14c: {  	s0 =	simm.s32 @!p0 $0x2  }
0x14d: {  	_ =	swait.ge @!p0 [sflag:s0], s1  }
0x14e: {  	s1 =	ssub.s32 @!p0 $0x0, s1;
	[sflag:s0] =	ssyncset.done @!p0 $0x0  }
0x14f: {  	[sflag:s0] =	ssyncadd.s32 @!p0 s1  }
0x150: {  	[bflag:$0x3] =	sbarrier.arrive $0xFFFF  }
0x151: {  	_ =	shalt  }

</sc_bundles>
